<compile_context>
chip_gen: v7x
topology: tpu7x:2x2x1
jax: 0.10.2.dev20260603
libtpu: 0.0.44.dev20260713+nightly
codegen_flags: <defaults>
</compile_context>

<pallas_src>
import functools

import jax
import jax.numpy as jnp
from jax import lax
from jax.experimental import pallas as pl
from jax.experimental.pallas import tpu as pltpu
from jax.experimental.pallas import tpu_sc as plsc

B, D, L, H = 2048, 1024, 768, 8
BLK = 256
NBLK = B // BLK
NCH = B // BLK
SCALE = 0.0159


def _prep_compute(sct, tct, sca, tca, pos_ref, offs_ref):
    r = lax.broadcasted_iota(jnp.int32, (BLK, BLK), 0)
    c = lax.broadcasted_iota(jnp.int32, (BLK, BLK), 1)
    tril = (r >= c).astype(jnp.bfloat16)
    r8 = lax.broadcasted_iota(jnp.int32, (H, H), 0)
    c8 = lax.broadcasted_iota(jnp.int32, (H, H), 1)
    stril8 = (r8 > c8).astype(jnp.bfloat16)
    col8 = lax.broadcasted_iota(jnp.int32, (B, H), 1)

    for k, ctx_ref in enumerate((sct, sca, tct, tca)):
        ids = jnp.argmax(ctx_ref[...], axis=1).astype(jnp.int32)
        m = (col8 == ids[:, None]).astype(jnp.bfloat16)
        ranks = []
        totals = []
        for ch in range(NCH):
            rank_ch = lax.dot_general(tril, m[ch * BLK:(ch + 1) * BLK],
                                      (((1,), (0,)), ((), ())),
                                      preferred_element_type=jnp.float32)
            ranks.append(rank_ch)
            totals.append(rank_ch[BLK - 1:BLK, :])
        tot = jnp.concatenate(totals, axis=0)
        carry = lax.dot_general(stril8, tot.astype(jnp.bfloat16),
                                (((1,), (0,)), ((), ())),
                                preferred_element_type=jnp.float32)
        counts = carry[H - 1:H, :] + tot[H - 1:H, :]
        cols = [jnp.zeros((1, 1), jnp.float32)]
        acc = jnp.zeros((1, 1), jnp.float32)
        for h in range(1, H):
            acc = acc + counts[:, h - 1:h]
            cols.append(acc)
        offs = jnp.concatenate(cols, axis=1)
        rank = jnp.concatenate(
            [ranks[ch] + carry[ch:ch + 1, :] for ch in range(NCH)], axis=0)
        slot = jnp.sum(m.astype(jnp.float32) * (offs + rank - 1.0),
                       axis=1, keepdims=True)
        pos_ref[:, k:k + 1] = slot.astype(jnp.int32)
        offs_ref[k] = offs.astype(jnp.int32)


def _tc1_body(x_ref, sct, tct, sca, tca, wb, wet, wea,
              pos_ref, offs_ref, base_ref, sht_ref, sha_ref):
    i = pl.program_id(0)

    @pl.when(i == 0)
    def _():
        _prep_compute(sct, tct, sca, tca, pos_ref, offs_ref)

    @pl.when(i > 0)
    def _():
        xb = x_ref[...].astype(jnp.bfloat16)
        h_base = lax.dot_general(xb, wb[...], (((1,), (1,)), ((), ())),
                                 preferred_element_type=jnp.float32)
        base_ref[...] = lax.dot_general(h_base.astype(jnp.bfloat16), wb[...],
                                        (((1,), (0,)), ((), ())),
                                        preferred_element_type=jnp.float32)
        sht_ref[...] = lax.dot_general(xb, wet[...], (((1,), (1,)), ((), ())),
                                       preferred_element_type=jnp.float32)
        sha_ref[...] = lax.dot_general(xb, wea[...], (((1,), (1,)), ((), ())),
                                       preferred_element_type=jnp.float32)


def _tc1(expr, sct, tct, sca, tca, wb, wet, wea):
    rowm = lambda i: (jnp.maximum(i - 1, 0), 0)
    full = lambda i: (0, 0)
    return pl.pallas_call(
        _tc1_body,
        grid=(NBLK + 1,),
        in_specs=[pl.BlockSpec((BLK, D), rowm),
                  pl.BlockSpec((B, H), full),
                  pl.BlockSpec((B, H), full),
                  pl.BlockSpec((B, H), full),
                  pl.BlockSpec((B, H), full),
                  pl.BlockSpec((L, D), full),
                  pl.BlockSpec((L, D), full),
                  pl.BlockSpec((L, D), full)],
        out_specs=[pl.BlockSpec((B, 4), full),
                   pl.BlockSpec((4, 1, H), lambda i: (0, 0, 0)),
                   pl.BlockSpec((BLK, D), rowm),
                   pl.BlockSpec((BLK, L), rowm),
                   pl.BlockSpec((BLK, L), rowm)],
        out_shape=[jax.ShapeDtypeStruct((B, 4), jnp.int32),
                   jax.ShapeDtypeStruct((4, 1, H), jnp.int32),
                   jax.ShapeDtypeStruct((B, D), jnp.float32),
                   jax.ShapeDtypeStruct((B, L), jnp.float32),
                   jax.ShapeDtypeStruct((B, L), jnp.float32)],
    )(expr, sct, tct, sca, tca, wb, wet, wea)


_MESH = plsc.VectorSubcoreMesh(core_axis_name="c", subcore_axis_name="s")
_NW = 32
_CH = B // _NW


def _wid():
    return lax.axis_index("s") * 2 + lax.axis_index("c")


@functools.partial(
    pl.kernel, mesh=_MESH,
    out_type=jax.ShapeDtypeStruct((B, L), jnp.float32),
    scratch_types=[pltpu.VMEM((_CH,), jnp.int32),
                   pltpu.VMEM((_CH, L), jnp.float32),
                   pltpu.SemaphoreType.DMA],
)
def _sc_sort(src, p1, out, idx_v, rows_v, sem):
    base = _wid() * _CH
    pltpu.sync_copy(p1.at[pl.ds(base, _CH)], idx_v)
    pltpu.sync_copy(src.at[pl.ds(base, _CH)], rows_v)
    pltpu.async_copy(rows_v, out.at[idx_v], sem).wait()


@functools.partial(
    pl.kernel, mesh=_MESH,
    out_type=jax.ShapeDtypeStruct((B, L), jnp.float32),
    scratch_types=[pltpu.VMEM((_CH,), jnp.int32),
                   pltpu.VMEM((_CH,), jnp.int32),
                   pltpu.VMEM((_CH, L), jnp.float32),
                   pltpu.SemaphoreType.DMA],
)
def _sc_resort(src, p1, p2, out, idx1_v, idx2_v, rows_v, sem):
    base = _wid() * _CH
    pltpu.sync_copy(p1.at[pl.ds(base, _CH)], idx1_v)
    pltpu.sync_copy(p2.at[pl.ds(base, _CH)], idx2_v)
    pltpu.async_copy(src.at[idx1_v], rows_v, sem).wait()
    pltpu.async_copy(rows_v, out.at[idx2_v], sem).wait()


@functools.partial(
    pl.kernel, mesh=_MESH,
    out_type=jax.ShapeDtypeStruct((B, L), jnp.float32),
    scratch_types=[pltpu.VMEM((_CH,), jnp.int32),
                   pltpu.VMEM((_CH, L), jnp.float32),
                   pltpu.SemaphoreType.DMA],
)
def _sc_unsort(src, p2, out, idx_v, rows_v, sem):
    base = _wid() * _CH
    pltpu.sync_copy(p2.at[pl.ds(base, _CH)], idx_v)
    pltpu.async_copy(src.at[idx_v], rows_v, sem).wait()
    pltpu.sync_copy(rows_v, out.at[pl.ds(base, _CH)])


def _grouped_body(x_ref, wh_ref, offs_ref, o_ref):
    i = pl.program_id(0)
    s0 = i * BLK
    slots = lax.broadcasted_iota(jnp.int32, (BLK, H), 0) + s0
    ge = (slots >= offs_ref[0]).astype(jnp.int32)
    id_col = jnp.sum(ge, axis=1, keepdims=True) - 1
    lo = jnp.min(id_col)
    hi = jnp.max(id_col)
    xb = x_ref[...].astype(jnp.bfloat16)

    def body(c, acc):
        p = lax.dot_general(xb, wh_ref[c], (((1,), (1,)), ((), ())),
                            preferred_element_type=jnp.float32)
        return acc + jnp.where(id_col == c, p, 0.0)

    o_ref[...] = lax.fori_loop(lo, hi + 1, body,
                               jnp.zeros((BLK, L), jnp.float32))


def _grouped(x_sorted, wh, offs, offs_row):
    row = lambda i: (i, 0)
    return pl.pallas_call(
        _grouped_body,
        grid=(NBLK,),
        in_specs=[pl.BlockSpec((BLK, L), row),
                  pl.BlockSpec((H, L, L), lambda i: (0, 0, 0)),
                  pl.BlockSpec((1, 1, H), lambda i: (offs_row, 0, 0))],
        out_specs=pl.BlockSpec((BLK, L), row),
        out_shape=jax.ShapeDtypeStruct((B, L), jnp.float32),
    )(x_sorted, wh, offs)


def _tc4_body(base_ref, dt_ref, da_ref, wdt, wda, o_ref):
    ct = lax.dot_general(dt_ref[...].astype(jnp.bfloat16), wdt[...],
                         (((1,), (1,)), ((), ())),
                         preferred_element_type=jnp.float32)
    ca = lax.dot_general(da_ref[...].astype(jnp.bfloat16), wda[...],
                         (((1,), (1,)), ((), ())),
                         preferred_element_type=jnp.float32)
    o_ref[...] = base_ref[...] + SCALE * ct + SCALE * ca


def _tc4(out_base, dec_t, dec_a, wdt, wda):
    row = lambda i: (i, 0)
    full = lambda i: (0, 0)
    return pl.pallas_call(
        _tc4_body,
        grid=(NBLK,),
        in_specs=[pl.BlockSpec((BLK, D), row),
                  pl.BlockSpec((BLK, L), row),
                  pl.BlockSpec((BLK, L), row),
                  pl.BlockSpec((D, L), full),
                  pl.BlockSpec((D, L), full)],
        out_specs=pl.BlockSpec((BLK, D), row),
        out_shape=jax.ShapeDtypeStruct((B, D), jnp.float32),
    )(out_base, dec_t, dec_a, wdt, wda)


def kernel(expr, src_ctx_tissue, tgt_ctx_tissue, src_ctx_assay, tgt_ctx_assay,
           W_base, W_enc_tissue, W_dec_tissue, W_heads_tissue,
           W_enc_assay, W_dec_assay, W_heads_assay):
    bf = jnp.bfloat16
    wb = W_base.astype(bf)
    wet = W_enc_tissue.astype(bf)
    wea = W_enc_assay.astype(bf)
    wdt = W_dec_tissue.astype(bf)
    wda = W_dec_assay.astype(bf)
    wht = W_heads_tissue.astype(bf)
    wha = W_heads_assay.astype(bf)

    pos4, offs, out_base, sh_t, sh_a = _tc1(
        expr, src_ctx_tissue, tgt_ctx_tissue, src_ctx_assay, tgt_ctx_assay,
        wb, wet, wea)
    p1_t, p1_a = pos4[:, 0], pos4[:, 1]
    p2_t, p2_a = pos4[:, 2], pos4[:, 3]

    srt_t = _sc_sort(sh_t, p1_t)
    srt_a = _sc_sort(sh_a, p1_a)
    r1_t = _grouped(srt_t, wht, offs, 0)
    r1_a = _grouped(srt_a, wha, offs, 1)
    rs_t = _sc_resort(r1_t, p1_t, p2_t)
    rs_a = _sc_resort(r1_a, p1_a, p2_a)
    r2_t = _grouped(rs_t, wht, offs, 2)
    r2_a = _grouped(rs_a, wha, offs, 3)
    dec_t = _sc_unsort(r2_t, p2_t)
    dec_a = _sc_unsort(r2_a, p2_a)
    return _tc4(out_base, dec_t, dec_a, wdt, wda)

# --- scband reference (transcript-rebuilt; emitter-appended) ---
"""Pipeline reference for scband-cae-21242908246023 (READ-ONLY COPY).

The authoritative reference and input builder live on the scoring server;
editing this copy changes nothing except your own understanding.
"""

import jax, jax.numpy as jnp
import numpy as np

B = 2048
D = 1024   # input_dim
L = 768    # latent_dim
CARD_TISSUE = 8
CARD_ASSAY = 8


def _init_linear(key, out_dim, in_dim):
    # mirrors CAE._weight_init: uniform(0,1) then column-normalize (dim=0)
    W = jax.random.uniform(key, (out_dim, in_dim), dtype=jnp.float32)
    norms = jnp.sqrt(jnp.sum(W * W, axis=0, keepdims=True))
    norms = jnp.maximum(norms, 1e-12)
    return W / norms


def setup_inputs(seed: int = 0) -> dict:
    key = jax.random.key(seed)
    keys = jax.random.split(key, 16)
    inp = {}
    inp["expr"] = jax.random.normal(keys[0], (B, D), dtype=jnp.float32)
    # one-hot-ish context tensors; only argmax matters
    inp["src_ctx_tissue"] = jax.random.uniform(keys[1], (B, CARD_TISSUE), dtype=jnp.float32)
    inp["tgt_ctx_tissue"] = jax.random.uniform(keys[2], (B, CARD_TISSUE), dtype=jnp.float32)
    inp["src_ctx_assay"] = jax.random.uniform(keys[3], (B, CARD_ASSAY), dtype=jnp.float32)
    inp["tgt_ctx_assay"] = jax.random.uniform(keys[4], (B, CARD_ASSAY), dtype=jnp.float32)
    # parameters (torch Linear weight layout: [out_features, in_features])
    inp["W_base"] = _init_linear(keys[5], L, D)
    inp["W_enc_tissue"] = _init_linear(keys[6], L, D)
    inp["W_dec_tissue"] = _init_linear(keys[7], D, L)
    inp["W_heads_tissue"] = jnp.stack([_init_linear(k, L, L) for k in jax.random.split(keys[8], CARD_TISSUE)])
    inp["W_enc_assay"] = _init_linear(keys[9], L, D)
    inp["W_dec_assay"] = _init_linear(keys[10], D, L)
    inp["W_heads_assay"] = jnp.stack([_init_linear(k, L, L) for k in jax.random.split(keys[11], CARD_ASSAY)])
    return inp


def _apply_heads_by_context(x, ctx, W_heads):
    # context_ids = argmax over context one-hot; route token b through head ids[b]
    ids = jnp.argmax(ctx, axis=1)
    out = jnp.zeros((x.shape[0], W_heads.shape[1]), dtype=x.dtype)
    for c in range(W_heads.shape[0]):
        mask = (ids == c)[:, None].astype(x.dtype)
        out = out + mask * (x @ W_heads[c].T)
    return out


def reference(expr, src_ctx_tissue, tgt_ctx_tissue, src_ctx_assay, tgt_ctx_assay,
              W_base, W_enc_tissue, W_dec_tissue, W_heads_tissue,
              W_enc_assay, W_dec_assay, W_heads_assay):
    h_base = expr @ W_base.T                      # base_encoder
    X_st = h_base @ W_base                        # head_logits['base']
    fields = [
        (src_ctx_tissue, tgt_ctx_tissue, W_enc_tissue, W_dec_tissue, W_heads_tissue),
        (src_ctx_assay, tgt_ctx_assay, W_enc_assay, W_dec_assay, W_heads_assay),
    ]
    for sc, tc, W_enc, W_dec, W_heads in fields:
        shared = expr @ W_enc.T                   # shared_meta_encoders[field]
        h = _apply_heads_by_context(shared, sc, W_heads)
        dec = _apply_heads_by_context(h, tc, W_heads)
        X_st = X_st + (dec @ W_dec.T) * 0.0159    # shared_meta_decoders[field]
    return X_st

if __name__ == "__main__":
    import jax
    _d = setup_inputs()
    print(jax.jit(kernel)(*tuple(_d.values())))

</pallas_src>

<mosaic_0001>
#map = affine_map<(d0, d1) -> (0, 0)>
#map1 = affine_map<(d0, d1) -> (0)>
module attributes {stable_mosaic.version = 14 : i64} {
  func.func @_sc_sort(%arg0: i32, %arg1: i32, %arg2: memref<2048x768xf32, #tpu.memory_space<hbm>>, %arg3: memref<2048xi32, #tpu.memory_space<hbm>>, %arg4: memref<2048x768xf32, #tpu.memory_space<hbm>>, %arg5: memref<64xi32, #tpu.memory_space<vmem>>, %arg6: memref<64x768xf32, #tpu.memory_space<vmem>>, %arg7: memref<!tpu.dma_semaphore, #tpu.memory_space<semaphore_mem>>) attributes {dimension_semantics = [#tpu.dimension_semantics<core_parallel>, #tpu.dimension_semantics<subcore_parallel>], iteration_bounds = array<i64: 2, 16>, scalar_prefetch = 0 : i64, scratch_operands = 3 : i64, tpu.core_type = #tpu.core_type<sc_vector_subcore>, window_params = [{transform_indices = #map}, {transform_indices = #map1}, {transform_indices = #map}]} {
    %mul3A = arith.constant 2 : i32
    %mul3A_0 = arith.muli %arg1, %mul3A : i32
    %add3A = arith.addi %mul3A_0, %arg0 : i32
    %mul3A_1 = arith.constant 64 : i32
    %mul3A_2 = arith.muli %add3A, %mul3A_1 : i32
    "tpu.region"() ({
      %run_scoped3A = tpu.sem_alloc : memref<!tpu.dma_semaphore, #tpu.memory_space<semaphore_mem>>
      %dma_start3A_7 = tpu.memref_slice %arg3[%mul3A_2] : memref<2048xi32, #tpu.memory_space<hbm>> -> memref<64xi32, #tpu.memory_space<hbm>>
      %dma_start3A_8 = tpu.memref_slice %arg3[%mul3A_2] : memref<2048xi32, #tpu.memory_space<hbm>> -> memref<64xi32, #tpu.memory_space<hbm>>
      tpu.enqueue_dma source(%dma_start3A_8 : memref<64xi32, #tpu.memory_space<hbm>>) target(%arg5 : memref<64xi32, #tpu.memory_space<vmem>>) target_semaphore(%run_scoped3A : memref<!tpu.dma_semaphore, #tpu.memory_space<semaphore_mem>>)
      %dma_wait3A_9 = tpu.memref_slice %arg3[%mul3A_2] : memref<2048xi32, #tpu.memory_space<hbm>> -> memref<64xi32, #tpu.memory_space<hbm>>
      %dma_wait3A_10 = tpu.memref_slice %arg3[%mul3A_2] : memref<2048xi32, #tpu.memory_space<hbm>> -> memref<64xi32, #tpu.memory_space<hbm>>
      tpu.wait_dma2 semaphore(%run_scoped3A : memref<!tpu.dma_semaphore, #tpu.memory_space<semaphore_mem>>) src(%dma_wait3A_10 : memref<64xi32, #tpu.memory_space<hbm>>) dst(%arg5 : memref<64xi32, #tpu.memory_space<vmem>>)
      tpu.yield
    }) : () -> ()
    "tpu.region"() ({
      %run_scoped3A = tpu.sem_alloc : memref<!tpu.dma_semaphore, #tpu.memory_space<semaphore_mem>>
      %dma_start3A_7 = arith.constant 0 : i32
      %dma_start3A_8 = tpu.memref_slice %arg2[%mul3A_2, %dma_start3A_7] : memref<2048x768xf32, #tpu.memory_space<hbm>> -> memref<64x768xf32, #tpu.memory_space<hbm>>
      %dma_start3A_9 = arith.constant 0 : i32
      %dma_start3A_10 = tpu.memref_slice %arg2[%mul3A_2, %dma_start3A_9] : memref<2048x768xf32, #tpu.memory_space<hbm>> -> memref<64x768xf32, #tpu.memory_space<hbm>>
      tpu.enqueue_dma source(%dma_start3A_10 : memref<64x768xf32, #tpu.memory_space<hbm>>) target(%arg6 : memref<64x768xf32, #tpu.memory_space<vmem>>) target_semaphore(%run_scoped3A : memref<!tpu.dma_semaphore, #tpu.memory_space<semaphore_mem>>)
      %dma_wait3A_11 = arith.constant 0 : i32
      %dma_wait3A_12 = tpu.memref_slice %arg2[%mul3A_2, %dma_wait3A_11] : memref<2048x768xf32, #tpu.memory_space<hbm>> -> memref<64x768xf32, #tpu.memory_space<hbm>>
      %dma_wait3A_13 = arith.constant 0 : i32
      %dma_wait3A_14 = tpu.memref_slice %arg2[%mul3A_2, %dma_wait3A_13] : memref<2048x768xf32, #tpu.memory_space<hbm>> -> memref<64x768xf32, #tpu.memory_space<hbm>>
      tpu.wait_dma2 semaphore(%run_scoped3A : memref<!tpu.dma_semaphore, #tpu.memory_space<semaphore_mem>>) src(%dma_wait3A_14 : memref<64x768xf32, #tpu.memory_space<hbm>>) dst(%arg6 : memref<64x768xf32, #tpu.memory_space<vmem>>)
      tpu.yield
    }) : () -> ()
    %dma_start3A = arith.constant 0 : i32
    %dma_start3A_3 = arith.constant 0 : i32
    %dma_start3A_4 = tpu.memref_slice %arg4[%dma_start3A, %dma_start3A_3] : memref<2048x768xf32, #tpu.memory_space<hbm>> -> memref<2048x768xf32, #tpu.memory_space<hbm>>
    tpu.enqueue_indirect_dma source(%arg6 : memref<64x768xf32, #tpu.memory_space<vmem>>) target(%dma_start3A_4 : memref<2048x768xf32, #tpu.memory_space<hbm>>) offsets(%arg5 : memref<64xi32, #tpu.memory_space<vmem>>) semaphore(%arg7 : memref<!tpu.dma_semaphore, #tpu.memory_space<semaphore_mem>>)
    %dma_wait3A = arith.constant 0 : i32
    %dma_wait3A_5 = arith.constant 0 : i32
    %dma_wait3A_6 = tpu.memref_slice %arg4[%dma_wait3A, %dma_wait3A_5] : memref<2048x768xf32, #tpu.memory_space<hbm>> -> memref<2048x768xf32, #tpu.memory_space<hbm>>
    tpu.wait_indirect_dma semaphore(%arg7 : memref<!tpu.dma_semaphore, #tpu.memory_space<semaphore_mem>>) src(%arg6 : memref<64x768xf32, #tpu.memory_space<vmem>>) dst(%dma_wait3A_6 : memref<2048x768xf32, #tpu.memory_space<hbm>>)
    return
  }
}

#map = affine_map<(d0, d1) -> (0, 0)>
#map1 = affine_map<(d0, d1) -> (0)>
module attributes {stable_mosaic.version = 14 : i64} {
  func.func @_sc_resort(%arg0: i32, %arg1: i32, %arg2: memref<2048x768xf32, #tpu.memory_space<hbm>>, %arg3: memref<2048xi32, #tpu.memory_space<hbm>>, %arg4: memref<2048xi32, #tpu.memory_space<hbm>>, %arg5: memref<2048x768xf32, #tpu.memory_space<hbm>>, %arg6: memref<64xi32, #tpu.memory_space<vmem>>, %arg7: memref<64xi32, #tpu.memory_space<vmem>>, %arg8: memref<64x768xf32, #tpu.memory_space<vmem>>, %arg9: memref<!tpu.dma_semaphore, #tpu.memory_space<semaphore_mem>>) attributes {dimension_semantics = [#tpu.dimension_semantics<core_parallel>, #tpu.dimension_semantics<subcore_parallel>], iteration_bounds = array<i64: 2, 16>, scalar_prefetch = 0 : i64, scratch_operands = 4 : i64, tpu.core_type = #tpu.core_type<sc_vector_subcore>, window_params = [{transform_indices = #map}, {transform_indices = #map1}, {transform_indices = #map1}, {transform_indices = #map}]} {
    %mul3A = arith.constant 2 : i32
    %mul3A_0 = arith.muli %arg1, %mul3A : i32
    %add3A = arith.addi %mul3A_0, %arg0 : i32
    %mul3A_1 = arith.constant 64 : i32
    %mul3A_2 = arith.muli %add3A, %mul3A_1 : i32
    "tpu.region"() ({
      %run_scoped3A = tpu.sem_alloc : memref<!tpu.dma_semaphore, #tpu.memory_space<semaphore_mem>>
      %dma_start3A_13 = tpu.memref_slice %arg3[%mul3A_2] : memref<2048xi32, #tpu.memory_space<hbm>> -> memref<64xi32, #tpu.memory_space<hbm>>
      %dma_start3A_14 = tpu.memref_slice %arg3[%mul3A_2] : memref<2048xi32, #tpu.memory_space<hbm>> -> memref<64xi32, #tpu.memory_space<hbm>>
      tpu.enqueue_dma source(%dma_start3A_14 : memref<64xi32, #tpu.memory_space<hbm>>) target(%arg6 : memref<64xi32, #tpu.memory_space<vmem>>) target_semaphore(%run_scoped3A : memref<!tpu.dma_semaphore, #tpu.memory_space<semaphore_mem>>)
      %dma_wait3A_15 = tpu.memref_slice %arg3[%mul3A_2] : memref<2048xi32, #tpu.memory_space<hbm>> -> memref<64xi32, #tpu.memory_space<hbm>>
      %dma_wait3A_16 = tpu.memref_slice %arg3[%mul3A_2] : memref<2048xi32, #tpu.memory_space<hbm>> -> memref<64xi32, #tpu.memory_space<hbm>>
      tpu.wait_dma2 semaphore(%run_scoped3A : memref<!tpu.dma_semaphore, #tpu.memory_space<semaphore_mem>>) src(%dma_wait3A_16 : memref<64xi32, #tpu.memory_space<hbm>>) dst(%arg6 : memref<64xi32, #tpu.memory_space<vmem>>)
      tpu.yield
    }) : () -> ()
    "tpu.region"() ({
      %run_scoped3A = tpu.sem_alloc : memref<!tpu.dma_semaphore, #tpu.memory_space<semaphore_mem>>
      %dma_start3A_13 = tpu.memref_slice %arg4[%mul3A_2] : memref<2048xi32, #tpu.memory_space<hbm>> -> memref<64xi32, #tpu.memory_space<hbm>>
      %dma_start3A_14 = tpu.memref_slice %arg4[%mul3A_2] : memref<2048xi32, #tpu.memory_space<hbm>> -> memref<64xi32, #tpu.memory_space<hbm>>
      tpu.enqueue_dma source(%dma_start3A_14 : memref<64xi32, #tpu.memory_space<hbm>>) target(%arg7 : memref<64xi32, #tpu.memory_space<vmem>>) target_semaphore(%run_scoped3A : memref<!tpu.dma_semaphore, #tpu.memory_space<semaphore_mem>>)
      %dma_wait3A_15 = tpu.memref_slice %arg4[%mul3A_2] : memref<2048xi32, #tpu.memory_space<hbm>> -> memref<64xi32, #tpu.memory_space<hbm>>
      %dma_wait3A_16 = tpu.memref_slice %arg4[%mul3A_2] : memref<2048xi32, #tpu.memory_space<hbm>> -> memref<64xi32, #tpu.memory_space<hbm>>
      tpu.wait_dma2 semaphore(%run_scoped3A : memref<!tpu.dma_semaphore, #tpu.memory_space<semaphore_mem>>) src(%dma_wait3A_16 : memref<64xi32, #tpu.memory_space<hbm>>) dst(%arg7 : memref<64xi32, #tpu.memory_space<vmem>>)
      tpu.yield
    }) : () -> ()
    %dma_start3A = arith.constant 0 : i32
    %dma_start3A_3 = arith.constant 0 : i32
    %dma_start3A_4 = tpu.memref_slice %arg2[%dma_start3A, %dma_start3A_3] : memref<2048x768xf32, #tpu.memory_space<hbm>> -> memref<2048x768xf32, #tpu.memory_space<hbm>>
    tpu.enqueue_indirect_dma source(%dma_start3A_4 : memref<2048x768xf32, #tpu.memory_space<hbm>>) target(%arg8 : memref<64x768xf32, #tpu.memory_space<vmem>>) offsets(%arg6 : memref<64xi32, #tpu.memory_space<vmem>>) semaphore(%arg9 : memref<!tpu.dma_semaphore, #tpu.memory_space<semaphore_mem>>)
    %dma_wait3A = arith.constant 0 : i32
    %dma_wait3A_5 = arith.constant 0 : i32
    %dma_wait3A_6 = tpu.memref_slice %arg2[%dma_wait3A, %dma_wait3A_5] : memref<2048x768xf32, #tpu.memory_space<hbm>> -> memref<2048x768xf32, #tpu.memory_space<hbm>>
    tpu.wait_indirect_dma semaphore(%arg9 : memref<!tpu.dma_semaphore, #tpu.memory_space<semaphore_mem>>) src(%dma_wait3A_6 : memref<2048x768xf32, #tpu.memory_space<hbm>>) dst(%arg8 : memref<64x768xf32, #tpu.memory_space<vmem>>)
    %dma_start3A_7 = arith.constant 0 : i32
    %dma_start3A_8 = arith.constant 0 : i32
    %dma_start3A_9 = tpu.memref_slice %arg5[%dma_start3A_7, %dma_start3A_8] : memref<2048x768xf32, #tpu.memory_space<hbm>> -> memref<2048x768xf32, #tpu.memory_space<hbm>>
    tpu.enqueue_indirect_dma source(%arg8 : memref<64x768xf32, #tpu.memory_space<vmem>>) target(%dma_start3A_9 : memref<2048x768xf32, #tpu.memory_space<hbm>>) offsets(%arg7 : memref<64xi32, #tpu.memory_space<vmem>>) semaphore(%arg9 : memref<!tpu.dma_semaphore, #tpu.memory_space<semaphore_mem>>)
    %dma_wait3A_10 = arith.constant 0 : i32
    %dma_wait3A_11 = arith.constant 0 : i32
    %dma_wait3A_12 = tpu.memref_slice %arg5[%dma_wait3A_10, %dma_wait3A_11] : memref<2048x768xf32, #tpu.memory_space<hbm>> -> memref<2048x768xf32, #tpu.memory_space<hbm>>
    tpu.wait_indirect_dma semaphore(%arg9 : memref<!tpu.dma_semaphore, #tpu.memory_space<semaphore_mem>>) src(%arg8 : memref<64x768xf32, #tpu.memory_space<vmem>>) dst(%dma_wait3A_12 : memref<2048x768xf32, #tpu.memory_space<hbm>>)
    return
  }
}

#map = affine_map<(d0, d1) -> (0, 0)>
#map1 = affine_map<(d0, d1) -> (0)>
module attributes {stable_mosaic.version = 14 : i64} {
  func.func @_sc_sort(%arg0: i32, %arg1: i32, %arg2: memref<2048x768xf32, #tpu.memory_space<hbm>>, %arg3: memref<2048xi32, #tpu.memory_space<hbm>>, %arg4: memref<2048x768xf32, #tpu.memory_space<hbm>>, %arg5: memref<64xi32, #tpu.memory_space<vmem>>, %arg6: memref<64x768xf32, #tpu.memory_space<vmem>>, %arg7: memref<!tpu.dma_semaphore, #tpu.memory_space<semaphore_mem>>) attributes {dimension_semantics = [#tpu.dimension_semantics<core_parallel>, #tpu.dimension_semantics<subcore_parallel>], iteration_bounds = array<i64: 2, 16>, scalar_prefetch = 0 : i64, scratch_operands = 3 : i64, tpu.core_type = #tpu.core_type<sc_vector_subcore>, window_params = [{transform_indices = #map}, {transform_indices = #map1}, {transform_indices = #map}]} {
    %mul3A = arith.constant 2 : i32
    %mul3A_0 = arith.muli %arg1, %mul3A : i32
    %add3A = arith.addi %mul3A_0, %arg0 : i32
    %mul3A_1 = arith.constant 64 : i32
    %mul3A_2 = arith.muli %add3A, %mul3A_1 : i32
    "tpu.region"() ({
      %run_scoped3A = tpu.sem_alloc : memref<!tpu.dma_semaphore, #tpu.memory_space<semaphore_mem>>
      %dma_start3A_7 = tpu.memref_slice %arg3[%mul3A_2] : memref<2048xi32, #tpu.memory_space<hbm>> -> memref<64xi32, #tpu.memory_space<hbm>>
      %dma_start3A_8 = tpu.memref_slice %arg3[%mul3A_2] : memref<2048xi32, #tpu.memory_space<hbm>> -> memref<64xi32, #tpu.memory_space<hbm>>
      tpu.enqueue_dma source(%dma_start3A_8 : memref<64xi32, #tpu.memory_space<hbm>>) target(%arg5 : memref<64xi32, #tpu.memory_space<vmem>>) target_semaphore(%run_scoped3A : memref<!tpu.dma_semaphore, #tpu.memory_space<semaphore_mem>>)
      %dma_wait3A_9 = tpu.memref_slice %arg3[%mul3A_2] : memref<2048xi32, #tpu.memory_space<hbm>> -> memref<64xi32, #tpu.memory_space<hbm>>
      %dma_wait3A_10 = tpu.memref_slice %arg3[%mul3A_2] : memref<2048xi32, #tpu.memory_space<hbm>> -> memref<64xi32, #tpu.memory_space<hbm>>
      tpu.wait_dma2 semaphore(%run_scoped3A : memref<!tpu.dma_semaphore, #tpu.memory_space<semaphore_mem>>) src(%dma_wait3A_10 : memref<64xi32, #tpu.memory_space<hbm>>) dst(%arg5 : memref<64xi32, #tpu.memory_space<vmem>>)
      tpu.yield
    }) : () -> ()
    "tpu.region"() ({
      %run_scoped3A = tpu.sem_alloc : memref<!tpu.dma_semaphore, #tpu.memory_space<semaphore_mem>>
      %dma_start3A_7 = arith.constant 0 : i32
      %dma_start3A_8 = tpu.memref_slice %arg2[%mul3A_2, %dma_start3A_7] : memref<2048x768xf32, #tpu.memory_space<hbm>> -> memref<64x768xf32, #tpu.memory_space<hbm>>
      %dma_start3A_9 = arith.constant 0 : i32
      %dma_start3A_10 = tpu.memref_slice %arg2[%mul3A_2, %dma_start3A_9] : memref<2048x768xf32, #tpu.memory_space<hbm>> -> memref<64x768xf32, #tpu.memory_space<hbm>>
      tpu.enqueue_dma source(%dma_start3A_10 : memref<64x768xf32, #tpu.memory_space<hbm>>) target(%arg6 : memref<64x768xf32, #tpu.memory_space<vmem>>) target_semaphore(%run_scoped3A : memref<!tpu.dma_semaphore, #tpu.memory_space<semaphore_mem>>)
      %dma_wait3A_11 = arith.constant 0 : i32
      %dma_wait3A_12 = tpu.memref_slice %arg2[%mul3A_2, %dma_wait3A_11] : memref<2048x768xf32, #tpu.memory_space<hbm>> -> memref<64x768xf32, #tpu.memory_space<hbm>>
      %dma_wait3A_13 = arith.constant 0 : i32
      %dma_wait3A_14 = tpu.memref_slice %arg2[%mul3A_2, %dma_wait3A_13] : memref<2048x768xf32, #tpu.memory_space<hbm>> -> memref<64x768xf32, #tpu.memory_space<hbm>>
      tpu.wait_dma2 semaphore(%run_scoped3A : memref<!tpu.dma_semaphore, #tpu.memory_space<semaphore_mem>>) src(%dma_wait3A_14 : memref<64x768xf32, #tpu.memory_space<hbm>>) dst(%arg6 : memref<64x768xf32, #tpu.memory_space<vmem>>)
      tpu.yield
    }) : () -> ()
    %dma_start3A = arith.constant 0 : i32
    %dma_start3A_3 = arith.constant 0 : i32
    %dma_start3A_4 = tpu.memref_slice %arg4[%dma_start3A, %dma_start3A_3] : memref<2048x768xf32, #tpu.memory_space<hbm>> -> memref<2048x768xf32, #tpu.memory_space<hbm>>
    tpu.enqueue_indirect_dma source(%arg6 : memref<64x768xf32, #tpu.memory_space<vmem>>) target(%dma_start3A_4 : memref<2048x768xf32, #tpu.memory_space<hbm>>) offsets(%arg5 : memref<64xi32, #tpu.memory_space<vmem>>) semaphore(%arg7 : memref<!tpu.dma_semaphore, #tpu.memory_space<semaphore_mem>>)
    %dma_wait3A = arith.constant 0 : i32
    %dma_wait3A_5 = arith.constant 0 : i32
    %dma_wait3A_6 = tpu.memref_slice %arg4[%dma_wait3A, %dma_wait3A_5] : memref<2048x768xf32, #tpu.memory_space<hbm>> -> memref<2048x768xf32, #tpu.memory_space<hbm>>
    tpu.wait_indirect_dma semaphore(%arg7 : memref<!tpu.dma_semaphore, #tpu.memory_space<semaphore_mem>>) src(%arg6 : memref<64x768xf32, #tpu.memory_space<vmem>>) dst(%dma_wait3A_6 : memref<2048x768xf32, #tpu.memory_space<hbm>>)
    return
  }
}

#map = affine_map<(d0, d1) -> (0, 0)>
#map1 = affine_map<(d0, d1) -> (0)>
module attributes {stable_mosaic.version = 14 : i64} {
  func.func @_sc_resort(%arg0: i32, %arg1: i32, %arg2: memref<2048x768xf32, #tpu.memory_space<hbm>>, %arg3: memref<2048xi32, #tpu.memory_space<hbm>>, %arg4: memref<2048xi32, #tpu.memory_space<hbm>>, %arg5: memref<2048x768xf32, #tpu.memory_space<hbm>>, %arg6: memref<64xi32, #tpu.memory_space<vmem>>, %arg7: memref<64xi32, #tpu.memory_space<vmem>>, %arg8: memref<64x768xf32, #tpu.memory_space<vmem>>, %arg9: memref<!tpu.dma_semaphore, #tpu.memory_space<semaphore_mem>>) attributes {dimension_semantics = [#tpu.dimension_semantics<core_parallel>, #tpu.dimension_semantics<subcore_parallel>], iteration_bounds = array<i64: 2, 16>, scalar_prefetch = 0 : i64, scratch_operands = 4 : i64, tpu.core_type = #tpu.core_type<sc_vector_subcore>, window_params = [{transform_indices = #map}, {transform_indices = #map1}, {transform_indices = #map1}, {transform_indices = #map}]} {
    %mul3A = arith.constant 2 : i32
    %mul3A_0 = arith.muli %arg1, %mul3A : i32
    %add3A = arith.addi %mul3A_0, %arg0 : i32
    %mul3A_1 = arith.constant 64 : i32
    %mul3A_2 = arith.muli %add3A, %mul3A_1 : i32
    "tpu.region"() ({
      %run_scoped3A = tpu.sem_alloc : memref<!tpu.dma_semaphore, #tpu.memory_space<semaphore_mem>>
      %dma_start3A_13 = tpu.memref_slice %arg3[%mul3A_2] : memref<2048xi32, #tpu.memory_space<hbm>> -> memref<64xi32, #tpu.memory_space<hbm>>
      %dma_start3A_14 = tpu.memref_slice %arg3[%mul3A_2] : memref<2048xi32, #tpu.memory_space<hbm>> -> memref<64xi32, #tpu.memory_space<hbm>>
      tpu.enqueue_dma source(%dma_start3A_14 : memref<64xi32, #tpu.memory_space<hbm>>) target(%arg6 : memref<64xi32, #tpu.memory_space<vmem>>) target_semaphore(%run_scoped3A : memref<!tpu.dma_semaphore, #tpu.memory_space<semaphore_mem>>)
      %dma_wait3A_15 = tpu.memref_slice %arg3[%mul3A_2] : memref<2048xi32, #tpu.memory_space<hbm>> -> memref<64xi32, #tpu.memory_space<hbm>>
      %dma_wait3A_16 = tpu.memref_slice %arg3[%mul3A_2] : memref<2048xi32, #tpu.memory_space<hbm>> -> memref<64xi32, #tpu.memory_space<hbm>>
      tpu.wait_dma2 semaphore(%run_scoped3A : memref<!tpu.dma_semaphore, #tpu.memory_space<semaphore_mem>>) src(%dma_wait3A_16 : memref<64xi32, #tpu.memory_space<hbm>>) dst(%arg6 : memref<64xi32, #tpu.memory_space<vmem>>)
      tpu.yield
    }) : () -> ()
    "tpu.region"() ({
      %run_scoped3A = tpu.sem_alloc : memref<!tpu.dma_semaphore, #tpu.memory_space<semaphore_mem>>
      %dma_start3A_13 = tpu.memref_slice %arg4[%mul3A_2] : memref<2048xi32, #tpu.memory_space<hbm>> -> memref<64xi32, #tpu.memory_space<hbm>>
      %dma_start3A_14 = tpu.memref_slice %arg4[%mul3A_2] : memref<2048xi32, #tpu.memory_space<hbm>> -> memref<64xi32, #tpu.memory_space<hbm>>
      tpu.enqueue_dma source(%dma_start3A_14 : memref<64xi32, #tpu.memory_space<hbm>>) target(%arg7 : memref<64xi32, #tpu.memory_space<vmem>>) target_semaphore(%run_scoped3A : memref<!tpu.dma_semaphore, #tpu.memory_space<semaphore_mem>>)
      %dma_wait3A_15 = tpu.memref_slice %arg4[%mul3A_2] : memref<2048xi32, #tpu.memory_space<hbm>> -> memref<64xi32, #tpu.memory_space<hbm>>
      %dma_wait3A_16 = tpu.memref_slice %arg4[%mul3A_2] : memref<2048xi32, #tpu.memory_space<hbm>> -> memref<64xi32, #tpu.memory_space<hbm>>
      tpu.wait_dma2 semaphore(%run_scoped3A : memref<!tpu.dma_semaphore, #tpu.memory_space<semaphore_mem>>) src(%dma_wait3A_16 : memref<64xi32, #tpu.memory_space<hbm>>) dst(%arg7 : memref<64xi32, #tpu.memory_space<vmem>>)
      tpu.yield
    }) : () -> ()
    %dma_start3A = arith.constant 0 : i32
    %dma_start3A_3 = arith.constant 0 : i32
    %dma_start3A_4 = tpu.memref_slice %arg2[%dma_start3A, %dma_start3A_3] : memref<2048x768xf32, #tpu.memory_space<hbm>> -> memref<2048x768xf32, #tpu.memory_space<hbm>>
    tpu.enqueue_indirect_dma source(%dma_start3A_4 : memref<2048x768xf32, #tpu.memory_space<hbm>>) target(%arg8 : memref<64x768xf32, #tpu.memory_space<vmem>>) offsets(%arg6 : memref<64xi32, #tpu.memory_space<vmem>>) semaphore(%arg9 : memref<!tpu.dma_semaphore, #tpu.memory_space<semaphore_mem>>)
    %dma_wait3A = arith.constant 0 : i32
    %dma_wait3A_5 = arith.constant 0 : i32
    %dma_wait3A_6 = tpu.memref_slice %arg2[%dma_wait3A, %dma_wait3A_5] : memref<2048x768xf32, #tpu.memory_space<hbm>> -> memref<2048x768xf32, #tpu.memory_space<hbm>>
    tpu.wait_indirect_dma semaphore(%arg9 : memref<!tpu.dma_semaphore, #tpu.memory_space<semaphore_mem>>) src(%dma_wait3A_6 : memref<2048x768xf32, #tpu.memory_space<hbm>>) dst(%arg8 : memref<64x768xf32, #tpu.memory_space<vmem>>)
    %dma_start3A_7 = arith.constant 0 : i32
    %dma_start3A_8 = arith.constant 0 : i32
    %dma_start3A_9 = tpu.memref_slice %arg5[%dma_start3A_7, %dma_start3A_8] : memref<2048x768xf32, #tpu.memory_space<hbm>> -> memref<2048x768xf32, #tpu.memory_space<hbm>>
    tpu.enqueue_indirect_dma source(%arg8 : memref<64x768xf32, #tpu.memory_space<vmem>>) target(%dma_start3A_9 : memref<2048x768xf32, #tpu.memory_space<hbm>>) offsets(%arg7 : memref<64xi32, #tpu.memory_space<vmem>>) semaphore(%arg9 : memref<!tpu.dma_semaphore, #tpu.memory_space<semaphore_mem>>)
    %dma_wait3A_10 = arith.constant 0 : i32
    %dma_wait3A_11 = arith.constant 0 : i32
    %dma_wait3A_12 = tpu.memref_slice %arg5[%dma_wait3A_10, %dma_wait3A_11] : memref<2048x768xf32, #tpu.memory_space<hbm>> -> memref<2048x768xf32, #tpu.memory_space<hbm>>
    tpu.wait_indirect_dma semaphore(%arg9 : memref<!tpu.dma_semaphore, #tpu.memory_space<semaphore_mem>>) src(%arg8 : memref<64x768xf32, #tpu.memory_space<vmem>>) dst(%dma_wait3A_12 : memref<2048x768xf32, #tpu.memory_space<hbm>>)
    return
  }
}

#map = affine_map<(d0, d1) -> (0, 0)>
#map1 = affine_map<(d0, d1) -> (0)>
module attributes {stable_mosaic.version = 14 : i64} {
  func.func @_sc_unsort(%arg0: i32, %arg1: i32, %arg2: memref<2048x768xf32, #tpu.memory_space<hbm>>, %arg3: memref<2048xi32, #tpu.memory_space<hbm>>, %arg4: memref<2048x768xf32, #tpu.memory_space<hbm>>, %arg5: memref<64xi32, #tpu.memory_space<vmem>>, %arg6: memref<64x768xf32, #tpu.memory_space<vmem>>, %arg7: memref<!tpu.dma_semaphore, #tpu.memory_space<semaphore_mem>>) attributes {dimension_semantics = [#tpu.dimension_semantics<core_parallel>, #tpu.dimension_semantics<subcore_parallel>], iteration_bounds = array<i64: 2, 16>, scalar_prefetch = 0 : i64, scratch_operands = 3 : i64, tpu.core_type = #tpu.core_type<sc_vector_subcore>, window_params = [{transform_indices = #map}, {transform_indices = #map1}, {transform_indices = #map}]} {
    %mul3A = arith.constant 2 : i32
    %mul3A_0 = arith.muli %arg1, %mul3A : i32
    %add3A = arith.addi %mul3A_0, %arg0 : i32
    %mul3A_1 = arith.constant 64 : i32
    %mul3A_2 = arith.muli %add3A, %mul3A_1 : i32
    "tpu.region"() ({
      %run_scoped3A = tpu.sem_alloc : memref<!tpu.dma_semaphore, #tpu.memory_space<semaphore_mem>>
      %dma_start3A_7 = tpu.memref_slice %arg3[%mul3A_2] : memref<2048xi32, #tpu.memory_space<hbm>> -> memref<64xi32, #tpu.memory_space<hbm>>
      %dma_start3A_8 = tpu.memref_slice %arg3[%mul3A_2] : memref<2048xi32, #tpu.memory_space<hbm>> -> memref<64xi32, #tpu.memory_space<hbm>>
      tpu.enqueue_dma source(%dma_start3A_8 : memref<64xi32, #tpu.memory_space<hbm>>) target(%arg5 : memref<64xi32, #tpu.memory_space<vmem>>) target_semaphore(%run_scoped3A : memref<!tpu.dma_semaphore, #tpu.memory_space<semaphore_mem>>)
      %dma_wait3A_9 = tpu.memref_slice %arg3[%mul3A_2] : memref<2048xi32, #tpu.memory_space<hbm>> -> memref<64xi32, #tpu.memory_space<hbm>>
      %dma_wait3A_10 = tpu.memref_slice %arg3[%mul3A_2] : memref<2048xi32, #tpu.memory_space<hbm>> -> memref<64xi32, #tpu.memory_space<hbm>>
      tpu.wait_dma2 semaphore(%run_scoped3A : memref<!tpu.dma_semaphore, #tpu.memory_space<semaphore_mem>>) src(%dma_wait3A_10 : memref<64xi32, #tpu.memory_space<hbm>>) dst(%arg5 : memref<64xi32, #tpu.memory_space<vmem>>)
      tpu.yield
    }) : () -> ()
    %dma_start3A = arith.constant 0 : i32
    %dma_start3A_3 = arith.constant 0 : i32
    %dma_start3A_4 = tpu.memref_slice %arg2[%dma_start3A, %dma_start3A_3] : memref<2048x768xf32, #tpu.memory_space<hbm>> -> memref<2048x768xf32, #tpu.memory_space<hbm>>
    tpu.enqueue_indirect_dma source(%dma_start3A_4 : memref<2048x768xf32, #tpu.memory_space<hbm>>) target(%arg6 : memref<64x768xf32, #tpu.memory_space<vmem>>) offsets(%arg5 : memref<64xi32, #tpu.memory_space<vmem>>) semaphore(%arg7 : memref<!tpu.dma_semaphore, #tpu.memory_space<semaphore_mem>>)
    %dma_wait3A = arith.constant 0 : i32
    %dma_wait3A_5 = arith.constant 0 : i32
    %dma_wait3A_6 = tpu.memref_slice %arg2[%dma_wait3A, %dma_wait3A_5] : memref<2048x768xf32, #tpu.memory_space<hbm>> -> memref<2048x768xf32, #tpu.memory_space<hbm>>
    tpu.wait_indirect_dma semaphore(%arg7 : memref<!tpu.dma_semaphore, #tpu.memory_space<semaphore_mem>>) src(%dma_wait3A_6 : memref<2048x768xf32, #tpu.memory_space<hbm>>) dst(%arg6 : memref<64x768xf32, #tpu.memory_space<vmem>>)
    "tpu.region"() ({
      %run_scoped3A = tpu.sem_alloc : memref<!tpu.dma_semaphore, #tpu.memory_space<semaphore_mem>>
      %dma_start3A_7 = arith.constant 0 : i32
      %dma_start3A_8 = tpu.memref_slice %arg4[%mul3A_2, %dma_start3A_7] : memref<2048x768xf32, #tpu.memory_space<hbm>> -> memref<64x768xf32, #tpu.memory_space<hbm>>
      %dma_start3A_9 = arith.constant 0 : i32
      %dma_start3A_10 = tpu.memref_slice %arg4[%mul3A_2, %dma_start3A_9] : memref<2048x768xf32, #tpu.memory_space<hbm>> -> memref<64x768xf32, #tpu.memory_space<hbm>>
      tpu.enqueue_dma source(%arg6 : memref<64x768xf32, #tpu.memory_space<vmem>>) target(%dma_start3A_10 : memref<64x768xf32, #tpu.memory_space<hbm>>) target_semaphore(%run_scoped3A : memref<!tpu.dma_semaphore, #tpu.memory_space<semaphore_mem>>)
      %dma_wait3A_11 = arith.constant 0 : i32
      %dma_wait3A_12 = tpu.memref_slice %arg4[%mul3A_2, %dma_wait3A_11] : memref<2048x768xf32, #tpu.memory_space<hbm>> -> memref<64x768xf32, #tpu.memory_space<hbm>>
      %dma_wait3A_13 = arith.constant 0 : i32
      %dma_wait3A_14 = tpu.memref_slice %arg4[%mul3A_2, %dma_wait3A_13] : memref<2048x768xf32, #tpu.memory_space<hbm>> -> memref<64x768xf32, #tpu.memory_space<hbm>>
      tpu.wait_dma2 semaphore(%run_scoped3A : memref<!tpu.dma_semaphore, #tpu.memory_space<semaphore_mem>>) src(%arg6 : memref<64x768xf32, #tpu.memory_space<vmem>>) dst(%dma_wait3A_14 : memref<64x768xf32, #tpu.memory_space<hbm>>)
      tpu.yield
    }) : () -> ()
    return
  }
}

#map = affine_map<(d0, d1) -> (0, 0)>
#map1 = affine_map<(d0, d1) -> (0)>
module attributes {stable_mosaic.version = 14 : i64} {
  func.func @_sc_unsort(%arg0: i32, %arg1: i32, %arg2: memref<2048x768xf32, #tpu.memory_space<hbm>>, %arg3: memref<2048xi32, #tpu.memory_space<hbm>>, %arg4: memref<2048x768xf32, #tpu.memory_space<hbm>>, %arg5: memref<64xi32, #tpu.memory_space<vmem>>, %arg6: memref<64x768xf32, #tpu.memory_space<vmem>>, %arg7: memref<!tpu.dma_semaphore, #tpu.memory_space<semaphore_mem>>) attributes {dimension_semantics = [#tpu.dimension_semantics<core_parallel>, #tpu.dimension_semantics<subcore_parallel>], iteration_bounds = array<i64: 2, 16>, scalar_prefetch = 0 : i64, scratch_operands = 3 : i64, tpu.core_type = #tpu.core_type<sc_vector_subcore>, window_params = [{transform_indices = #map}, {transform_indices = #map1}, {transform_indices = #map}]} {
    %mul3A = arith.constant 2 : i32
    %mul3A_0 = arith.muli %arg1, %mul3A : i32
    %add3A = arith.addi %mul3A_0, %arg0 : i32
    %mul3A_1 = arith.constant 64 : i32
    %mul3A_2 = arith.muli %add3A, %mul3A_1 : i32
    "tpu.region"() ({
      %run_scoped3A = tpu.sem_alloc : memref<!tpu.dma_semaphore, #tpu.memory_space<semaphore_mem>>
      %dma_start3A_7 = tpu.memref_slice %arg3[%mul3A_2] : memref<2048xi32, #tpu.memory_space<hbm>> -> memref<64xi32, #tpu.memory_space<hbm>>
      %dma_start3A_8 = tpu.memref_slice %arg3[%mul3A_2] : memref<2048xi32, #tpu.memory_space<hbm>> -> memref<64xi32, #tpu.memory_space<hbm>>
      tpu.enqueue_dma source(%dma_start3A_8 : memref<64xi32, #tpu.memory_space<hbm>>) target(%arg5 : memref<64xi32, #tpu.memory_space<vmem>>) target_semaphore(%run_scoped3A : memref<!tpu.dma_semaphore, #tpu.memory_space<semaphore_mem>>)
      %dma_wait3A_9 = tpu.memref_slice %arg3[%mul3A_2] : memref<2048xi32, #tpu.memory_space<hbm>> -> memref<64xi32, #tpu.memory_space<hbm>>
      %dma_wait3A_10 = tpu.memref_slice %arg3[%mul3A_2] : memref<2048xi32, #tpu.memory_space<hbm>> -> memref<64xi32, #tpu.memory_space<hbm>>
      tpu.wait_dma2 semaphore(%run_scoped3A : memref<!tpu.dma_semaphore, #tpu.memory_space<semaphore_mem>>) src(%dma_wait3A_10 : memref<64xi32, #tpu.memory_space<hbm>>) dst(%arg5 : memref<64xi32, #tpu.memory_space<vmem>>)
      tpu.yield
    }) : () -> ()
    %dma_start3A = arith.constant 0 : i32
    %dma_start3A_3 = arith.constant 0 : i32
    %dma_start3A_4 = tpu.memref_slice %arg2[%dma_start3A, %dma_start3A_3] : memref<2048x768xf32, #tpu.memory_space<hbm>> -> memref<2048x768xf32, #tpu.memory_space<hbm>>
    tpu.enqueue_indirect_dma source(%dma_start3A_4 : memref<2048x768xf32, #tpu.memory_space<hbm>>) target(%arg6 : memref<64x768xf32, #tpu.memory_space<vmem>>) offsets(%arg5 : memref<64xi32, #tpu.memory_space<vmem>>) semaphore(%arg7 : memref<!tpu.dma_semaphore, #tpu.memory_space<semaphore_mem>>)
    %dma_wait3A = arith.constant 0 : i32
    %dma_wait3A_5 = arith.constant 0 : i32
    %dma_wait3A_6 = tpu.memref_slice %arg2[%dma_wait3A, %dma_wait3A_5] : memref<2048x768xf32, #tpu.memory_space<hbm>> -> memref<2048x768xf32, #tpu.memory_space<hbm>>
    tpu.wait_indirect_dma semaphore(%arg7 : memref<!tpu.dma_semaphore, #tpu.memory_space<semaphore_mem>>) src(%dma_wait3A_6 : memref<2048x768xf32, #tpu.memory_space<hbm>>) dst(%arg6 : memref<64x768xf32, #tpu.memory_space<vmem>>)
    "tpu.region"() ({
      %run_scoped3A = tpu.sem_alloc : memref<!tpu.dma_semaphore, #tpu.memory_space<semaphore_mem>>
      %dma_start3A_7 = arith.constant 0 : i32
      %dma_start3A_8 = tpu.memref_slice %arg4[%mul3A_2, %dma_start3A_7] : memref<2048x768xf32, #tpu.memory_space<hbm>> -> memref<64x768xf32, #tpu.memory_space<hbm>>
      %dma_start3A_9 = arith.constant 0 : i32
      %dma_start3A_10 = tpu.memref_slice %arg4[%mul3A_2, %dma_start3A_9] : memref<2048x768xf32, #tpu.memory_space<hbm>> -> memref<64x768xf32, #tpu.memory_space<hbm>>
      tpu.enqueue_dma source(%arg6 : memref<64x768xf32, #tpu.memory_space<vmem>>) target(%dma_start3A_10 : memref<64x768xf32, #tpu.memory_space<hbm>>) target_semaphore(%run_scoped3A : memref<!tpu.dma_semaphore, #tpu.memory_space<semaphore_mem>>)
      %dma_wait3A_11 = arith.constant 0 : i32
      %dma_wait3A_12 = tpu.memref_slice %arg4[%mul3A_2, %dma_wait3A_11] : memref<2048x768xf32, #tpu.memory_space<hbm>> -> memref<64x768xf32, #tpu.memory_space<hbm>>
      %dma_wait3A_13 = arith.constant 0 : i32
      %dma_wait3A_14 = tpu.memref_slice %arg4[%mul3A_2, %dma_wait3A_13] : memref<2048x768xf32, #tpu.memory_space<hbm>> -> memref<64x768xf32, #tpu.memory_space<hbm>>
      tpu.wait_dma2 semaphore(%run_scoped3A : memref<!tpu.dma_semaphore, #tpu.memory_space<semaphore_mem>>) src(%arg6 : memref<64x768xf32, #tpu.memory_space<vmem>>) dst(%dma_wait3A_14 : memref<64x768xf32, #tpu.memory_space<hbm>>)
      tpu.yield
    }) : () -> ()
    return
  }
}

module attributes {stable_mosaic.version = 14 : i64} {
  func.func @_tc1_body(%arg0: i32, %arg1: memref<256x1024xf32, #tpu.memory_space<vmem>>, %arg2: memref<2048x8xf32, #tpu.memory_space<vmem>>, %arg3: memref<2048x8xf32, #tpu.memory_space<vmem>>, %arg4: memref<2048x8xf32, #tpu.memory_space<vmem>>, %arg5: memref<2048x8xf32, #tpu.memory_space<vmem>>, %arg6: memref<768x1024xbf16, #tpu.memory_space<vmem>>, %arg7: memref<768x1024xbf16, #tpu.memory_space<vmem>>, %arg8: memref<768x1024xbf16, #tpu.memory_space<vmem>>, %arg9: memref<2048x4xi32, #tpu.memory_space<vmem>>, %arg10: memref<4x1x8xi32, #tpu.memory_space<vmem>>, %arg11: memref<256x1024xf32, #tpu.memory_space<vmem>>, %arg12: memref<256x768xf32, #tpu.memory_space<vmem>>, %arg13: memref<256x768xf32, #tpu.memory_space<vmem>>) attributes {dimension_semantics = [#tpu.dimension_semantics<arbitrary>], iteration_bounds = array<i64: 9>, scalar_prefetch = 0 : i64, scratch_operands = 0 : i64, tpu.core_type = #tpu.core_type<tc>, window_params = [{transform_indices = @transform_0, window_bounds = array<i64: 256, 1024>}, {pipeline_mode = #tpu.pipeline_mode<synchronous>, transform_indices = @transform_1, window_bounds = array<i64: 2048, 8>}, {pipeline_mode = #tpu.pipeline_mode<synchronous>, transform_indices = @transform_2, window_bounds = array<i64: 2048, 8>}, {pipeline_mode = #tpu.pipeline_mode<synchronous>, transform_indices = @transform_3, window_bounds = array<i64: 2048, 8>}, {pipeline_mode = #tpu.pipeline_mode<synchronous>, transform_indices = @transform_4, window_bounds = array<i64: 2048, 8>}, {pipeline_mode = #tpu.pipeline_mode<synchronous>, transform_indices = @transform_5, window_bounds = array<i64: 768, 1024>}, {pipeline_mode = #tpu.pipeline_mode<synchronous>, transform_indices = @transform_6, window_bounds = array<i64: 768, 1024>}, {pipeline_mode = #tpu.pipeline_mode<synchronous>, transform_indices = @transform_7, window_bounds = array<i64: 768, 1024>}, {pipeline_mode = #tpu.pipeline_mode<synchronous>, transform_indices = @transform_8, window_bounds = array<i64: 2048, 4>}, {pipeline_mode = #tpu.pipeline_mode<synchronous>, transform_indices = @transform_9, window_bounds = array<i64: 4, 1, 8>}, {transform_indices = @transform_10, window_bounds = array<i64: 256, 1024>}, {transform_indices = @transform_11, window_bounds = array<i64: 256, 768>}, {transform_indices = @transform_12, window_bounds = array<i64: 256, 768>}]} {
    %eq3A = arith.constant 0 : i32
    %eq3A_0 = arith.cmpi eq, %arg0, %eq3A : i32
    %convert_element_type3A = arith.extui %eq3A_0 : i1 to i32
    %cond3A = arith.constant 0 : i32
    %cond3A_1 = arith.cmpi ne, %convert_element_type3A, %cond3A : i32
    scf.if %cond3A_1 {
      %iota3A = tpu.iota {dimensions = array<i32: 0>} : vector<256x256xi32>
      %iota3A_6 = tpu.iota {dimensions = array<i32: 1>} : vector<256x256xi32>
      %ge3A = arith.cmpi sge, %iota3A, %iota3A_6 : vector<256x256xi32>
      %convert_element_type3A_7 = arith.extui %ge3A : vector<256x256xi1> to vector<256x256xi32>
      %convert_element_type3A_8 = arith.sitofp %convert_element_type3A_7 : vector<256x256xi32> to vector<256x256xf32>
      %convert_element_type3A_9 = arith.truncf %convert_element_type3A_8 : vector<256x256xf32> to vector<256x256xbf16>
      %iota3A_10 = tpu.iota {dimensions = array<i32: 0>} : vector<8x8xi32>
      %iota3A_11 = tpu.iota {dimensions = array<i32: 1>} : vector<8x8xi32>
      %gt3A_12 = arith.cmpi sgt, %iota3A_10, %iota3A_11 : vector<8x8xi32>
      %convert_element_type3A_13 = arith.extui %gt3A_12 : vector<8x8xi1> to vector<8x8xi32>
      %convert_element_type3A_14 = arith.sitofp %convert_element_type3A_13 : vector<8x8xi32> to vector<8x8xf32>
      %convert_element_type3A_15 = arith.truncf %convert_element_type3A_14 : vector<8x8xf32> to vector<8x8xbf16>
      %iota3A_16 = tpu.iota {dimensions = array<i32: 1>} : vector<2048x8xi32>
      %get3A = arith.constant 0 : index
      %get3A_17 = arith.constant 0 : index
      %get3A_18 = vector.load %arg2[%get3A, %get3A_17] : memref<2048x8xf32, #tpu.memory_space<vmem>>, vector<2048x8xf32>
      %argmax3A = tpu.reduce_index %get3A_18 {axis = 1 : i32, kind = #tpu.reduction_kind<arg_max>} : vector<2048x8xf32> -> vector<2048xi32>
      %broadcast_in_dim3A = vector.shape_cast %argmax3A : vector<2048xi32> to vector<2048x1xi32>
      %eq3A_19 = vector.broadcast %broadcast_in_dim3A : vector<2048x1xi32> to vector<2048x8xi32>
      %eq3A_20 = arith.cmpi eq, %iota3A_16, %eq3A_19 : vector<2048x8xi32>
      %convert_element_type3A_21 = arith.extui %eq3A_20 : vector<2048x8xi1> to vector<2048x8xi32>
      %convert_element_type3A_22 = arith.sitofp %convert_element_type3A_21 : vector<2048x8xi32> to vector<2048x8xf32>
      %convert_element_type3A_23 = arith.truncf %convert_element_type3A_22 : vector<2048x8xf32> to vector<2048x8xbf16>
      %slice3A = vector.extract_strided_slice %convert_element_type3A_23 {offsets = [0, 0], sizes = [256, 8], strides = [1, 1]} : vector<2048x8xbf16> to vector<256x8xbf16>
      %dot_general3A = arith.constant dense<0.000000e+00> : vector<256x8xf32>
      %dot_general3A_24 = tpu.matmul %convert_element_type3A_9, %slice3A, %dot_general3A {dimension_numbers = #tpu.dot_dimension_numbers<[1], [0], [0], [1], [0, 0, 1, 1], [], []>, transpose_lhs_hint = false} : vector<256x256xbf16>, vector<256x8xbf16>, vector<256x8xf32> -> vector<256x8xf32>
      %slice3A_25 = vector.extract_strided_slice %dot_general3A_24 {offsets = [255, 0], sizes = [1, 8], strides = [1, 1]} : vector<256x8xf32> to vector<1x8xf32>
      %slice3A_26 = vector.extract_strided_slice %convert_element_type3A_23 {offsets = [256, 0], sizes = [256, 8], strides = [1, 1]} : vector<2048x8xbf16> to vector<256x8xbf16>
      %dot_general3A_27 = arith.constant dense<0.000000e+00> : vector<256x8xf32>
      %dot_general3A_28 = tpu.matmul %convert_element_type3A_9, %slice3A_26, %dot_general3A_27 {dimension_numbers = #tpu.dot_dimension_numbers<[1], [0], [0], [1], [0, 0, 1, 1], [], []>, transpose_lhs_hint = false} : vector<256x256xbf16>, vector<256x8xbf16>, vector<256x8xf32> -> vector<256x8xf32>
      %slice3A_29 = vector.extract_strided_slice %dot_general3A_28 {offsets = [255, 0], sizes = [1, 8], strides = [1, 1]} : vector<256x8xf32> to vector<1x8xf32>
      %slice3A_30 = vector.extract_strided_slice %convert_element_type3A_23 {offsets = [512, 0], sizes = [256, 8], strides = [1, 1]} : vector<2048x8xbf16> to vector<256x8xbf16>
      %dot_general3A_31 = arith.constant dense<0.000000e+00> : vector<256x8xf32>
      %dot_general3A_32 = tpu.matmul %convert_element_type3A_9, %slice3A_30, %dot_general3A_31 {dimension_numbers = #tpu.dot_dimension_numbers<[1], [0], [0], [1], [0, 0, 1, 1], [], []>, transpose_lhs_hint = false} : vector<256x256xbf16>, vector<256x8xbf16>, vector<256x8xf32> -> vector<256x8xf32>
      %slice3A_33 = vector.extract_strided_slice %dot_general3A_32 {offsets = [255, 0], sizes = [1, 8], strides = [1, 1]} : vector<256x8xf32> to vector<1x8xf32>
      %slice3A_34 = vector.extract_strided_slice %convert_element_type3A_23 {offsets = [768, 0], sizes = [256, 8], strides = [1, 1]} : vector<2048x8xbf16> to vector<256x8xbf16>
      %dot_general3A_35 = arith.constant dense<0.000000e+00> : vector<256x8xf32>
      %dot_general3A_36 = tpu.matmul %convert_element_type3A_9, %slice3A_34, %dot_general3A_35 {dimension_numbers = #tpu.dot_dimension_numbers<[1], [0], [0], [1], [0, 0, 1, 1], [], []>, transpose_lhs_hint = false} : vector<256x256xbf16>, vector<256x8xbf16>, vector<256x8xf32> -> vector<256x8xf32>
      %slice3A_37 = vector.extract_strided_slice %dot_general3A_36 {offsets = [255, 0], sizes = [1, 8], strides = [1, 1]} : vector<256x8xf32> to vector<1x8xf32>
      %slice3A_38 = vector.extract_strided_slice %convert_element_type3A_23 {offsets = [1024, 0], sizes = [256, 8], strides = [1, 1]} : vector<2048x8xbf16> to vector<256x8xbf16>
      %dot_general3A_39 = arith.constant dense<0.000000e+00> : vector<256x8xf32>
      %dot_general3A_40 = tpu.matmul %convert_element_type3A_9, %slice3A_38, %dot_general3A_39 {dimension_numbers = #tpu.dot_dimension_numbers<[1], [0], [0], [1], [0, 0, 1, 1], [], []>, transpose_lhs_hint = false} : vector<256x256xbf16>, vector<256x8xbf16>, vector<256x8xf32> -> vector<256x8xf32>
      %slice3A_41 = vector.extract_strided_slice %dot_general3A_40 {offsets = [255, 0], sizes = [1, 8], strides = [1, 1]} : vector<256x8xf32> to vector<1x8xf32>
      %slice3A_42 = vector.extract_strided_slice %convert_element_type3A_23 {offsets = [1280, 0], sizes = [256, 8], strides = [1, 1]} : vector<2048x8xbf16> to vector<256x8xbf16>
      %dot_general3A_43 = arith.constant dense<0.000000e+00> : vector<256x8xf32>
      %dot_general3A_44 = tpu.matmul %convert_element_type3A_9, %slice3A_42, %dot_general3A_43 {dimension_numbers = #tpu.dot_dimension_numbers<[1], [0], [0], [1], [0, 0, 1, 1], [], []>, transpose_lhs_hint = false} : vector<256x256xbf16>, vector<256x8xbf16>, vector<256x8xf32> -> vector<256x8xf32>
      %slice3A_45 = vector.extract_strided_slice %dot_general3A_44 {offsets = [255, 0], sizes = [1, 8], strides = [1, 1]} : vector<256x8xf32> to vector<1x8xf32>
      %slice3A_46 = vector.extract_strided_slice %convert_element_type3A_23 {offsets = [1536, 0], sizes = [256, 8], strides = [1, 1]} : vector<2048x8xbf16> to vector<256x8xbf16>
      %dot_general3A_47 = arith.constant dense<0.000000e+00> : vector<256x8xf32>
      %dot_general3A_48 = tpu.matmul %convert_element_type3A_9, %slice3A_46, %dot_general3A_47 {dimension_numbers = #tpu.dot_dimension_numbers<[1], [0], [0], [1], [0, 0, 1, 1], [], []>, transpose_lhs_hint = false} : vector<256x256xbf16>, vector<256x8xbf16>, vector<256x8xf32> -> vector<256x8xf32>
      %slice3A_49 = vector.extract_strided_slice %dot_general3A_48 {offsets = [255, 0], sizes = [1, 8], strides = [1, 1]} : vector<256x8xf32> to vector<1x8xf32>
      %slice3A_50 = vector.extract_strided_slice %convert_element_type3A_23 {offsets = [1792, 0], sizes = [256, 8], strides = [1, 1]} : vector<2048x8xbf16> to vector<256x8xbf16>
      %dot_general3A_51 = arith.constant dense<0.000000e+00> : vector<256x8xf32>
      %dot_general3A_52 = tpu.matmul %convert_element_type3A_9, %slice3A_50, %dot_general3A_51 {dimension_numbers = #tpu.dot_dimension_numbers<[1], [0], [0], [1], [0, 0, 1, 1], [], []>, transpose_lhs_hint = false} : vector<256x256xbf16>, vector<256x8xbf16>, vector<256x8xf32> -> vector<256x8xf32>
      %slice3A_53 = vector.extract_strided_slice %dot_general3A_52 {offsets = [255, 0], sizes = [1, 8], strides = [1, 1]} : vector<256x8xf32> to vector<1x8xf32>
      %concatenate3A = tpu.concatenate %slice3A_25, %slice3A_29, %slice3A_33, %slice3A_37, %slice3A_41, %slice3A_45, %slice3A_49, %slice3A_53 in 0 : vector<1x8xf32>, vector<1x8xf32>, vector<1x8xf32>, vector<1x8xf32>, vector<1x8xf32>, vector<1x8xf32>, vector<1x8xf32>, vector<1x8xf32> -> vector<8x8xf32>
      %convert_element_type3A_54 = arith.truncf %concatenate3A : vector<8x8xf32> to vector<8x8xbf16>
      %dot_general3A_55 = arith.constant dense<0.000000e+00> : vector<8x8xf32>
      %dot_general3A_56 = tpu.matmul %convert_element_type3A_15, %convert_element_type3A_54, %dot_general3A_55 {dimension_numbers = #tpu.dot_dimension_numbers<[1], [0], [0], [1], [0, 0, 1, 1], [], []>, transpose_lhs_hint = false} : vector<8x8xbf16>, vector<8x8xbf16>, vector<8x8xf32> -> vector<8x8xf32>
      %slice3A_57 = vector.extract_strided_slice %dot_general3A_56 {offsets = [7, 0], sizes = [1, 8], strides = [1, 1]} : vector<8x8xf32> to vector<1x8xf32>
      %slice3A_58 = vector.extract_strided_slice %concatenate3A {offsets = [7, 0], sizes = [1, 8], strides = [1, 1]} : vector<8x8xf32> to vector<1x8xf32>
      %add3A = arith.addf %slice3A_57, %slice3A_58 : vector<1x8xf32>
      %broadcast_in_dim3A_59 = arith.constant 0.000000e+00 : f32
      %broadcast_in_dim3A_60 = vector.broadcast %broadcast_in_dim3A_59 : f32 to vector<1x1xf32>
      %broadcast_in_dim3A_61 = arith.constant 0.000000e+00 : f32
      %broadcast_in_dim3A_62 = vector.broadcast %broadcast_in_dim3A_61 : f32 to vector<1x1xf32>
      %slice3A_63 = vector.extract_strided_slice %add3A {offsets = [0, 0], sizes = [1, 1], strides = [1, 1]} : vector<1x8xf32> to vector<1x1xf32>
      %add3A_64 = arith.addf %broadcast_in_dim3A_62, %slice3A_63 : vector<1x1xf32>
      %slice3A_65 = vector.extract_strided_slice %add3A {offsets = [0, 1], sizes = [1, 1], strides = [1, 1]} : vector<1x8xf32> to vector<1x1xf32>
      %add3A_66 = arith.addf %add3A_64, %slice3A_65 : vector<1x1xf32>
      %slice3A_67 = vector.extract_strided_slice %add3A {offsets = [0, 2], sizes = [1, 1], strides = [1, 1]} : vector<1x8xf32> to vector<1x1xf32>
      %add3A_68 = arith.addf %add3A_66, %slice3A_67 : vector<1x1xf32>
      %slice3A_69 = vector.extract_strided_slice %add3A {offsets = [0, 3], sizes = [1, 1], strides = [1, 1]} : vector<1x8xf32> to vector<1x1xf32>
      %add3A_70 = arith.addf %add3A_68, %slice3A_69 : vector<1x1xf32>
      %slice3A_71 = vector.extract_strided_slice %add3A {offsets = [0, 4], sizes = [1, 1], strides = [1, 1]} : vector<1x8xf32> to vector<1x1xf32>
      %add3A_72 = arith.addf %add3A_70, %slice3A_71 : vector<1x1xf32>
      %slice3A_73 = vector.extract_strided_slice %add3A {offsets = [0, 5], sizes = [1, 1], strides = [1, 1]} : vector<1x8xf32> to vector<1x1xf32>
      %add3A_74 = arith.addf %add3A_72, %slice3A_73 : vector<1x1xf32>
      %slice3A_75 = vector.extract_strided_slice %add3A {offsets = [0, 6], sizes = [1, 1], strides = [1, 1]} : vector<1x8xf32> to vector<1x1xf32>
      %add3A_76 = arith.addf %add3A_74, %slice3A_75 : vector<1x1xf32>
      %concatenate3A_77 = tpu.concatenate %broadcast_in_dim3A_60, %add3A_64, %add3A_66, %add3A_68, %add3A_70, %add3A_72, %add3A_74, %add3A_76 in 1 : vector<1x1xf32>, vector<1x1xf32>, vector<1x1xf32>, vector<1x1xf32>, vector<1x1xf32>, vector<1x1xf32>, vector<1x1xf32>, vector<1x1xf32> -> vector<1x8xf32>
      %slice3A_78 = vector.extract_strided_slice %dot_general3A_56 {offsets = [0, 0], sizes = [1, 8], strides = [1, 1]} : vector<8x8xf32> to vector<1x8xf32>
      %add3A_79 = vector.broadcast %slice3A_78 : vector<1x8xf32> to vector<256x8xf32>
      %add3A_80 = arith.addf %dot_general3A_24, %add3A_79 : vector<256x8xf32>
      %slice3A_81 = vector.extract_strided_slice %dot_general3A_56 {offsets = [1, 0], sizes = [1, 8], strides = [1, 1]} : vector<8x8xf32> to vector<1x8xf32>
      %add3A_82 = vector.broadcast %slice3A_81 : vector<1x8xf32> to vector<256x8xf32>
      %add3A_83 = arith.addf %dot_general3A_28, %add3A_82 : vector<256x8xf32>
      %slice3A_84 = vector.extract_strided_slice %dot_general3A_56 {offsets = [2, 0], sizes = [1, 8], strides = [1, 1]} : vector<8x8xf32> to vector<1x8xf32>
      %add3A_85 = vector.broadcast %slice3A_84 : vector<1x8xf32> to vector<256x8xf32>
      %add3A_86 = arith.addf %dot_general3A_32, %add3A_85 : vector<256x8xf32>
      %slice3A_87 = vector.extract_strided_slice %dot_general3A_56 {offsets = [3, 0], sizes = [1, 8], strides = [1, 1]} : vector<8x8xf32> to vector<1x8xf32>
      %add3A_88 = vector.broadcast %slice3A_87 : vector<1x8xf32> to vector<256x8xf32>
      %add3A_89 = arith.addf %dot_general3A_36, %add3A_88 : vector<256x8xf32>
      %slice3A_90 = vector.extract_strided_slice %dot_general3A_56 {offsets = [4, 0], sizes = [1, 8], strides = [1, 1]} : vector<8x8xf32> to vector<1x8xf32>
      %add3A_91 = vector.broadcast %slice3A_90 : vector<1x8xf32> to vector<256x8xf32>
      %add3A_92 = arith.addf %dot_general3A_40, %add3A_91 : vector<256x8xf32>
      %slice3A_93 = vector.extract_strided_slice %dot_general3A_56 {offsets = [5, 0], sizes = [1, 8], strides = [1, 1]} : vector<8x8xf32> to vector<1x8xf32>
      %add3A_94 = vector.broadcast %slice3A_93 : vector<1x8xf32> to vector<256x8xf32>
      %add3A_95 = arith.addf %dot_general3A_44, %add3A_94 : vector<256x8xf32>
      %slice3A_96 = vector.extract_strided_slice %dot_general3A_56 {offsets = [6, 0], sizes = [1, 8], strides = [1, 1]} : vector<8x8xf32> to vector<1x8xf32>
      %add3A_97 = vector.broadcast %slice3A_96 : vector<1x8xf32> to vector<256x8xf32>
      %add3A_98 = arith.addf %dot_general3A_48, %add3A_97 : vector<256x8xf32>
      %slice3A_99 = vector.extract_strided_slice %dot_general3A_56 {offsets = [7, 0], sizes = [1, 8], strides = [1, 1]} : vector<8x8xf32> to vector<1x8xf32>
      %add3A_100 = vector.broadcast %slice3A_99 : vector<1x8xf32> to vector<256x8xf32>
      %add3A_101 = arith.addf %dot_general3A_52, %add3A_100 : vector<256x8xf32>
      %concatenate3A_102 = tpu.concatenate %add3A_80, %add3A_83, %add3A_86, %add3A_89, %add3A_92, %add3A_95, %add3A_98, %add3A_101 in 0 : vector<256x8xf32>, vector<256x8xf32>, vector<256x8xf32>, vector<256x8xf32>, vector<256x8xf32>, vector<256x8xf32>, vector<256x8xf32>, vector<256x8xf32> -> vector<2048x8xf32>
      %convert_element_type3A_103 = arith.extf %convert_element_type3A_23 : vector<2048x8xbf16> to vector<2048x8xf32>
      %add3A_104 = vector.broadcast %concatenate3A_77 : vector<1x8xf32> to vector<2048x8xf32>
      %add3A_105 = arith.addf %add3A_104, %concatenate3A_102 : vector<2048x8xf32>
      %sub3A = arith.constant 1.000000e+00 : f32
      %sub3A_106 = vector.broadcast %sub3A : f32 to vector<2048x8xf32>
      %sub3A_107 = arith.subf %add3A_105, %sub3A_106 : vector<2048x8xf32>
      %mul3A = arith.mulf %convert_element_type3A_103, %sub3A_107 : vector<2048x8xf32>
      %reduce_sum3A = arith.constant dense<0.000000e+00> : vector<2048xf32>
      %reduce_sum3A_108 = vector.multi_reduction <add>, %mul3A, %reduce_sum3A [1] : vector<2048x8xf32> to vector<2048xf32>
      %broadcast_in_dim3A_109 = vector.shape_cast %reduce_sum3A_108 : vector<2048xf32> to vector<2048x1xf32>
      %convert_element_type3A_110 = arith.fptosi %broadcast_in_dim3A_109 : vector<2048x1xf32> to vector<2048x1xi32>
      %swap3A = arith.constant 0 : index
      %swap3A_111 = arith.constant 0 : index
      %swap3A_112 = vector.load %arg9[%swap3A, %swap3A_111] : memref<2048x4xi32, #tpu.memory_space<vmem>>, vector<2048x1xi32>
      tpu.vector_store %arg9[%swap3A, %swap3A_111], %convert_element_type3A_110 {strides = array<i32>} : memref<2048x4xi32, #tpu.memory_space<vmem>>, vector<2048x1xi32>,
      %convert_element_type3A_113 = arith.fptosi %concatenate3A_77 : vector<1x8xf32> to vector<1x8xi32>
      %swap3A_114 = arith.constant 0 : index
      %swap3A_115 = arith.constant 0 : index
      %swap3A_116 = arith.constant 0 : index
      %swap3A_117 = vector.load %arg10[%swap3A_114, %swap3A_115, %swap3A_116] : memref<4x1x8xi32, #tpu.memory_space<vmem>>, vector<1x1x8xi32>
      %swap3A_118 = vector.shape_cast %swap3A_117 : vector<1x1x8xi32> to vector<1x8xi32>
      %swap3A_119 = vector.shape_cast %convert_element_type3A_113 : vector<1x8xi32> to vector<1x1x8xi32>
      tpu.vector_store %arg10[%swap3A_114, %swap3A_115, %swap3A_116], %swap3A_119 {strides = array<i32>} : memref<4x1x8xi32, #tpu.memory_space<vmem>>, vector<1x1x8xi32>,
      %get3A_120 = arith.constant 0 : index
      %get3A_121 = arith.constant 0 : index
      %get3A_122 = vector.load %arg4[%get3A_120, %get3A_121] : memref<2048x8xf32, #tpu.memory_space<vmem>>, vector<2048x8xf32>
      %argmax3A_123 = tpu.reduce_index %get3A_122 {axis = 1 : i32, kind = #tpu.reduction_kind<arg_max>} : vector<2048x8xf32> -> vector<2048xi32>
      %broadcast_in_dim3A_124 = vector.shape_cast %argmax3A_123 : vector<2048xi32> to vector<2048x1xi32>
      %eq3A_125 = vector.broadcast %broadcast_in_dim3A_124 : vector<2048x1xi32> to vector<2048x8xi32>
      %eq3A_126 = arith.cmpi eq, %iota3A_16, %eq3A_125 : vector<2048x8xi32>
      %convert_element_type3A_127 = arith.extui %eq3A_126 : vector<2048x8xi1> to vector<2048x8xi32>
      %convert_element_type3A_128 = arith.sitofp %convert_element_type3A_127 : vector<2048x8xi32> to vector<2048x8xf32>
      %convert_element_type3A_129 = arith.truncf %convert_element_type3A_128 : vector<2048x8xf32> to vector<2048x8xbf16>
      %slice3A_130 = vector.extract_strided_slice %convert_element_type3A_129 {offsets = [0, 0], sizes = [256, 8], strides = [1, 1]} : vector<2048x8xbf16> to vector<256x8xbf16>
      %dot_general3A_131 = arith.constant dense<0.000000e+00> : vector<256x8xf32>
      %dot_general3A_132 = tpu.matmul %convert_element_type3A_9, %slice3A_130, %dot_general3A_131 {dimension_numbers = #tpu.dot_dimension_numbers<[1], [0], [0], [1], [0, 0, 1, 1], [], []>, transpose_lhs_hint = false} : vector<256x256xbf16>, vector<256x8xbf16>, vector<256x8xf32> -> vector<256x8xf32>
      %slice3A_133 = vector.extract_strided_slice %dot_general3A_132 {offsets = [255, 0], sizes = [1, 8], strides = [1, 1]} : vector<256x8xf32> to vector<1x8xf32>
      %slice3A_134 = vector.extract_strided_slice %convert_element_type3A_129 {offsets = [256, 0], sizes = [256, 8], strides = [1, 1]} : vector<2048x8xbf16> to vector<256x8xbf16>
      %dot_general3A_135 = arith.constant dense<0.000000e+00> : vector<256x8xf32>
      %dot_general3A_136 = tpu.matmul %convert_element_type3A_9, %slice3A_134, %dot_general3A_135 {dimension_numbers = #tpu.dot_dimension_numbers<[1], [0], [0], [1], [0, 0, 1, 1], [], []>, transpose_lhs_hint = false} : vector<256x256xbf16>, vector<256x8xbf16>, vector<256x8xf32> -> vector<256x8xf32>
      %slice3A_137 = vector.extract_strided_slice %dot_general3A_136 {offsets = [255, 0], sizes = [1, 8], strides = [1, 1]} : vector<256x8xf32> to vector<1x8xf32>
      %slice3A_138 = vector.extract_strided_slice %convert_element_type3A_129 {offsets = [512, 0], sizes = [256, 8], strides = [1, 1]} : vector<2048x8xbf16> to vector<256x8xbf16>
      %dot_general3A_139 = arith.constant dense<0.000000e+00> : vector<256x8xf32>
      %dot_general3A_140 = tpu.matmul %convert_element_type3A_9, %slice3A_138, %dot_general3A_139 {dimension_numbers = #tpu.dot_dimension_numbers<[1], [0], [0], [1], [0, 0, 1, 1], [], []>, transpose_lhs_hint = false} : vector<256x256xbf16>, vector<256x8xbf16>, vector<256x8xf32> -> vector<256x8xf32>
      %slice3A_141 = vector.extract_strided_slice %dot_general3A_140 {offsets = [255, 0], sizes = [1, 8], strides = [1, 1]} : vector<256x8xf32> to vector<1x8xf32>
      %slice3A_142 = vector.extract_strided_slice %convert_element_type3A_129 {offsets = [768, 0], sizes = [256, 8], strides = [1, 1]} : vector<2048x8xbf16> to vector<256x8xbf16>
      %dot_general3A_143 = arith.constant dense<0.000000e+00> : vector<256x8xf32>
      %dot_general3A_144 = tpu.matmul %convert_element_type3A_9, %slice3A_142, %dot_general3A_143 {dimension_numbers = #tpu.dot_dimension_numbers<[1], [0], [0], [1], [0, 0, 1, 1], [], []>, transpose_lhs_hint = false} : vector<256x256xbf16>, vector<256x8xbf16>, vector<256x8xf32> -> vector<256x8xf32>
      %slice3A_145 = vector.extract_strided_slice %dot_general3A_144 {offsets = [255, 0], sizes = [1, 8], strides = [1, 1]} : vector<256x8xf32> to vector<1x8xf32>
      %slice3A_146 = vector.extract_strided_slice %convert_element_type3A_129 {offsets = [1024, 0], sizes = [256, 8], strides = [1, 1]} : vector<2048x8xbf16> to vector<256x8xbf16>
      %dot_general3A_147 = arith.constant dense<0.000000e+00> : vector<256x8xf32>
      %dot_general3A_148 = tpu.matmul %convert_element_type3A_9, %slice3A_146, %dot_general3A_147 {dimension_numbers = #tpu.dot_dimension_numbers<[1], [0], [0], [1], [0, 0, 1, 1], [], []>, transpose_lhs_hint = false} : vector<256x256xbf16>, vector<256x8xbf16>, vector<256x8xf32> -> vector<256x8xf32>
      %slice3A_149 = vector.extract_strided_slice %dot_general3A_148 {offsets = [255, 0], sizes = [1, 8], strides = [1, 1]} : vector<256x8xf32> to vector<1x8xf32>
      %slice3A_150 = vector.extract_strided_slice %convert_element_type3A_129 {offsets = [1280, 0], sizes = [256, 8], strides = [1, 1]} : vector<2048x8xbf16> to vector<256x8xbf16>
      %dot_general3A_151 = arith.constant dense<0.000000e+00> : vector<256x8xf32>
      %dot_general3A_152 = tpu.matmul %convert_element_type3A_9, %slice3A_150, %dot_general3A_151 {dimension_numbers = #tpu.dot_dimension_numbers<[1], [0], [0], [1], [0, 0, 1, 1], [], []>, transpose_lhs_hint = false} : vector<256x256xbf16>, vector<256x8xbf16>, vector<256x8xf32> -> vector<256x8xf32>
      %slice3A_153 = vector.extract_strided_slice %dot_general3A_152 {offsets = [255, 0], sizes = [1, 8], strides = [1, 1]} : vector<256x8xf32> to vector<1x8xf32>
      %slice3A_154 = vector.extract_strided_slice %convert_element_type3A_129 {offsets = [1536, 0], sizes = [256, 8], strides = [1, 1]} : vector<2048x8xbf16> to vector<256x8xbf16>
      %dot_general3A_155 = arith.constant dense<0.000000e+00> : vector<256x8xf32>
      %dot_general3A_156 = tpu.matmul %convert_element_type3A_9, %slice3A_154, %dot_general3A_155 {dimension_numbers = #tpu.dot_dimension_numbers<[1], [0], [0], [1], [0, 0, 1, 1], [], []>, transpose_lhs_hint = false} : vector<256x256xbf16>, vector<256x8xbf16>, vector<256x8xf32> -> vector<256x8xf32>
      %slice3A_157 = vector.extract_strided_slice %dot_general3A_156 {offsets = [255, 0], sizes = [1, 8], strides = [1, 1]} : vector<256x8xf32> to vector<1x8xf32>
      %slice3A_158 = vector.extract_strided_slice %convert_element_type3A_129 {offsets = [1792, 0], sizes = [256, 8], strides = [1, 1]} : vector<2048x8xbf16> to vector<256x8xbf16>
      %dot_general3A_159 = arith.constant dense<0.000000e+00> : vector<256x8xf32>
      %dot_general3A_160 = tpu.matmul %convert_element_type3A_9, %slice3A_158, %dot_general3A_159 {dimension_numbers = #tpu.dot_dimension_numbers<[1], [0], [0], [1], [0, 0, 1, 1], [], []>, transpose_lhs_hint = false} : vector<256x256xbf16>, vector<256x8xbf16>, vector<256x8xf32> -> vector<256x8xf32>
      %slice3A_161 = vector.extract_strided_slice %dot_general3A_160 {offsets = [255, 0], sizes = [1, 8], strides = [1, 1]} : vector<256x8xf32> to vector<1x8xf32>
      %concatenate3A_162 = tpu.concatenate %slice3A_133, %slice3A_137, %slice3A_141, %slice3A_145, %slice3A_149, %slice3A_153, %slice3A_157, %slice3A_161 in 0 : vector<1x8xf32>, vector<1x8xf32>, vector<1x8xf32>, vector<1x8xf32>, vector<1x8xf32>, vector<1x8xf32>, vector<1x8xf32>, vector<1x8xf32> -> vector<8x8xf32>
      %convert_element_type3A_163 = arith.truncf %concatenate3A_162 : vector<8x8xf32> to vector<8x8xbf16>
      %dot_general3A_164 = arith.constant dense<0.000000e+00> : vector<8x8xf32>
      %dot_general3A_165 = tpu.matmul %convert_element_type3A_15, %convert_element_type3A_163, %dot_general3A_164 {dimension_numbers = #tpu.dot_dimension_numbers<[1], [0], [0], [1], [0, 0, 1, 1], [], []>, transpose_lhs_hint = false} : vector<8x8xbf16>, vector<8x8xbf16>, vector<8x8xf32> -> vector<8x8xf32>
      %slice3A_166 = vector.extract_strided_slice %dot_general3A_165 {offsets = [7, 0], sizes = [1, 8], strides = [1, 1]} : vector<8x8xf32> to vector<1x8xf32>
      %slice3A_167 = vector.extract_strided_slice %concatenate3A_162 {offsets = [7, 0], sizes = [1, 8], strides = [1, 1]} : vector<8x8xf32> to vector<1x8xf32>
      %add3A_168 = arith.addf %slice3A_166, %slice3A_167 : vector<1x8xf32>
      %broadcast_in_dim3A_169 = arith.constant 0.000000e+00 : f32
      %broadcast_in_dim3A_170 = vector.broadcast %broadcast_in_dim3A_169 : f32 to vector<1x1xf32>
      %broadcast_in_dim3A_171 = arith.constant 0.000000e+00 : f32
      %broadcast_in_dim3A_172 = vector.broadcast %broadcast_in_dim3A_171 : f32 to vector<1x1xf32>
      %slice3A_173 = vector.extract_strided_slice %add3A_168 {offsets = [0, 0], sizes = [1, 1], strides = [1, 1]} : vector<1x8xf32> to vector<1x1xf32>
      %add3A_174 = arith.addf %broadcast_in_dim3A_172, %slice3A_173 : vector<1x1xf32>
      %slice3A_175 = vector.extract_strided_slice %add3A_168 {offsets = [0, 1], sizes = [1, 1], strides = [1, 1]} : vector<1x8xf32> to vector<1x1xf32>
      %add3A_176 = arith.addf %add3A_174, %slice3A_175 : vector<1x1xf32>
      %slice3A_177 = vector.extract_strided_slice %add3A_168 {offsets = [0, 2], sizes = [1, 1], strides = [1, 1]} : vector<1x8xf32> to vector<1x1xf32>
      %add3A_178 = arith.addf %add3A_176, %slice3A_177 : vector<1x1xf32>
      %slice3A_179 = vector.extract_strided_slice %add3A_168 {offsets = [0, 3], sizes = [1, 1], strides = [1, 1]} : vector<1x8xf32> to vector<1x1xf32>
      %add3A_180 = arith.addf %add3A_178, %slice3A_179 : vector<1x1xf32>
      %slice3A_181 = vector.extract_strided_slice %add3A_168 {offsets = [0, 4], sizes = [1, 1], strides = [1, 1]} : vector<1x8xf32> to vector<1x1xf32>
      %add3A_182 = arith.addf %add3A_180, %slice3A_181 : vector<1x1xf32>
      %slice3A_183 = vector.extract_strided_slice %add3A_168 {offsets = [0, 5], sizes = [1, 1], strides = [1, 1]} : vector<1x8xf32> to vector<1x1xf32>
      %add3A_184 = arith.addf %add3A_182, %slice3A_183 : vector<1x1xf32>
      %slice3A_185 = vector.extract_strided_slice %add3A_168 {offsets = [0, 6], sizes = [1, 1], strides = [1, 1]} : vector<1x8xf32> to vector<1x1xf32>
      %add3A_186 = arith.addf %add3A_184, %slice3A_185 : vector<1x1xf32>
      %concatenate3A_187 = tpu.concatenate %broadcast_in_dim3A_170, %add3A_174, %add3A_176, %add3A_178, %add3A_180, %add3A_182, %add3A_184, %add3A_186 in 1 : vector<1x1xf32>, vector<1x1xf32>, vector<1x1xf32>, vector<1x1xf32>, vector<1x1xf32>, vector<1x1xf32>, vector<1x1xf32>, vector<1x1xf32> -> vector<1x8xf32>
      %slice3A_188 = vector.extract_strided_slice %dot_general3A_165 {offsets = [0, 0], sizes = [1, 8], strides = [1, 1]} : vector<8x8xf32> to vector<1x8xf32>
      %add3A_189 = vector.broadcast %slice3A_188 : vector<1x8xf32> to vector<256x8xf32>
      %add3A_190 = arith.addf %dot_general3A_132, %add3A_189 : vector<256x8xf32>
      %slice3A_191 = vector.extract_strided_slice %dot_general3A_165 {offsets = [1, 0], sizes = [1, 8], strides = [1, 1]} : vector<8x8xf32> to vector<1x8xf32>
      %add3A_192 = vector.broadcast %slice3A_191 : vector<1x8xf32> to vector<256x8xf32>
      %add3A_193 = arith.addf %dot_general3A_136, %add3A_192 : vector<256x8xf32>
      %slice3A_194 = vector.extract_strided_slice %dot_general3A_165 {offsets = [2, 0], sizes = [1, 8], strides = [1, 1]} : vector<8x8xf32> to vector<1x8xf32>
      %add3A_195 = vector.broadcast %slice3A_194 : vector<1x8xf32> to vector<256x8xf32>
      %add3A_196 = arith.addf %dot_general3A_140, %add3A_195 : vector<256x8xf32>
      %slice3A_197 = vector.extract_strided_slice %dot_general3A_165 {offsets = [3, 0], sizes = [1, 8], strides = [1, 1]} : vector<8x8xf32> to vector<1x8xf32>
      %add3A_198 = vector.broadcast %slice3A_197 : vector<1x8xf32> to vector<256x8xf32>
      %add3A_199 = arith.addf %dot_general3A_144, %add3A_198 : vector<256x8xf32>
      %slice3A_200 = vector.extract_strided_slice %dot_general3A_165 {offsets = [4, 0], sizes = [1, 8], strides = [1, 1]} : vector<8x8xf32> to vector<1x8xf32>
      %add3A_201 = vector.broadcast %slice3A_200 : vector<1x8xf32> to vector<256x8xf32>
      %add3A_202 = arith.addf %dot_general3A_148, %add3A_201 : vector<256x8xf32>
      %slice3A_203 = vector.extract_strided_slice %dot_general3A_165 {offsets = [5, 0], sizes = [1, 8], strides = [1, 1]} : vector<8x8xf32> to vector<1x8xf32>
      %add3A_204 = vector.broadcast %slice3A_203 : vector<1x8xf32> to vector<256x8xf32>
      %add3A_205 = arith.addf %dot_general3A_152, %add3A_204 : vector<256x8xf32>
      %slice3A_206 = vector.extract_strided_slice %dot_general3A_165 {offsets = [6, 0], sizes = [1, 8], strides = [1, 1]} : vector<8x8xf32> to vector<1x8xf32>
      %add3A_207 = vector.broadcast %slice3A_206 : vector<1x8xf32> to vector<256x8xf32>
      %add3A_208 = arith.addf %dot_general3A_156, %add3A_207 : vector<256x8xf32>
      %slice3A_209 = vector.extract_strided_slice %dot_general3A_165 {offsets = [7, 0], sizes = [1, 8], strides = [1, 1]} : vector<8x8xf32> to vector<1x8xf32>
      %add3A_210 = vector.broadcast %slice3A_209 : vector<1x8xf32> to vector<256x8xf32>
      %add3A_211 = arith.addf %dot_general3A_160, %add3A_210 : vector<256x8xf32>
      %concatenate3A_212 = tpu.concatenate %add3A_190, %add3A_193, %add3A_196, %add3A_199, %add3A_202, %add3A_205, %add3A_208, %add3A_211 in 0 : vector<256x8xf32>, vector<256x8xf32>, vector<256x8xf32>, vector<256x8xf32>, vector<256x8xf32>, vector<256x8xf32>, vector<256x8xf32>, vector<256x8xf32> -> vector<2048x8xf32>
      %convert_element_type3A_213 = arith.extf %convert_element_type3A_129 : vector<2048x8xbf16> to vector<2048x8xf32>
      %add3A_214 = vector.broadcast %concatenate3A_187 : vector<1x8xf32> to vector<2048x8xf32>
      %add3A_215 = arith.addf %add3A_214, %concatenate3A_212 : vector<2048x8xf32>
      %sub3A_216 = arith.constant 1.000000e+00 : f32
      %sub3A_217 = vector.broadcast %sub3A_216 : f32 to vector<2048x8xf32>
      %sub3A_218 = arith.subf %add3A_215, %sub3A_217 : vector<2048x8xf32>
      %mul3A_219 = arith.mulf %convert_element_type3A_213, %sub3A_218 : vector<2048x8xf32>
      %reduce_sum3A_220 = arith.constant dense<0.000000e+00> : vector<2048xf32>
      %reduce_sum3A_221 = vector.multi_reduction <add>, %mul3A_219, %reduce_sum3A_220 [1] : vector<2048x8xf32> to vector<2048xf32>
      %broadcast_in_dim3A_222 = vector.shape_cast %reduce_sum3A_221 : vector<2048xf32> to vector<2048x1xf32>
      %convert_element_type3A_223 = arith.fptosi %broadcast_in_dim3A_222 : vector<2048x1xf32> to vector<2048x1xi32>
      %swap3A_224 = arith.constant 0 : index
      %swap3A_225 = arith.constant 1 : index
      %swap3A_226 = vector.load %arg9[%swap3A_224, %swap3A_225] : memref<2048x4xi32, #tpu.memory_space<vmem>>, vector<2048x1xi32>
      tpu.vector_store %arg9[%swap3A_224, %swap3A_225], %convert_element_type3A_223 {strides = array<i32>} : memref<2048x4xi32, #tpu.memory_space<vmem>>, vector<2048x1xi32>,
      %convert_element_type3A_227 = arith.fptosi %concatenate3A_187 : vector<1x8xf32> to vector<1x8xi32>
      %swap3A_228 = arith.constant 1 : index
      %swap3A_229 = arith.constant 0 : index
      %swap3A_230 = arith.constant 0 : index
      %swap3A_231 = vector.load %arg10[%swap3A_228, %swap3A_229, %swap3A_230] : memref<4x1x8xi32, #tpu.memory_space<vmem>>, vector<1x1x8xi32>
      %swap3A_232 = vector.shape_cast %swap3A_231 : vector<1x1x8xi32> to vector<1x8xi32>
      %swap3A_233 = vector.shape_cast %convert_element_type3A_227 : vector<1x8xi32> to vector<1x1x8xi32>
      tpu.vector_store %arg10[%swap3A_228, %swap3A_229, %swap3A_230], %swap3A_233 {strides = array<i32>} : memref<4x1x8xi32, #tpu.memory_space<vmem>>, vector<1x1x8xi32>,
      %get3A_234 = arith.constant 0 : index
      %get3A_235 = arith.constant 0 : index
      %get3A_236 = vector.load %arg3[%get3A_234, %get3A_235] : memref<2048x8xf32, #tpu.memory_space<vmem>>, vector<2048x8xf32>
      %argmax3A_237 = tpu.reduce_index %get3A_236 {axis = 1 : i32, kind = #tpu.reduction_kind<arg_max>} : vector<2048x8xf32> -> vector<2048xi32>
      %broadcast_in_dim3A_238 = vector.shape_cast %argmax3A_237 : vector<2048xi32> to vector<2048x1xi32>
      %eq3A_239 = vector.broadcast %broadcast_in_dim3A_238 : vector<2048x1xi32> to vector<2048x8xi32>
      %eq3A_240 = arith.cmpi eq, %iota3A_16, %eq3A_239 : vector<2048x8xi32>
      %convert_element_type3A_241 = arith.extui %eq3A_240 : vector<2048x8xi1> to vector<2048x8xi32>
      %convert_element_type3A_242 = arith.sitofp %convert_element_type3A_241 : vector<2048x8xi32> to vector<2048x8xf32>
      %convert_element_type3A_243 = arith.truncf %convert_element_type3A_242 : vector<2048x8xf32> to vector<2048x8xbf16>
      %slice3A_244 = vector.extract_strided_slice %convert_element_type3A_243 {offsets = [0, 0], sizes = [256, 8], strides = [1, 1]} : vector<2048x8xbf16> to vector<256x8xbf16>
      %dot_general3A_245 = arith.constant dense<0.000000e+00> : vector<256x8xf32>
      %dot_general3A_246 = tpu.matmul %convert_element_type3A_9, %slice3A_244, %dot_general3A_245 {dimension_numbers = #tpu.dot_dimension_numbers<[1], [0], [0], [1], [0, 0, 1, 1], [], []>, transpose_lhs_hint = false} : vector<256x256xbf16>, vector<256x8xbf16>, vector<256x8xf32> -> vector<256x8xf32>
      %slice3A_247 = vector.extract_strided_slice %dot_general3A_246 {offsets = [255, 0], sizes = [1, 8], strides = [1, 1]} : vector<256x8xf32> to vector<1x8xf32>
      %slice3A_248 = vector.extract_strided_slice %convert_element_type3A_243 {offsets = [256, 0], sizes = [256, 8], strides = [1, 1]} : vector<2048x8xbf16> to vector<256x8xbf16>
      %dot_general3A_249 = arith.constant dense<0.000000e+00> : vector<256x8xf32>
      %dot_general3A_250 = tpu.matmul %convert_element_type3A_9, %slice3A_248, %dot_general3A_249 {dimension_numbers = #tpu.dot_dimension_numbers<[1], [0], [0], [1], [0, 0, 1, 1], [], []>, transpose_lhs_hint = false} : vector<256x256xbf16>, vector<256x8xbf16>, vector<256x8xf32> -> vector<256x8xf32>
      %slice3A_251 = vector.extract_strided_slice %dot_general3A_250 {offsets = [255, 0], sizes = [1, 8], strides = [1, 1]} : vector<256x8xf32> to vector<1x8xf32>
      %slice3A_252 = vector.extract_strided_slice %convert_element_type3A_243 {offsets = [512, 0], sizes = [256, 8], strides = [1, 1]} : vector<2048x8xbf16> to vector<256x8xbf16>
      %dot_general3A_253 = arith.constant dense<0.000000e+00> : vector<256x8xf32>
      %dot_general3A_254 = tpu.matmul %convert_element_type3A_9, %slice3A_252, %dot_general3A_253 {dimension_numbers = #tpu.dot_dimension_numbers<[1], [0], [0], [1], [0, 0, 1, 1], [], []>, transpose_lhs_hint = false} : vector<256x256xbf16>, vector<256x8xbf16>, vector<256x8xf32> -> vector<256x8xf32>
      %slice3A_255 = vector.extract_strided_slice %dot_general3A_254 {offsets = [255, 0], sizes = [1, 8], strides = [1, 1]} : vector<256x8xf32> to vector<1x8xf32>
      %slice3A_256 = vector.extract_strided_slice %convert_element_type3A_243 {offsets = [768, 0], sizes = [256, 8], strides = [1, 1]} : vector<2048x8xbf16> to vector<256x8xbf16>
      %dot_general3A_257 = arith.constant dense<0.000000e+00> : vector<256x8xf32>
      %dot_general3A_258 = tpu.matmul %convert_element_type3A_9, %slice3A_256, %dot_general3A_257 {dimension_numbers = #tpu.dot_dimension_numbers<[1], [0], [0], [1], [0, 0, 1, 1], [], []>, transpose_lhs_hint = false} : vector<256x256xbf16>, vector<256x8xbf16>, vector<256x8xf32> -> vector<256x8xf32>
      %slice3A_259 = vector.extract_strided_slice %dot_general3A_258 {offsets = [255, 0], sizes = [1, 8], strides = [1, 1]} : vector<256x8xf32> to vector<1x8xf32>
      %slice3A_260 = vector.extract_strided_slice %convert_element_type3A_243 {offsets = [1024, 0], sizes = [256, 8], strides = [1, 1]} : vector<2048x8xbf16> to vector<256x8xbf16>
      %dot_general3A_261 = arith.constant dense<0.000000e+00> : vector<256x8xf32>
      %dot_general3A_262 = tpu.matmul %convert_element_type3A_9, %slice3A_260, %dot_general3A_261 {dimension_numbers = #tpu.dot_dimension_numbers<[1], [0], [0], [1], [0, 0, 1, 1], [], []>, transpose_lhs_hint = false} : vector<256x256xbf16>, vector<256x8xbf16>, vector<256x8xf32> -> vector<256x8xf32>
      %slice3A_263 = vector.extract_strided_slice %dot_general3A_262 {offsets = [255, 0], sizes = [1, 8], strides = [1, 1]} : vector<256x8xf32> to vector<1x8xf32>
      %slice3A_264 = vector.extract_strided_slice %convert_element_type3A_243 {offsets = [1280, 0], sizes = [256, 8], strides = [1, 1]} : vector<2048x8xbf16> to vector<256x8xbf16>
      %dot_general3A_265 = arith.constant dense<0.000000e+00> : vector<256x8xf32>
      %dot_general3A_266 = tpu.matmul %convert_element_type3A_9, %slice3A_264, %dot_general3A_265 {dimension_numbers = #tpu.dot_dimension_numbers<[1], [0], [0], [1], [0, 0, 1, 1], [], []>, transpose_lhs_hint = false} : vector<256x256xbf16>, vector<256x8xbf16>, vector<256x8xf32> -> vector<256x8xf32>
      %slice3A_267 = vector.extract_strided_slice %dot_general3A_266 {offsets = [255, 0], sizes = [1, 8], strides = [1, 1]} : vector<256x8xf32> to vector<1x8xf32>
      %slice3A_268 = vector.extract_strided_slice %convert_element_type3A_243 {offsets = [1536, 0], sizes = [256, 8], strides = [1, 1]} : vector<2048x8xbf16> to vector<256x8xbf16>
      %dot_general3A_269 = arith.constant dense<0.000000e+00> : vector<256x8xf32>
      %dot_general3A_270 = tpu.matmul %convert_element_type3A_9, %slice3A_268, %dot_general3A_269 {dimension_numbers = #tpu.dot_dimension_numbers<[1], [0], [0], [1], [0, 0, 1, 1], [], []>, transpose_lhs_hint = false} : vector<256x256xbf16>, vector<256x8xbf16>, vector<256x8xf32> -> vector<256x8xf32>
      %slice3A_271 = vector.extract_strided_slice %dot_general3A_270 {offsets = [255, 0], sizes = [1, 8], strides = [1, 1]} : vector<256x8xf32> to vector<1x8xf32>
      %slice3A_272 = vector.extract_strided_slice %convert_element_type3A_243 {offsets = [1792, 0], sizes = [256, 8], strides = [1, 1]} : vector<2048x8xbf16> to vector<256x8xbf16>
      %dot_general3A_273 = arith.constant dense<0.000000e+00> : vector<256x8xf32>
      %dot_general3A_274 = tpu.matmul %convert_element_type3A_9, %slice3A_272, %dot_general3A_273 {dimension_numbers = #tpu.dot_dimension_numbers<[1], [0], [0], [1], [0, 0, 1, 1], [], []>, transpose_lhs_hint = false} : vector<256x256xbf16>, vector<256x8xbf16>, vector<256x8xf32> -> vector<256x8xf32>
      %slice3A_275 = vector.extract_strided_slice %dot_general3A_274 {offsets = [255, 0], sizes = [1, 8], strides = [1, 1]} : vector<256x8xf32> to vector<1x8xf32>
      %concatenate3A_276 = tpu.concatenate %slice3A_247, %slice3A_251, %slice3A_255, %slice3A_259, %slice3A_263, %slice3A_267, %slice3A_271, %slice3A_275 in 0 : vector<1x8xf32>, vector<1x8xf32>, vector<1x8xf32>, vector<1x8xf32>, vector<1x8xf32>, vector<1x8xf32>, vector<1x8xf32>, vector<1x8xf32> -> vector<8x8xf32>
      %convert_element_type3A_277 = arith.truncf %concatenate3A_276 : vector<8x8xf32> to vector<8x8xbf16>
      %dot_general3A_278 = arith.constant dense<0.000000e+00> : vector<8x8xf32>
      %dot_general3A_279 = tpu.matmul %convert_element_type3A_15, %convert_element_type3A_277, %dot_general3A_278 {dimension_numbers = #tpu.dot_dimension_numbers<[1], [0], [0], [1], [0, 0, 1, 1], [], []>, transpose_lhs_hint = false} : vector<8x8xbf16>, vector<8x8xbf16>, vector<8x8xf32> -> vector<8x8xf32>
      %slice3A_280 = vector.extract_strided_slice %dot_general3A_279 {offsets = [7, 0], sizes = [1, 8], strides = [1, 1]} : vector<8x8xf32> to vector<1x8xf32>
      %slice3A_281 = vector.extract_strided_slice %concatenate3A_276 {offsets = [7, 0], sizes = [1, 8], strides = [1, 1]} : vector<8x8xf32> to vector<1x8xf32>
      %add3A_282 = arith.addf %slice3A_280, %slice3A_281 : vector<1x8xf32>
      %broadcast_in_dim3A_283 = arith.constant 0.000000e+00 : f32
      %broadcast_in_dim3A_284 = vector.broadcast %broadcast_in_dim3A_283 : f32 to vector<1x1xf32>
      %broadcast_in_dim3A_285 = arith.constant 0.000000e+00 : f32
      %broadcast_in_dim3A_286 = vector.broadcast %broadcast_in_dim3A_285 : f32 to vector<1x1xf32>
      %slice3A_287 = vector.extract_strided_slice %add3A_282 {offsets = [0, 0], sizes = [1, 1], strides = [1, 1]} : vector<1x8xf32> to vector<1x1xf32>
      %add3A_288 = arith.addf %broadcast_in_dim3A_286, %slice3A_287 : vector<1x1xf32>
      %slice3A_289 = vector.extract_strided_slice %add3A_282 {offsets = [0, 1], sizes = [1, 1], strides = [1, 1]} : vector<1x8xf32> to vector<1x1xf32>
      %add3A_290 = arith.addf %add3A_288, %slice3A_289 : vector<1x1xf32>
      %slice3A_291 = vector.extract_strided_slice %add3A_282 {offsets = [0, 2], sizes = [1, 1], strides = [1, 1]} : vector<1x8xf32> to vector<1x1xf32>
      %add3A_292 = arith.addf %add3A_290, %slice3A_291 : vector<1x1xf32>
      %slice3A_293 = vector.extract_strided_slice %add3A_282 {offsets = [0, 3], sizes = [1, 1], strides = [1, 1]} : vector<1x8xf32> to vector<1x1xf32>
      %add3A_294 = arith.addf %add3A_292, %slice3A_293 : vector<1x1xf32>
      %slice3A_295 = vector.extract_strided_slice %add3A_282 {offsets = [0, 4], sizes = [1, 1], strides = [1, 1]} : vector<1x8xf32> to vector<1x1xf32>
      %add3A_296 = arith.addf %add3A_294, %slice3A_295 : vector<1x1xf32>
      %slice3A_297 = vector.extract_strided_slice %add3A_282 {offsets = [0, 5], sizes = [1, 1], strides = [1, 1]} : vector<1x8xf32> to vector<1x1xf32>
      %add3A_298 = arith.addf %add3A_296, %slice3A_297 : vector<1x1xf32>
      %slice3A_299 = vector.extract_strided_slice %add3A_282 {offsets = [0, 6], sizes = [1, 1], strides = [1, 1]} : vector<1x8xf32> to vector<1x1xf32>
      %add3A_300 = arith.addf %add3A_298, %slice3A_299 : vector<1x1xf32>
      %concatenate3A_301 = tpu.concatenate %broadcast_in_dim3A_284, %add3A_288, %add3A_290, %add3A_292, %add3A_294, %add3A_296, %add3A_298, %add3A_300 in 1 : vector<1x1xf32>, vector<1x1xf32>, vector<1x1xf32>, vector<1x1xf32>, vector<1x1xf32>, vector<1x1xf32>, vector<1x1xf32>, vector<1x1xf32> -> vector<1x8xf32>
      %slice3A_302 = vector.extract_strided_slice %dot_general3A_279 {offsets = [0, 0], sizes = [1, 8], strides = [1, 1]} : vector<8x8xf32> to vector<1x8xf32>
      %add3A_303 = vector.broadcast %slice3A_302 : vector<1x8xf32> to vector<256x8xf32>
      %add3A_304 = arith.addf %dot_general3A_246, %add3A_303 : vector<256x8xf32>
      %slice3A_305 = vector.extract_strided_slice %dot_general3A_279 {offsets = [1, 0], sizes = [1, 8], strides = [1, 1]} : vector<8x8xf32> to vector<1x8xf32>
      %add3A_306 = vector.broadcast %slice3A_305 : vector<1x8xf32> to vector<256x8xf32>
      %add3A_307 = arith.addf %dot_general3A_250, %add3A_306 : vector<256x8xf32>
      %slice3A_308 = vector.extract_strided_slice %dot_general3A_279 {offsets = [2, 0], sizes = [1, 8], strides = [1, 1]} : vector<8x8xf32> to vector<1x8xf32>
      %add3A_309 = vector.broadcast %slice3A_308 : vector<1x8xf32> to vector<256x8xf32>
      %add3A_310 = arith.addf %dot_general3A_254, %add3A_309 : vector<256x8xf32>
      %slice3A_311 = vector.extract_strided_slice %dot_general3A_279 {offsets = [3, 0], sizes = [1, 8], strides = [1, 1]} : vector<8x8xf32> to vector<1x8xf32>
      %add3A_312 = vector.broadcast %slice3A_311 : vector<1x8xf32> to vector<256x8xf32>
      %add3A_313 = arith.addf %dot_general3A_258, %add3A_312 : vector<256x8xf32>
      %slice3A_314 = vector.extract_strided_slice %dot_general3A_279 {offsets = [4, 0], sizes = [1, 8], strides = [1, 1]} : vector<8x8xf32> to vector<1x8xf32>
      %add3A_315 = vector.broadcast %slice3A_314 : vector<1x8xf32> to vector<256x8xf32>
      %add3A_316 = arith.addf %dot_general3A_262, %add3A_315 : vector<256x8xf32>
      %slice3A_317 = vector.extract_strided_slice %dot_general3A_279 {offsets = [5, 0], sizes = [1, 8], strides = [1, 1]} : vector<8x8xf32> to vector<1x8xf32>
      %add3A_318 = vector.broadcast %slice3A_317 : vector<1x8xf32> to vector<256x8xf32>
      %add3A_319 = arith.addf %dot_general3A_266, %add3A_318 : vector<256x8xf32>
      %slice3A_320 = vector.extract_strided_slice %dot_general3A_279 {offsets = [6, 0], sizes = [1, 8], strides = [1, 1]} : vector<8x8xf32> to vector<1x8xf32>
      %add3A_321 = vector.broadcast %slice3A_320 : vector<1x8xf32> to vector<256x8xf32>
      %add3A_322 = arith.addf %dot_general3A_270, %add3A_321 : vector<256x8xf32>
      %slice3A_323 = vector.extract_strided_slice %dot_general3A_279 {offsets = [7, 0], sizes = [1, 8], strides = [1, 1]} : vector<8x8xf32> to vector<1x8xf32>
      %add3A_324 = vector.broadcast %slice3A_323 : vector<1x8xf32> to vector<256x8xf32>
      %add3A_325 = arith.addf %dot_general3A_274, %add3A_324 : vector<256x8xf32>
      %concatenate3A_326 = tpu.concatenate %add3A_304, %add3A_307, %add3A_310, %add3A_313, %add3A_316, %add3A_319, %add3A_322, %add3A_325 in 0 : vector<256x8xf32>, vector<256x8xf32>, vector<256x8xf32>, vector<256x8xf32>, vector<256x8xf32>, vector<256x8xf32>, vector<256x8xf32>, vector<256x8xf32> -> vector<2048x8xf32>
      %convert_element_type3A_327 = arith.extf %convert_element_type3A_243 : vector<2048x8xbf16> to vector<2048x8xf32>
      %add3A_328 = vector.broadcast %concatenate3A_301 : vector<1x8xf32> to vector<2048x8xf32>
      %add3A_329 = arith.addf %add3A_328, %concatenate3A_326 : vector<2048x8xf32>
      %sub3A_330 = arith.constant 1.000000e+00 : f32
      %sub3A_331 = vector.broadcast %sub3A_330 : f32 to vector<2048x8xf32>
      %sub3A_332 = arith.subf %add3A_329, %sub3A_331 : vector<2048x8xf32>
      %mul3A_333 = arith.mulf %convert_element_type3A_327, %sub3A_332 : vector<2048x8xf32>
      %reduce_sum3A_334 = arith.constant dense<0.000000e+00> : vector<2048xf32>
      %reduce_sum3A_335 = vector.multi_reduction <add>, %mul3A_333, %reduce_sum3A_334 [1] : vector<2048x8xf32> to vector<2048xf32>
      %broadcast_in_dim3A_336 = vector.shape_cast %reduce_sum3A_335 : vector<2048xf32> to vector<2048x1xf32>
      %convert_element_type3A_337 = arith.fptosi %broadcast_in_dim3A_336 : vector<2048x1xf32> to vector<2048x1xi32>
      %swap3A_338 = arith.constant 0 : index
      %swap3A_339 = arith.constant 2 : index
      %swap3A_340 = vector.load %arg9[%swap3A_338, %swap3A_339] : memref<2048x4xi32, #tpu.memory_space<vmem>>, vector<2048x1xi32>
      tpu.vector_store %arg9[%swap3A_338, %swap3A_339], %convert_element_type3A_337 {strides = array<i32>} : memref<2048x4xi32, #tpu.memory_space<vmem>>, vector<2048x1xi32>,
      %convert_element_type3A_341 = arith.fptosi %concatenate3A_301 : vector<1x8xf32> to vector<1x8xi32>
      %swap3A_342 = arith.constant 2 : index
      %swap3A_343 = arith.constant 0 : index
      %swap3A_344 = arith.constant 0 : index
      %swap3A_345 = vector.load %arg10[%swap3A_342, %swap3A_343, %swap3A_344] : memref<4x1x8xi32, #tpu.memory_space<vmem>>, vector<1x1x8xi32>
      %swap3A_346 = vector.shape_cast %swap3A_345 : vector<1x1x8xi32> to vector<1x8xi32>
      %swap3A_347 = vector.shape_cast %convert_element_type3A_341 : vector<1x8xi32> to vector<1x1x8xi32>
      tpu.vector_store %arg10[%swap3A_342, %swap3A_343, %swap3A_344], %swap3A_347 {strides = array<i32>} : memref<4x1x8xi32, #tpu.memory_space<vmem>>, vector<1x1x8xi32>,
      %get3A_348 = arith.constant 0 : index
      %get3A_349 = arith.constant 0 : index
      %get3A_350 = vector.load %arg5[%get3A_348, %get3A_349] : memref<2048x8xf32, #tpu.memory_space<vmem>>, vector<2048x8xf32>
      %argmax3A_351 = tpu.reduce_index %get3A_350 {axis = 1 : i32, kind = #tpu.reduction_kind<arg_max>} : vector<2048x8xf32> -> vector<2048xi32>
      %broadcast_in_dim3A_352 = vector.shape_cast %argmax3A_351 : vector<2048xi32> to vector<2048x1xi32>
      %eq3A_353 = vector.broadcast %broadcast_in_dim3A_352 : vector<2048x1xi32> to vector<2048x8xi32>
      %eq3A_354 = arith.cmpi eq, %iota3A_16, %eq3A_353 : vector<2048x8xi32>
      %convert_element_type3A_355 = arith.extui %eq3A_354 : vector<2048x8xi1> to vector<2048x8xi32>
      %convert_element_type3A_356 = arith.sitofp %convert_element_type3A_355 : vector<2048x8xi32> to vector<2048x8xf32>
      %convert_element_type3A_357 = arith.truncf %convert_element_type3A_356 : vector<2048x8xf32> to vector<2048x8xbf16>
      %slice3A_358 = vector.extract_strided_slice %convert_element_type3A_357 {offsets = [0, 0], sizes = [256, 8], strides = [1, 1]} : vector<2048x8xbf16> to vector<256x8xbf16>
      %dot_general3A_359 = arith.constant dense<0.000000e+00> : vector<256x8xf32>
      %dot_general3A_360 = tpu.matmul %convert_element_type3A_9, %slice3A_358, %dot_general3A_359 {dimension_numbers = #tpu.dot_dimension_numbers<[1], [0], [0], [1], [0, 0, 1, 1], [], []>, transpose_lhs_hint = false} : vector<256x256xbf16>, vector<256x8xbf16>, vector<256x8xf32> -> vector<256x8xf32>
      %slice3A_361 = vector.extract_strided_slice %dot_general3A_360 {offsets = [255, 0], sizes = [1, 8], strides = [1, 1]} : vector<256x8xf32> to vector<1x8xf32>
      %slice3A_362 = vector.extract_strided_slice %convert_element_type3A_357 {offsets = [256, 0], sizes = [256, 8], strides = [1, 1]} : vector<2048x8xbf16> to vector<256x8xbf16>
      %dot_general3A_363 = arith.constant dense<0.000000e+00> : vector<256x8xf32>
      %dot_general3A_364 = tpu.matmul %convert_element_type3A_9, %slice3A_362, %dot_general3A_363 {dimension_numbers = #tpu.dot_dimension_numbers<[1], [0], [0], [1], [0, 0, 1, 1], [], []>, transpose_lhs_hint = false} : vector<256x256xbf16>, vector<256x8xbf16>, vector<256x8xf32> -> vector<256x8xf32>
      %slice3A_365 = vector.extract_strided_slice %dot_general3A_364 {offsets = [255, 0], sizes = [1, 8], strides = [1, 1]} : vector<256x8xf32> to vector<1x8xf32>
      %slice3A_366 = vector.extract_strided_slice %convert_element_type3A_357 {offsets = [512, 0], sizes = [256, 8], strides = [1, 1]} : vector<2048x8xbf16> to vector<256x8xbf16>
      %dot_general3A_367 = arith.constant dense<0.000000e+00> : vector<256x8xf32>
      %dot_general3A_368 = tpu.matmul %convert_element_type3A_9, %slice3A_366, %dot_general3A_367 {dimension_numbers = #tpu.dot_dimension_numbers<[1], [0], [0], [1], [0, 0, 1, 1], [], []>, transpose_lhs_hint = false} : vector<256x256xbf16>, vector<256x8xbf16>, vector<256x8xf32> -> vector<256x8xf32>
      %slice3A_369 = vector.extract_strided_slice %dot_general3A_368 {offsets = [255, 0], sizes = [1, 8], strides = [1, 1]} : vector<256x8xf32> to vector<1x8xf32>
      %slice3A_370 = vector.extract_strided_slice %convert_element_type3A_357 {offsets = [768, 0], sizes = [256, 8], strides = [1, 1]} : vector<2048x8xbf16> to vector<256x8xbf16>
      %dot_general3A_371 = arith.constant dense<0.000000e+00> : vector<256x8xf32>
      %dot_general3A_372 = tpu.matmul %convert_element_type3A_9, %slice3A_370, %dot_general3A_371 {dimension_numbers = #tpu.dot_dimension_numbers<[1], [0], [0], [1], [0, 0, 1, 1], [], []>, transpose_lhs_hint = false} : vector<256x256xbf16>, vector<256x8xbf16>, vector<256x8xf32> -> vector<256x8xf32>
      %slice3A_373 = vector.extract_strided_slice %dot_general3A_372 {offsets = [255, 0], sizes = [1, 8], strides = [1, 1]} : vector<256x8xf32> to vector<1x8xf32>
      %slice3A_374 = vector.extract_strided_slice %convert_element_type3A_357 {offsets = [1024, 0], sizes = [256, 8], strides = [1, 1]} : vector<2048x8xbf16> to vector<256x8xbf16>
      %dot_general3A_375 = arith.constant dense<0.000000e+00> : vector<256x8xf32>
      %dot_general3A_376 = tpu.matmul %convert_element_type3A_9, %slice3A_374, %dot_general3A_375 {dimension_numbers = #tpu.dot_dimension_numbers<[1], [0], [0], [1], [0, 0, 1, 1], [], []>, transpose_lhs_hint = false} : vector<256x256xbf16>, vector<256x8xbf16>, vector<256x8xf32> -> vector<256x8xf32>
      %slice3A_377 = vector.extract_strided_slice %dot_general3A_376 {offsets = [255, 0], sizes = [1, 8], strides = [1, 1]} : vector<256x8xf32> to vector<1x8xf32>
      %slice3A_378 = vector.extract_strided_slice %convert_element_type3A_357 {offsets = [1280, 0], sizes = [256, 8], strides = [1, 1]} : vector<2048x8xbf16> to vector<256x8xbf16>
      %dot_general3A_379 = arith.constant dense<0.000000e+00> : vector<256x8xf32>
      %dot_general3A_380 = tpu.matmul %convert_element_type3A_9, %slice3A_378, %dot_general3A_379 {dimension_numbers = #tpu.dot_dimension_numbers<[1], [0], [0], [1], [0, 0, 1, 1], [], []>, transpose_lhs_hint = false} : vector<256x256xbf16>, vector<256x8xbf16>, vector<256x8xf32> -> vector<256x8xf32>
      %slice3A_381 = vector.extract_strided_slice %dot_general3A_380 {offsets = [255, 0], sizes = [1, 8], strides = [1, 1]} : vector<256x8xf32> to vector<1x8xf32>
      %slice3A_382 = vector.extract_strided_slice %convert_element_type3A_357 {offsets = [1536, 0], sizes = [256, 8], strides = [1, 1]} : vector<2048x8xbf16> to vector<256x8xbf16>
      %dot_general3A_383 = arith.constant dense<0.000000e+00> : vector<256x8xf32>
      %dot_general3A_384 = tpu.matmul %convert_element_type3A_9, %slice3A_382, %dot_general3A_383 {dimension_numbers = #tpu.dot_dimension_numbers<[1], [0], [0], [1], [0, 0, 1, 1], [], []>, transpose_lhs_hint = false} : vector<256x256xbf16>, vector<256x8xbf16>, vector<256x8xf32> -> vector<256x8xf32>
      %slice3A_385 = vector.extract_strided_slice %dot_general3A_384 {offsets = [255, 0], sizes = [1, 8], strides = [1, 1]} : vector<256x8xf32> to vector<1x8xf32>
      %slice3A_386 = vector.extract_strided_slice %convert_element_type3A_357 {offsets = [1792, 0], sizes = [256, 8], strides = [1, 1]} : vector<2048x8xbf16> to vector<256x8xbf16>
      %dot_general3A_387 = arith.constant dense<0.000000e+00> : vector<256x8xf32>
      %dot_general3A_388 = tpu.matmul %convert_element_type3A_9, %slice3A_386, %dot_general3A_387 {dimension_numbers = #tpu.dot_dimension_numbers<[1], [0], [0], [1], [0, 0, 1, 1], [], []>, transpose_lhs_hint = false} : vector<256x256xbf16>, vector<256x8xbf16>, vector<256x8xf32> -> vector<256x8xf32>
      %slice3A_389 = vector.extract_strided_slice %dot_general3A_388 {offsets = [255, 0], sizes = [1, 8], strides = [1, 1]} : vector<256x8xf32> to vector<1x8xf32>
      %concatenate3A_390 = tpu.concatenate %slice3A_361, %slice3A_365, %slice3A_369, %slice3A_373, %slice3A_377, %slice3A_381, %slice3A_385, %slice3A_389 in 0 : vector<1x8xf32>, vector<1x8xf32>, vector<1x8xf32>, vector<1x8xf32>, vector<1x8xf32>, vector<1x8xf32>, vector<1x8xf32>, vector<1x8xf32> -> vector<8x8xf32>
      %convert_element_type3A_391 = arith.truncf %concatenate3A_390 : vector<8x8xf32> to vector<8x8xbf16>
      %dot_general3A_392 = arith.constant dense<0.000000e+00> : vector<8x8xf32>
      %dot_general3A_393 = tpu.matmul %convert_element_type3A_15, %convert_element_type3A_391, %dot_general3A_392 {dimension_numbers = #tpu.dot_dimension_numbers<[1], [0], [0], [1], [0, 0, 1, 1], [], []>, transpose_lhs_hint = false} : vector<8x8xbf16>, vector<8x8xbf16>, vector<8x8xf32> -> vector<8x8xf32>
      %slice3A_394 = vector.extract_strided_slice %dot_general3A_393 {offsets = [7, 0], sizes = [1, 8], strides = [1, 1]} : vector<8x8xf32> to vector<1x8xf32>
      %slice3A_395 = vector.extract_strided_slice %concatenate3A_390 {offsets = [7, 0], sizes = [1, 8], strides = [1, 1]} : vector<8x8xf32> to vector<1x8xf32>
      %add3A_396 = arith.addf %slice3A_394, %slice3A_395 : vector<1x8xf32>
      %broadcast_in_dim3A_397 = arith.constant 0.000000e+00 : f32
      %broadcast_in_dim3A_398 = vector.broadcast %broadcast_in_dim3A_397 : f32 to vector<1x1xf32>
      %broadcast_in_dim3A_399 = arith.constant 0.000000e+00 : f32
      %broadcast_in_dim3A_400 = vector.broadcast %broadcast_in_dim3A_399 : f32 to vector<1x1xf32>
      %slice3A_401 = vector.extract_strided_slice %add3A_396 {offsets = [0, 0], sizes = [1, 1], strides = [1, 1]} : vector<1x8xf32> to vector<1x1xf32>
      %add3A_402 = arith.addf %broadcast_in_dim3A_400, %slice3A_401 : vector<1x1xf32>
      %slice3A_403 = vector.extract_strided_slice %add3A_396 {offsets = [0, 1], sizes = [1, 1], strides = [1, 1]} : vector<1x8xf32> to vector<1x1xf32>
      %add3A_404 = arith.addf %add3A_402, %slice3A_403 : vector<1x1xf32>
      %slice3A_405 = vector.extract_strided_slice %add3A_396 {offsets = [0, 2], sizes = [1, 1], strides = [1, 1]} : vector<1x8xf32> to vector<1x1xf32>
      %add3A_406 = arith.addf %add3A_404, %slice3A_405 : vector<1x1xf32>
      %slice3A_407 = vector.extract_strided_slice %add3A_396 {offsets = [0, 3], sizes = [1, 1], strides = [1, 1]} : vector<1x8xf32> to vector<1x1xf32>
      %add3A_408 = arith.addf %add3A_406, %slice3A_407 : vector<1x1xf32>
      %slice3A_409 = vector.extract_strided_slice %add3A_396 {offsets = [0, 4], sizes = [1, 1], strides = [1, 1]} : vector<1x8xf32> to vector<1x1xf32>
      %add3A_410 = arith.addf %add3A_408, %slice3A_409 : vector<1x1xf32>
      %slice3A_411 = vector.extract_strided_slice %add3A_396 {offsets = [0, 5], sizes = [1, 1], strides = [1, 1]} : vector<1x8xf32> to vector<1x1xf32>
      %add3A_412 = arith.addf %add3A_410, %slice3A_411 : vector<1x1xf32>
      %slice3A_413 = vector.extract_strided_slice %add3A_396 {offsets = [0, 6], sizes = [1, 1], strides = [1, 1]} : vector<1x8xf32> to vector<1x1xf32>
      %add3A_414 = arith.addf %add3A_412, %slice3A_413 : vector<1x1xf32>
      %concatenate3A_415 = tpu.concatenate %broadcast_in_dim3A_398, %add3A_402, %add3A_404, %add3A_406, %add3A_408, %add3A_410, %add3A_412, %add3A_414 in 1 : vector<1x1xf32>, vector<1x1xf32>, vector<1x1xf32>, vector<1x1xf32>, vector<1x1xf32>, vector<1x1xf32>, vector<1x1xf32>, vector<1x1xf32> -> vector<1x8xf32>
      %slice3A_416 = vector.extract_strided_slice %dot_general3A_393 {offsets = [0, 0], sizes = [1, 8], strides = [1, 1]} : vector<8x8xf32> to vector<1x8xf32>
      %add3A_417 = vector.broadcast %slice3A_416 : vector<1x8xf32> to vector<256x8xf32>
      %add3A_418 = arith.addf %dot_general3A_360, %add3A_417 : vector<256x8xf32>
      %slice3A_419 = vector.extract_strided_slice %dot_general3A_393 {offsets = [1, 0], sizes = [1, 8], strides = [1, 1]} : vector<8x8xf32> to vector<1x8xf32>
      %add3A_420 = vector.broadcast %slice3A_419 : vector<1x8xf32> to vector<256x8xf32>
      %add3A_421 = arith.addf %dot_general3A_364, %add3A_420 : vector<256x8xf32>
      %slice3A_422 = vector.extract_strided_slice %dot_general3A_393 {offsets = [2, 0], sizes = [1, 8], strides = [1, 1]} : vector<8x8xf32> to vector<1x8xf32>
      %add3A_423 = vector.broadcast %slice3A_422 : vector<1x8xf32> to vector<256x8xf32>
      %add3A_424 = arith.addf %dot_general3A_368, %add3A_423 : vector<256x8xf32>
      %slice3A_425 = vector.extract_strided_slice %dot_general3A_393 {offsets = [3, 0], sizes = [1, 8], strides = [1, 1]} : vector<8x8xf32> to vector<1x8xf32>
      %add3A_426 = vector.broadcast %slice3A_425 : vector<1x8xf32> to vector<256x8xf32>
      %add3A_427 = arith.addf %dot_general3A_372, %add3A_426 : vector<256x8xf32>
      %slice3A_428 = vector.extract_strided_slice %dot_general3A_393 {offsets = [4, 0], sizes = [1, 8], strides = [1, 1]} : vector<8x8xf32> to vector<1x8xf32>
      %add3A_429 = vector.broadcast %slice3A_428 : vector<1x8xf32> to vector<256x8xf32>
      %add3A_430 = arith.addf %dot_general3A_376, %add3A_429 : vector<256x8xf32>
      %slice3A_431 = vector.extract_strided_slice %dot_general3A_393 {offsets = [5, 0], sizes = [1, 8], strides = [1, 1]} : vector<8x8xf32> to vector<1x8xf32>
      %add3A_432 = vector.broadcast %slice3A_431 : vector<1x8xf32> to vector<256x8xf32>
      %add3A_433 = arith.addf %dot_general3A_380, %add3A_432 : vector<256x8xf32>
      %slice3A_434 = vector.extract_strided_slice %dot_general3A_393 {offsets = [6, 0], sizes = [1, 8], strides = [1, 1]} : vector<8x8xf32> to vector<1x8xf32>
      %add3A_435 = vector.broadcast %slice3A_434 : vector<1x8xf32> to vector<256x8xf32>
      %add3A_436 = arith.addf %dot_general3A_384, %add3A_435 : vector<256x8xf32>
      %slice3A_437 = vector.extract_strided_slice %dot_general3A_393 {offsets = [7, 0], sizes = [1, 8], strides = [1, 1]} : vector<8x8xf32> to vector<1x8xf32>
      %add3A_438 = vector.broadcast %slice3A_437 : vector<1x8xf32> to vector<256x8xf32>
      %add3A_439 = arith.addf %dot_general3A_388, %add3A_438 : vector<256x8xf32>
      %concatenate3A_440 = tpu.concatenate %add3A_418, %add3A_421, %add3A_424, %add3A_427, %add3A_430, %add3A_433, %add3A_436, %add3A_439 in 0 : vector<256x8xf32>, vector<256x8xf32>, vector<256x8xf32>, vector<256x8xf32>, vector<256x8xf32>, vector<256x8xf32>, vector<256x8xf32>, vector<256x8xf32> -> vector<2048x8xf32>
      %convert_element_type3A_441 = arith.extf %convert_element_type3A_357 : vector<2048x8xbf16> to vector<2048x8xf32>
      %add3A_442 = vector.broadcast %concatenate3A_415 : vector<1x8xf32> to vector<2048x8xf32>
      %add3A_443 = arith.addf %add3A_442, %concatenate3A_440 : vector<2048x8xf32>
      %sub3A_444 = arith.constant 1.000000e+00 : f32
      %sub3A_445 = vector.broadcast %sub3A_444 : f32 to vector<2048x8xf32>
      %sub3A_446 = arith.subf %add3A_443, %sub3A_445 : vector<2048x8xf32>
      %mul3A_447 = arith.mulf %convert_element_type3A_441, %sub3A_446 : vector<2048x8xf32>
      %reduce_sum3A_448 = arith.constant dense<0.000000e+00> : vector<2048xf32>
      %reduce_sum3A_449 = vector.multi_reduction <add>, %mul3A_447, %reduce_sum3A_448 [1] : vector<2048x8xf32> to vector<2048xf32>
      %broadcast_in_dim3A_450 = vector.shape_cast %reduce_sum3A_449 : vector<2048xf32> to vector<2048x1xf32>
      %convert_element_type3A_451 = arith.fptosi %broadcast_in_dim3A_450 : vector<2048x1xf32> to vector<2048x1xi32>
      %swap3A_452 = arith.constant 0 : index
      %swap3A_453 = arith.constant 3 : index
      %swap3A_454 = vector.load %arg9[%swap3A_452, %swap3A_453] : memref<2048x4xi32, #tpu.memory_space<vmem>>, vector<2048x1xi32>
      tpu.vector_store %arg9[%swap3A_452, %swap3A_453], %convert_element_type3A_451 {strides = array<i32>} : memref<2048x4xi32, #tpu.memory_space<vmem>>, vector<2048x1xi32>,
      %convert_element_type3A_455 = arith.fptosi %concatenate3A_415 : vector<1x8xf32> to vector<1x8xi32>
      %swap3A_456 = arith.constant 3 : index
      %swap3A_457 = arith.constant 0 : index
      %swap3A_458 = arith.constant 0 : index
      %swap3A_459 = vector.load %arg10[%swap3A_456, %swap3A_457, %swap3A_458] : memref<4x1x8xi32, #tpu.memory_space<vmem>>, vector<1x1x8xi32>
      %swap3A_460 = vector.shape_cast %swap3A_459 : vector<1x1x8xi32> to vector<1x8xi32>
      %swap3A_461 = vector.shape_cast %convert_element_type3A_455 : vector<1x8xi32> to vector<1x1x8xi32>
      tpu.vector_store %arg10[%swap3A_456, %swap3A_457, %swap3A_458], %swap3A_461 {strides = array<i32>} : memref<4x1x8xi32, #tpu.memory_space<vmem>>, vector<1x1x8xi32>,
    } else {
    }
    %gt3A = arith.constant 0 : i32
    %gt3A_2 = arith.cmpi sgt, %arg0, %gt3A : i32
    %convert_element_type3A_3 = arith.extui %gt3A_2 : i1 to i32
    %cond3A_4 = arith.constant 0 : i32
    %cond3A_5 = arith.cmpi ne, %convert_element_type3A_3, %cond3A_4 : i32
    scf.if %cond3A_5 {
      %get3A = arith.constant 0 : index
      %get3A_6 = arith.constant 0 : index
      %get3A_7 = vector.load %arg1[%get3A, %get3A_6] : memref<256x1024xf32, #tpu.memory_space<vmem>>, vector<256x1024xf32>
      %convert_element_type3A_8 = arith.truncf %get3A_7 : vector<256x1024xf32> to vector<256x1024xbf16>
      %get3A_9 = arith.constant 0 : index
      %get3A_10 = arith.constant 0 : index
      %get3A_11 = vector.load %arg6[%get3A_9, %get3A_10] : memref<768x1024xbf16, #tpu.memory_space<vmem>>, vector<768x1024xbf16>
      %dot_general3A = arith.constant dense<0.000000e+00> : vector<256x768xf32>
      %dot_general3A_12 = tpu.matmul %convert_element_type3A_8, %get3A_11, %dot_general3A {dimension_numbers = #tpu.dot_dimension_numbers<[1], [1], [0], [0], [0, 0, 1, 0], [], []>, transpose_lhs_hint = false} : vector<256x1024xbf16>, vector<768x1024xbf16>, vector<256x768xf32> -> vector<256x768xf32>
      %convert_element_type3A_13 = arith.truncf %dot_general3A_12 : vector<256x768xf32> to vector<256x768xbf16>
      %get3A_14 = arith.constant 0 : index
      %get3A_15 = arith.constant 0 : index
      %get3A_16 = vector.load %arg6[%get3A_14, %get3A_15] : memref<768x1024xbf16, #tpu.memory_space<vmem>>, vector<768x1024xbf16>
      %dot_general3A_17 = arith.constant dense<0.000000e+00> : vector<256x1024xf32>
      %dot_general3A_18 = tpu.matmul %convert_element_type3A_13, %get3A_16, %dot_general3A_17 {dimension_numbers = #tpu.dot_dimension_numbers<[1], [0], [0], [1], [0, 0, 1, 1], [], []>, transpose_lhs_hint = false} : vector<256x768xbf16>, vector<768x1024xbf16>, vector<256x1024xf32> -> vector<256x1024xf32>
      %swap3A = arith.constant 0 : index
      %swap3A_19 = arith.constant 0 : index
      %swap3A_20 = vector.load %arg11[%swap3A, %swap3A_19] : memref<256x1024xf32, #tpu.memory_space<vmem>>, vector<256x1024xf32>
      tpu.vector_store %arg11[%swap3A, %swap3A_19], %dot_general3A_18 {strides = array<i32>} : memref<256x1024xf32, #tpu.memory_space<vmem>>, vector<256x1024xf32>,
      %get3A_21 = arith.constant 0 : index
      %get3A_22 = arith.constant 0 : index
      %get3A_23 = vector.load %arg7[%get3A_21, %get3A_22] : memref<768x1024xbf16, #tpu.memory_space<vmem>>, vector<768x1024xbf16>
      %dot_general3A_24 = arith.constant dense<0.000000e+00> : vector<256x768xf32>
      %dot_general3A_25 = tpu.matmul %convert_element_type3A_8, %get3A_23, %dot_general3A_24 {dimension_numbers = #tpu.dot_dimension_numbers<[1], [1], [0], [0], [0, 0, 1, 0], [], []>, transpose_lhs_hint = false} : vector<256x1024xbf16>, vector<768x1024xbf16>, vector<256x768xf32> -> vector<256x768xf32>
      %swap3A_26 = arith.constant 0 : index
      %swap3A_27 = arith.constant 0 : index
      %swap3A_28 = vector.load %arg12[%swap3A_26, %swap3A_27] : memref<256x768xf32, #tpu.memory_space<vmem>>, vector<256x768xf32>
      tpu.vector_store %arg12[%swap3A_26, %swap3A_27], %dot_general3A_25 {strides = array<i32>} : memref<256x768xf32, #tpu.memory_space<vmem>>, vector<256x768xf32>,
      %get3A_29 = arith.constant 0 : index
      %get3A_30 = arith.constant 0 : index
      %get3A_31 = vector.load %arg8[%get3A_29, %get3A_30] : memref<768x1024xbf16, #tpu.memory_space<vmem>>, vector<768x1024xbf16>
      %dot_general3A_32 = arith.constant dense<0.000000e+00> : vector<256x768xf32>
      %dot_general3A_33 = tpu.matmul %convert_element_type3A_8, %get3A_31, %dot_general3A_32 {dimension_numbers = #tpu.dot_dimension_numbers<[1], [1], [0], [0], [0, 0, 1, 0], [], []>, transpose_lhs_hint = false} : vector<256x1024xbf16>, vector<768x1024xbf16>, vector<256x768xf32> -> vector<256x768xf32>
      %swap3A_34 = arith.constant 0 : index
      %swap3A_35 = arith.constant 0 : index
      %swap3A_36 = vector.load %arg13[%swap3A_34, %swap3A_35] : memref<256x768xf32, #tpu.memory_space<vmem>>, vector<256x768xf32>
      tpu.vector_store %arg13[%swap3A_34, %swap3A_35], %dot_general3A_33 {strides = array<i32>} : memref<256x768xf32, #tpu.memory_space<vmem>>, vector<256x768xf32>,
    } else {
    }
    return
  }
  func.func @transform_0(%arg0: i32) -> (i32, i32) {
    %sub3A = arith.constant 1 : i32
    %sub3A_0 = arith.subi %arg0, %sub3A : i32
    %max3A = arith.constant 0 : i32
    %max3A_1 = arith.maxsi %sub3A_0, %max3A : i32
    %c0_i32 = arith.constant 0 : i32
    %c0_i32_2 = arith.constant 0 : i32
    return %max3A_1, %c0_i32 : i32, i32
  }
  func.func @transform_1(%arg0: i32) -> (i32, i32) {
    %c0_i32 = arith.constant 0 : i32
    %c0_i32_0 = arith.constant 0 : i32
    %c0_i32_1 = arith.constant 0 : i32
    return %c0_i32, %c0_i32_0 : i32, i32
  }
  func.func @transform_2(%arg0: i32) -> (i32, i32) {
    %c0_i32 = arith.constant 0 : i32
    %c0_i32_0 = arith.constant 0 : i32
    %c0_i32_1 = arith.constant 0 : i32
    return %c0_i32, %c0_i32_0 : i32, i32
  }
  func.func @transform_3(%arg0: i32) -> (i32, i32) {
    %c0_i32 = arith.constant 0 : i32
    %c0_i32_0 = arith.constant 0 : i32
    %c0_i32_1 = arith.constant 0 : i32
    return %c0_i32, %c0_i32_0 : i32, i32
  }
  func.func @transform_4(%arg0: i32) -> (i32, i32) {
    %c0_i32 = arith.constant 0 : i32
    %c0_i32_0 = arith.constant 0 : i32
    %c0_i32_1 = arith.constant 0 : i32
    return %c0_i32, %c0_i32_0 : i32, i32
  }
  func.func @transform_5(%arg0: i32) -> (i32, i32) {
    %c0_i32 = arith.constant 0 : i32
    %c0_i32_0 = arith.constant 0 : i32
    %c0_i32_1 = arith.constant 0 : i32
    return %c0_i32, %c0_i32_0 : i32, i32
  }
  func.func @transform_6(%arg0: i32) -> (i32, i32) {
    %c0_i32 = arith.constant 0 : i32
    %c0_i32_0 = arith.constant 0 : i32
    %c0_i32_1 = arith.constant 0 : i32
    return %c0_i32, %c0_i32_0 : i32, i32
  }
  func.func @transform_7(%arg0: i32) -> (i32, i32) {
    %c0_i32 = arith.constant 0 : i32
    %c0_i32_0 = arith.constant 0 : i32
    %c0_i32_1 = arith.constant 0 : i32
    return %c0_i32, %c0_i32_0 : i32, i32
  }
  func.func @transform_8(%arg0: i32) -> (i32, i32) {
    %c0_i32 = arith.constant 0 : i32
    %c0_i32_0 = arith.constant 0 : i32
    %c0_i32_1 = arith.constant 0 : i32
    return %c0_i32, %c0_i32_0 : i32, i32
  }
  func.func @transform_9(%arg0: i32) -> (i32, i32, i32) {
    %c0_i32 = arith.constant 0 : i32
    %c0_i32_0 = arith.constant 0 : i32
    %c0_i32_1 = arith.constant 0 : i32
    %c0_i32_2 = arith.constant 0 : i32
    return %c0_i32, %c0_i32_0, %c0_i32_1 : i32, i32, i32
  }
  func.func @transform_10(%arg0: i32) -> (i32, i32) {
    %sub3A = arith.constant 1 : i32
    %sub3A_0 = arith.subi %arg0, %sub3A : i32
    %max3A = arith.constant 0 : i32
    %max3A_1 = arith.maxsi %sub3A_0, %max3A : i32
    %c0_i32 = arith.constant 0 : i32
    %c0_i32_2 = arith.constant 0 : i32
    return %max3A_1, %c0_i32 : i32, i32
  }
  func.func @transform_11(%arg0: i32) -> (i32, i32) {
    %sub3A = arith.constant 1 : i32
    %sub3A_0 = arith.subi %arg0, %sub3A : i32
    %max3A = arith.constant 0 : i32
    %max3A_1 = arith.maxsi %sub3A_0, %max3A : i32
    %c0_i32 = arith.constant 0 : i32
    %c0_i32_2 = arith.constant 0 : i32
    return %max3A_1, %c0_i32 : i32, i32
  }
  func.func @transform_12(%arg0: i32) -> (i32, i32) {
    %sub3A = arith.constant 1 : i32
    %sub3A_0 = arith.subi %arg0, %sub3A : i32
    %max3A = arith.constant 0 : i32
    %max3A_1 = arith.maxsi %sub3A_0, %max3A : i32
    %c0_i32 = arith.constant 0 : i32
    %c0_i32_2 = arith.constant 0 : i32
    return %max3A_1, %c0_i32 : i32, i32
  }
}

module attributes {stable_mosaic.version = 14 : i64} {
  func.func @_grouped_body(%arg0: i32, %arg1: memref<256x768xf32, #tpu.memory_space<vmem>>, %arg2: memref<8x768x768xbf16, #tpu.memory_space<vmem>>, %arg3: memref<1x1x8xi32, #tpu.memory_space<vmem>>, %arg4: memref<256x768xf32, #tpu.memory_space<vmem>>) attributes {dimension_semantics = [#tpu.dimension_semantics<arbitrary>], iteration_bounds = array<i64: 8>, scalar_prefetch = 0 : i64, scratch_operands = 0 : i64, tpu.core_type = #tpu.core_type<tc>, window_params = [{transform_indices = @transform_0, window_bounds = array<i64: 256, 768>}, {pipeline_mode = #tpu.pipeline_mode<synchronous>, transform_indices = @transform_1, window_bounds = array<i64: 8, 768, 768>}, {transform_indices = @transform_2, window_bounds = array<i64: 1, 1, 8>}, {transform_indices = @transform_3, window_bounds = array<i64: 256, 768>}]} {
    %mul3A = arith.constant 256 : i32
    %mul3A_0 = arith.muli %arg0, %mul3A : i32
    %iota3A = tpu.iota {dimensions = array<i32: 0>} : vector<256x8xi32>
    %add3A = vector.broadcast %mul3A_0 : i32 to vector<256x8xi32>
    %add3A_1 = arith.addi %iota3A, %add3A : vector<256x8xi32>
    %get3A = arith.constant 0 : index
    %get3A_2 = arith.constant 0 : index
    %get3A_3 = arith.constant 0 : index
    %get3A_4 = vector.load %arg3[%get3A, %get3A_2, %get3A_3] : memref<1x1x8xi32, #tpu.memory_space<vmem>>, vector<1x1x8xi32>
    %get3A_5 = vector.shape_cast %get3A_4 : vector<1x1x8xi32> to vector<1x8xi32>
    %ge3A = vector.broadcast %get3A_5 : vector<1x8xi32> to vector<256x8xi32>
    %ge3A_6 = arith.cmpi sge, %add3A_1, %ge3A : vector<256x8xi32>
    %convert_element_type3A = arith.extui %ge3A_6 : vector<256x8xi1> to vector<256x8xi32>
    %reduce_sum3A = arith.constant dense<0> : vector<256xi32>
    %reduce_sum3A_7 = vector.multi_reduction <add>, %convert_element_type3A, %reduce_sum3A [1] : vector<256x8xi32> to vector<256xi32>
    %broadcast_in_dim3A = vector.shape_cast %reduce_sum3A_7 : vector<256xi32> to vector<256x1xi32>
    %sub3A = arith.constant 1 : i32
    %sub3A_8 = vector.broadcast %sub3A : i32 to vector<256x1xi32>
    %sub3A_9 = arith.subi %broadcast_in_dim3A, %sub3A_8 : vector<256x1xi32>
    %reduce_min3A = vector.shape_cast %sub3A_9 : vector<256x1xi32> to vector<1x256x1xi32>
    %reduce_min3A_10 = arith.constant dense<2147483647> : vector<1xi32>
    %reduce_min3A_11 = vector.multi_reduction <minsi>, %reduce_min3A, %reduce_min3A_10 [1, 2] : vector<1x256x1xi32> to vector<1xi32>
    %reduce_min3A_12 = vector.shape_cast %reduce_min3A_11 : vector<1xi32> to vector<1x1x1xi32>
    %reduce_min3A_13 = vector.extract %reduce_min3A_12[0, 0, 0] : i32 from vector<1x1x1xi32>
    %reduce_max3A = vector.shape_cast %sub3A_9 : vector<256x1xi32> to vector<1x256x1xi32>
    %reduce_max3A_14 = arith.constant dense<-2147483648> : vector<1xi32>
    %reduce_max3A_15 = vector.multi_reduction <maxsi>, %reduce_max3A, %reduce_max3A_14 [1, 2] : vector<1x256x1xi32> to vector<1xi32>
    %reduce_max3A_16 = vector.shape_cast %reduce_max3A_15 : vector<1xi32> to vector<1x1x1xi32>
    %reduce_max3A_17 = vector.extract %reduce_max3A_16[0, 0, 0] : i32 from vector<1x1x1xi32>
    %get3A_18 = arith.constant 0 : index
    %get3A_19 = arith.constant 0 : index
    %get3A_20 = vector.load %arg1[%get3A_18, %get3A_19] : memref<256x768xf32, #tpu.memory_space<vmem>>, vector<256x768xf32>
    %convert_element_type3A_21 = arith.truncf %get3A_20 : vector<256x768xf32> to vector<256x768xbf16>
    %add3A_22 = arith.constant 1 : i32
    %add3A_23 = arith.addi %reduce_max3A_17, %add3A_22 : i32
    %broadcast_in_dim3A_24 = arith.constant 0.000000e+00 : f32
    %broadcast_in_dim3A_25 = vector.broadcast %broadcast_in_dim3A_24 : f32 to vector<256x768xf32>
    %while3A = arith.subi %add3A_23, %reduce_min3A_13 : i32
    %while3A_26 = arith.addi %reduce_min3A_13, %while3A : i32
    %while3A_27 = arith.constant 1 : i32
    %while3A_28 = arith.divsi %while3A, %while3A_27 : i32
    %while3A_29 = arith.muli %while3A_28, %while3A_27 : i32
    %while3A_30 = arith.addi %reduce_min3A_13, %while3A_29 : i32
    %while3A_31 = arith.constant 1 : i32
    %while3A_32 = scf.for %while3A_37 = %reduce_min3A_13 to %while3A_30 step %while3A_31 iter_args(%while3A_38 = %broadcast_in_dim3A_25) -> (vector<256x768xf32>)  : i32 {
      %get3A_39 = arith.index_cast %while3A_37 : i32 to index
      %get3A_40 = arith.constant 0 : index
      %get3A_41 = arith.constant 0 : index
      %get3A_42 = vector.load %arg2[%get3A_39, %get3A_40, %get3A_41] : memref<8x768x768xbf16, #tpu.memory_space<vmem>>, vector<1x768x768xbf16>
      %get3A_43 = vector.shape_cast %get3A_42 : vector<1x768x768xbf16> to vector<768x768xbf16>
      %dot_general3A = arith.constant dense<0.000000e+00> : vector<256x768xf32>
      %dot_general3A_44 = tpu.matmul %convert_element_type3A_21, %get3A_43, %dot_general3A {dimension_numbers = #tpu.dot_dimension_numbers<[1], [1], [0], [0], [0, 0, 1, 0], [], []>, transpose_lhs_hint = false} : vector<256x768xbf16>, vector<768x768xbf16>, vector<256x768xf32> -> vector<256x768xf32>
      %eq3A = vector.broadcast %while3A_37 : i32 to vector<256x1xi32>
      %eq3A_45 = arith.cmpi eq, %sub3A_9, %eq3A : vector<256x1xi32>
      %jit3A = arith.constant 0.000000e+00 : f32
      %broadcast_in_dim3A_46 = vector.shape_cast %eq3A_45 : vector<256x1xi1> to vector<256x1xi1>
      %broadcast_in_dim3A_47 = vector.broadcast %broadcast_in_dim3A_46 : vector<256x1xi1> to vector<256x768xi1>
      %broadcast_in_dim3A_48 = vector.broadcast %jit3A : f32 to vector<256x768xf32>
      %select_n3A = arith.select %broadcast_in_dim3A_47, %dot_general3A_44, %broadcast_in_dim3A_48 : vector<256x768xi1>, vector<256x768xf32>
      %add3A_49 = arith.addf %while3A_38, %select_n3A : vector<256x768xf32>
      scf.yield %add3A_49 : vector<256x768xf32>
    }
    %while3A_33 = arith.constant 1 : i32
    %while3A_34 = scf.for %while3A_37 = %while3A_30 to %while3A_26 step %while3A_33 iter_args(%while3A_38 = %while3A_32) -> (vector<256x768xf32>)  : i32 {
      %get3A_39 = arith.index_cast %while3A_37 : i32 to index
      %get3A_40 = arith.constant 0 : index
      %get3A_41 = arith.constant 0 : index
      %get3A_42 = vector.load %arg2[%get3A_39, %get3A_40, %get3A_41] : memref<8x768x768xbf16, #tpu.memory_space<vmem>>, vector<1x768x768xbf16>
      %get3A_43 = vector.shape_cast %get3A_42 : vector<1x768x768xbf16> to vector<768x768xbf16>
      %dot_general3A = arith.constant dense<0.000000e+00> : vector<256x768xf32>
      %dot_general3A_44 = tpu.matmul %convert_element_type3A_21, %get3A_43, %dot_general3A {dimension_numbers = #tpu.dot_dimension_numbers<[1], [1], [0], [0], [0, 0, 1, 0], [], []>, transpose_lhs_hint = false} : vector<256x768xbf16>, vector<768x768xbf16>, vector<256x768xf32> -> vector<256x768xf32>
      %eq3A = vector.broadcast %while3A_37 : i32 to vector<256x1xi32>
      %eq3A_45 = arith.cmpi eq, %sub3A_9, %eq3A : vector<256x1xi32>
      %jit3A = arith.constant 0.000000e+00 : f32
      %broadcast_in_dim3A_46 = vector.shape_cast %eq3A_45 : vector<256x1xi1> to vector<256x1xi1>
      %broadcast_in_dim3A_47 = vector.broadcast %broadcast_in_dim3A_46 : vector<256x1xi1> to vector<256x768xi1>
      %broadcast_in_dim3A_48 = vector.broadcast %jit3A : f32 to vector<256x768xf32>
      %select_n3A = arith.select %broadcast_in_dim3A_47, %dot_general3A_44, %broadcast_in_dim3A_48 : vector<256x768xi1>, vector<256x768xf32>
      %add3A_49 = arith.addf %while3A_38, %select_n3A : vector<256x768xf32>
      scf.yield %add3A_49 : vector<256x768xf32>
    }
    %swap3A = arith.constant 0 : index
    %swap3A_35 = arith.constant 0 : index
    %swap3A_36 = vector.load %arg4[%swap3A, %swap3A_35] : memref<256x768xf32, #tpu.memory_space<vmem>>, vector<256x768xf32>
    tpu.vector_store %arg4[%swap3A, %swap3A_35], %while3A_34 {strides = array<i32>} : memref<256x768xf32, #tpu.memory_space<vmem>>, vector<256x768xf32>,
    return
  }
  func.func @transform_0(%arg0: i32) -> (i32, i32) {
    %c0_i32 = arith.constant 0 : i32
    %c0_i32_0 = arith.constant 0 : i32
    return %arg0, %c0_i32 : i32, i32
  }
  func.func @transform_1(%arg0: i32) -> (i32, i32, i32) {
    %c0_i32 = arith.constant 0 : i32
    %c0_i32_0 = arith.constant 0 : i32
    %c0_i32_1 = arith.constant 0 : i32
    %c0_i32_2 = arith.constant 0 : i32
    return %c0_i32, %c0_i32_0, %c0_i32_1 : i32, i32, i32
  }
  func.func @transform_2(%arg0: i32) -> (i32, i32, i32) {
    %c1_i32 = arith.constant 1 : i32
    %c0_i32 = arith.constant 0 : i32
    %c0_i32_0 = arith.constant 0 : i32
    %c0_i32_1 = arith.constant 0 : i32
    return %c1_i32, %c0_i32, %c0_i32_0 : i32, i32, i32
  }
  func.func @transform_3(%arg0: i32) -> (i32, i32) {
    %c0_i32 = arith.constant 0 : i32
    %c0_i32_0 = arith.constant 0 : i32
    return %arg0, %c0_i32 : i32, i32
  }
}

module attributes {stable_mosaic.version = 14 : i64} {
  func.func @_grouped_body(%arg0: i32, %arg1: memref<256x768xf32, #tpu.memory_space<vmem>>, %arg2: memref<8x768x768xbf16, #tpu.memory_space<vmem>>, %arg3: memref<1x1x8xi32, #tpu.memory_space<vmem>>, %arg4: memref<256x768xf32, #tpu.memory_space<vmem>>) attributes {dimension_semantics = [#tpu.dimension_semantics<arbitrary>], iteration_bounds = array<i64: 8>, scalar_prefetch = 0 : i64, scratch_operands = 0 : i64, tpu.core_type = #tpu.core_type<tc>, window_params = [{transform_indices = @transform_0, window_bounds = array<i64: 256, 768>}, {pipeline_mode = #tpu.pipeline_mode<synchronous>, transform_indices = @transform_1, window_bounds = array<i64: 8, 768, 768>}, {transform_indices = @transform_2, window_bounds = array<i64: 1, 1, 8>}, {transform_indices = @transform_3, window_bounds = array<i64: 256, 768>}]} {
    %mul3A = arith.constant 256 : i32
    %mul3A_0 = arith.muli %arg0, %mul3A : i32
    %iota3A = tpu.iota {dimensions = array<i32: 0>} : vector<256x8xi32>
    %add3A = vector.broadcast %mul3A_0 : i32 to vector<256x8xi32>
    %add3A_1 = arith.addi %iota3A, %add3A : vector<256x8xi32>
    %get3A = arith.constant 0 : index
    %get3A_2 = arith.constant 0 : index
    %get3A_3 = arith.constant 0 : index
    %get3A_4 = vector.load %arg3[%get3A, %get3A_2, %get3A_3] : memref<1x1x8xi32, #tpu.memory_space<vmem>>, vector<1x1x8xi32>
    %get3A_5 = vector.shape_cast %get3A_4 : vector<1x1x8xi32> to vector<1x8xi32>
    %ge3A = vector.broadcast %get3A_5 : vector<1x8xi32> to vector<256x8xi32>
    %ge3A_6 = arith.cmpi sge, %add3A_1, %ge3A : vector<256x8xi32>
    %convert_element_type3A = arith.extui %ge3A_6 : vector<256x8xi1> to vector<256x8xi32>
    %reduce_sum3A = arith.constant dense<0> : vector<256xi32>
    %reduce_sum3A_7 = vector.multi_reduction <add>, %convert_element_type3A, %reduce_sum3A [1] : vector<256x8xi32> to vector<256xi32>
    %broadcast_in_dim3A = vector.shape_cast %reduce_sum3A_7 : vector<256xi32> to vector<256x1xi32>
    %sub3A = arith.constant 1 : i32
    %sub3A_8 = vector.broadcast %sub3A : i32 to vector<256x1xi32>
    %sub3A_9 = arith.subi %broadcast_in_dim3A, %sub3A_8 : vector<256x1xi32>
    %reduce_min3A = vector.shape_cast %sub3A_9 : vector<256x1xi32> to vector<1x256x1xi32>
    %reduce_min3A_10 = arith.constant dense<2147483647> : vector<1xi32>
    %reduce_min3A_11 = vector.multi_reduction <minsi>, %reduce_min3A, %reduce_min3A_10 [1, 2] : vector<1x256x1xi32> to vector<1xi32>
    %reduce_min3A_12 = vector.shape_cast %reduce_min3A_11 : vector<1xi32> to vector<1x1x1xi32>
    %reduce_min3A_13 = vector.extract %reduce_min3A_12[0, 0, 0] : i32 from vector<1x1x1xi32>
    %reduce_max3A = vector.shape_cast %sub3A_9 : vector<256x1xi32> to vector<1x256x1xi32>
    %reduce_max3A_14 = arith.constant dense<-2147483648> : vector<1xi32>
    %reduce_max3A_15 = vector.multi_reduction <maxsi>, %reduce_max3A, %reduce_max3A_14 [1, 2] : vector<1x256x1xi32> to vector<1xi32>
    %reduce_max3A_16 = vector.shape_cast %reduce_max3A_15 : vector<1xi32> to vector<1x1x1xi32>
    %reduce_max3A_17 = vector.extract %reduce_max3A_16[0, 0, 0] : i32 from vector<1x1x1xi32>
    %get3A_18 = arith.constant 0 : index
    %get3A_19 = arith.constant 0 : index
    %get3A_20 = vector.load %arg1[%get3A_18, %get3A_19] : memref<256x768xf32, #tpu.memory_space<vmem>>, vector<256x768xf32>
    %convert_element_type3A_21 = arith.truncf %get3A_20 : vector<256x768xf32> to vector<256x768xbf16>
    %add3A_22 = arith.constant 1 : i32
    %add3A_23 = arith.addi %reduce_max3A_17, %add3A_22 : i32
    %broadcast_in_dim3A_24 = arith.constant 0.000000e+00 : f32
    %broadcast_in_dim3A_25 = vector.broadcast %broadcast_in_dim3A_24 : f32 to vector<256x768xf32>
    %while3A = arith.subi %add3A_23, %reduce_min3A_13 : i32
    %while3A_26 = arith.addi %reduce_min3A_13, %while3A : i32
    %while3A_27 = arith.constant 1 : i32
    %while3A_28 = arith.divsi %while3A, %while3A_27 : i32
    %while3A_29 = arith.muli %while3A_28, %while3A_27 : i32
    %while3A_30 = arith.addi %reduce_min3A_13, %while3A_29 : i32
    %while3A_31 = arith.constant 1 : i32
    %while3A_32 = scf.for %while3A_37 = %reduce_min3A_13 to %while3A_30 step %while3A_31 iter_args(%while3A_38 = %broadcast_in_dim3A_25) -> (vector<256x768xf32>)  : i32 {
      %get3A_39 = arith.index_cast %while3A_37 : i32 to index
      %get3A_40 = arith.constant 0 : index
      %get3A_41 = arith.constant 0 : index
      %get3A_42 = vector.load %arg2[%get3A_39, %get3A_40, %get3A_41] : memref<8x768x768xbf16, #tpu.memory_space<vmem>>, vector<1x768x768xbf16>
      %get3A_43 = vector.shape_cast %get3A_42 : vector<1x768x768xbf16> to vector<768x768xbf16>
      %dot_general3A = arith.constant dense<0.000000e+00> : vector<256x768xf32>
      %dot_general3A_44 = tpu.matmul %convert_element_type3A_21, %get3A_43, %dot_general3A {dimension_numbers = #tpu.dot_dimension_numbers<[1], [1], [0], [0], [0, 0, 1, 0], [], []>, transpose_lhs_hint = false} : vector<256x768xbf16>, vector<768x768xbf16>, vector<256x768xf32> -> vector<256x768xf32>
      %eq3A = vector.broadcast %while3A_37 : i32 to vector<256x1xi32>
      %eq3A_45 = arith.cmpi eq, %sub3A_9, %eq3A : vector<256x1xi32>
      %jit3A = arith.constant 0.000000e+00 : f32
      %broadcast_in_dim3A_46 = vector.shape_cast %eq3A_45 : vector<256x1xi1> to vector<256x1xi1>
      %broadcast_in_dim3A_47 = vector.broadcast %broadcast_in_dim3A_46 : vector<256x1xi1> to vector<256x768xi1>
      %broadcast_in_dim3A_48 = vector.broadcast %jit3A : f32 to vector<256x768xf32>
      %select_n3A = arith.select %broadcast_in_dim3A_47, %dot_general3A_44, %broadcast_in_dim3A_48 : vector<256x768xi1>, vector<256x768xf32>
      %add3A_49 = arith.addf %while3A_38, %select_n3A : vector<256x768xf32>
      scf.yield %add3A_49 : vector<256x768xf32>
    }
    %while3A_33 = arith.constant 1 : i32
    %while3A_34 = scf.for %while3A_37 = %while3A_30 to %while3A_26 step %while3A_33 iter_args(%while3A_38 = %while3A_32) -> (vector<256x768xf32>)  : i32 {
      %get3A_39 = arith.index_cast %while3A_37 : i32 to index
      %get3A_40 = arith.constant 0 : index
      %get3A_41 = arith.constant 0 : index
      %get3A_42 = vector.load %arg2[%get3A_39, %get3A_40, %get3A_41] : memref<8x768x768xbf16, #tpu.memory_space<vmem>>, vector<1x768x768xbf16>
      %get3A_43 = vector.shape_cast %get3A_42 : vector<1x768x768xbf16> to vector<768x768xbf16>
      %dot_general3A = arith.constant dense<0.000000e+00> : vector<256x768xf32>
      %dot_general3A_44 = tpu.matmul %convert_element_type3A_21, %get3A_43, %dot_general3A {dimension_numbers = #tpu.dot_dimension_numbers<[1], [1], [0], [0], [0, 0, 1, 0], [], []>, transpose_lhs_hint = false} : vector<256x768xbf16>, vector<768x768xbf16>, vector<256x768xf32> -> vector<256x768xf32>
      %eq3A = vector.broadcast %while3A_37 : i32 to vector<256x1xi32>
      %eq3A_45 = arith.cmpi eq, %sub3A_9, %eq3A : vector<256x1xi32>
      %jit3A = arith.constant 0.000000e+00 : f32
      %broadcast_in_dim3A_46 = vector.shape_cast %eq3A_45 : vector<256x1xi1> to vector<256x1xi1>
      %broadcast_in_dim3A_47 = vector.broadcast %broadcast_in_dim3A_46 : vector<256x1xi1> to vector<256x768xi1>
      %broadcast_in_dim3A_48 = vector.broadcast %jit3A : f32 to vector<256x768xf32>
      %select_n3A = arith.select %broadcast_in_dim3A_47, %dot_general3A_44, %broadcast_in_dim3A_48 : vector<256x768xi1>, vector<256x768xf32>
      %add3A_49 = arith.addf %while3A_38, %select_n3A : vector<256x768xf32>
      scf.yield %add3A_49 : vector<256x768xf32>
    }
    %swap3A = arith.constant 0 : index
    %swap3A_35 = arith.constant 0 : index
    %swap3A_36 = vector.load %arg4[%swap3A, %swap3A_35] : memref<256x768xf32, #tpu.memory_space<vmem>>, vector<256x768xf32>
    tpu.vector_store %arg4[%swap3A, %swap3A_35], %while3A_34 {strides = array<i32>} : memref<256x768xf32, #tpu.memory_space<vmem>>, vector<256x768xf32>,
    return
  }
  func.func @transform_0(%arg0: i32) -> (i32, i32) {
    %c0_i32 = arith.constant 0 : i32
    %c0_i32_0 = arith.constant 0 : i32
    return %arg0, %c0_i32 : i32, i32
  }
  func.func @transform_1(%arg0: i32) -> (i32, i32, i32) {
    %c0_i32 = arith.constant 0 : i32
    %c0_i32_0 = arith.constant 0 : i32
    %c0_i32_1 = arith.constant 0 : i32
    %c0_i32_2 = arith.constant 0 : i32
    return %c0_i32, %c0_i32_0, %c0_i32_1 : i32, i32, i32
  }
  func.func @transform_2(%arg0: i32) -> (i32, i32, i32) {
    %c0_i32 = arith.constant 0 : i32
    %c0_i32_0 = arith.constant 0 : i32
    %c0_i32_1 = arith.constant 0 : i32
    %c0_i32_2 = arith.constant 0 : i32
    return %c0_i32, %c0_i32_0, %c0_i32_1 : i32, i32, i32
  }
  func.func @transform_3(%arg0: i32) -> (i32, i32) {
    %c0_i32 = arith.constant 0 : i32
    %c0_i32_0 = arith.constant 0 : i32
    return %arg0, %c0_i32 : i32, i32
  }
}

module attributes {stable_mosaic.version = 14 : i64} {
  func.func @_grouped_body(%arg0: i32, %arg1: memref<256x768xf32, #tpu.memory_space<vmem>>, %arg2: memref<8x768x768xbf16, #tpu.memory_space<vmem>>, %arg3: memref<1x1x8xi32, #tpu.memory_space<vmem>>, %arg4: memref<256x768xf32, #tpu.memory_space<vmem>>) attributes {dimension_semantics = [#tpu.dimension_semantics<arbitrary>], iteration_bounds = array<i64: 8>, scalar_prefetch = 0 : i64, scratch_operands = 0 : i64, tpu.core_type = #tpu.core_type<tc>, window_params = [{transform_indices = @transform_0, window_bounds = array<i64: 256, 768>}, {pipeline_mode = #tpu.pipeline_mode<synchronous>, transform_indices = @transform_1, window_bounds = array<i64: 8, 768, 768>}, {transform_indices = @transform_2, window_bounds = array<i64: 1, 1, 8>}, {transform_indices = @transform_3, window_bounds = array<i64: 256, 768>}]} {
    %mul3A = arith.constant 256 : i32
    %mul3A_0 = arith.muli %arg0, %mul3A : i32
    %iota3A = tpu.iota {dimensions = array<i32: 0>} : vector<256x8xi32>
    %add3A = vector.broadcast %mul3A_0 : i32 to vector<256x8xi32>
    %add3A_1 = arith.addi %iota3A, %add3A : vector<256x8xi32>
    %get3A = arith.constant 0 : index
    %get3A_2 = arith.constant 0 : index
    %get3A_3 = arith.constant 0 : index
    %get3A_4 = vector.load %arg3[%get3A, %get3A_2, %get3A_3] : memref<1x1x8xi32, #tpu.memory_space<vmem>>, vector<1x1x8xi32>
    %get3A_5 = vector.shape_cast %get3A_4 : vector<1x1x8xi32> to vector<1x8xi32>
    %ge3A = vector.broadcast %get3A_5 : vector<1x8xi32> to vector<256x8xi32>
    %ge3A_6 = arith.cmpi sge, %add3A_1, %ge3A : vector<256x8xi32>
    %convert_element_type3A = arith.extui %ge3A_6 : vector<256x8xi1> to vector<256x8xi32>
    %reduce_sum3A = arith.constant dense<0> : vector<256xi32>
    %reduce_sum3A_7 = vector.multi_reduction <add>, %convert_element_type3A, %reduce_sum3A [1] : vector<256x8xi32> to vector<256xi32>
    %broadcast_in_dim3A = vector.shape_cast %reduce_sum3A_7 : vector<256xi32> to vector<256x1xi32>
    %sub3A = arith.constant 1 : i32
    %sub3A_8 = vector.broadcast %sub3A : i32 to vector<256x1xi32>
    %sub3A_9 = arith.subi %broadcast_in_dim3A, %sub3A_8 : vector<256x1xi32>
    %reduce_min3A = vector.shape_cast %sub3A_9 : vector<256x1xi32> to vector<1x256x1xi32>
    %reduce_min3A_10 = arith.constant dense<2147483647> : vector<1xi32>
    %reduce_min3A_11 = vector.multi_reduction <minsi>, %reduce_min3A, %reduce_min3A_10 [1, 2] : vector<1x256x1xi32> to vector<1xi32>
    %reduce_min3A_12 = vector.shape_cast %reduce_min3A_11 : vector<1xi32> to vector<1x1x1xi32>
    %reduce_min3A_13 = vector.extract %reduce_min3A_12[0, 0, 0] : i32 from vector<1x1x1xi32>
    %reduce_max3A = vector.shape_cast %sub3A_9 : vector<256x1xi32> to vector<1x256x1xi32>
    %reduce_max3A_14 = arith.constant dense<-2147483648> : vector<1xi32>
    %reduce_max3A_15 = vector.multi_reduction <maxsi>, %reduce_max3A, %reduce_max3A_14 [1, 2] : vector<1x256x1xi32> to vector<1xi32>
    %reduce_max3A_16 = vector.shape_cast %reduce_max3A_15 : vector<1xi32> to vector<1x1x1xi32>
    %reduce_max3A_17 = vector.extract %reduce_max3A_16[0, 0, 0] : i32 from vector<1x1x1xi32>
    %get3A_18 = arith.constant 0 : index
    %get3A_19 = arith.constant 0 : index
    %get3A_20 = vector.load %arg1[%get3A_18, %get3A_19] : memref<256x768xf32, #tpu.memory_space<vmem>>, vector<256x768xf32>
    %convert_element_type3A_21 = arith.truncf %get3A_20 : vector<256x768xf32> to vector<256x768xbf16>
    %add3A_22 = arith.constant 1 : i32
    %add3A_23 = arith.addi %reduce_max3A_17, %add3A_22 : i32
    %broadcast_in_dim3A_24 = arith.constant 0.000000e+00 : f32
    %broadcast_in_dim3A_25 = vector.broadcast %broadcast_in_dim3A_24 : f32 to vector<256x768xf32>
    %while3A = arith.subi %add3A_23, %reduce_min3A_13 : i32
    %while3A_26 = arith.addi %reduce_min3A_13, %while3A : i32
    %while3A_27 = arith.constant 1 : i32
    %while3A_28 = arith.divsi %while3A, %while3A_27 : i32
    %while3A_29 = arith.muli %while3A_28, %while3A_27 : i32
    %while3A_30 = arith.addi %reduce_min3A_13, %while3A_29 : i32
    %while3A_31 = arith.constant 1 : i32
    %while3A_32 = scf.for %while3A_37 = %reduce_min3A_13 to %while3A_30 step %while3A_31 iter_args(%while3A_38 = %broadcast_in_dim3A_25) -> (vector<256x768xf32>)  : i32 {
      %get3A_39 = arith.index_cast %while3A_37 : i32 to index
      %get3A_40 = arith.constant 0 : index
      %get3A_41 = arith.constant 0 : index
      %get3A_42 = vector.load %arg2[%get3A_39, %get3A_40, %get3A_41] : memref<8x768x768xbf16, #tpu.memory_space<vmem>>, vector<1x768x768xbf16>
      %get3A_43 = vector.shape_cast %get3A_42 : vector<1x768x768xbf16> to vector<768x768xbf16>
      %dot_general3A = arith.constant dense<0.000000e+00> : vector<256x768xf32>
      %dot_general3A_44 = tpu.matmul %convert_element_type3A_21, %get3A_43, %dot_general3A {dimension_numbers = #tpu.dot_dimension_numbers<[1], [1], [0], [0], [0, 0, 1, 0], [], []>, transpose_lhs_hint = false} : vector<256x768xbf16>, vector<768x768xbf16>, vector<256x768xf32> -> vector<256x768xf32>
      %eq3A = vector.broadcast %while3A_37 : i32 to vector<256x1xi32>
      %eq3A_45 = arith.cmpi eq, %sub3A_9, %eq3A : vector<256x1xi32>
      %jit3A = arith.constant 0.000000e+00 : f32
      %broadcast_in_dim3A_46 = vector.shape_cast %eq3A_45 : vector<256x1xi1> to vector<256x1xi1>
      %broadcast_in_dim3A_47 = vector.broadcast %broadcast_in_dim3A_46 : vector<256x1xi1> to vector<256x768xi1>
      %broadcast_in_dim3A_48 = vector.broadcast %jit3A : f32 to vector<256x768xf32>
      %select_n3A = arith.select %broadcast_in_dim3A_47, %dot_general3A_44, %broadcast_in_dim3A_48 : vector<256x768xi1>, vector<256x768xf32>
      %add3A_49 = arith.addf %while3A_38, %select_n3A : vector<256x768xf32>
      scf.yield %add3A_49 : vector<256x768xf32>
    }
    %while3A_33 = arith.constant 1 : i32
    %while3A_34 = scf.for %while3A_37 = %while3A_30 to %while3A_26 step %while3A_33 iter_args(%while3A_38 = %while3A_32) -> (vector<256x768xf32>)  : i32 {
      %get3A_39 = arith.index_cast %while3A_37 : i32 to index
      %get3A_40 = arith.constant 0 : index
      %get3A_41 = arith.constant 0 : index
      %get3A_42 = vector.load %arg2[%get3A_39, %get3A_40, %get3A_41] : memref<8x768x768xbf16, #tpu.memory_space<vmem>>, vector<1x768x768xbf16>
      %get3A_43 = vector.shape_cast %get3A_42 : vector<1x768x768xbf16> to vector<768x768xbf16>
      %dot_general3A = arith.constant dense<0.000000e+00> : vector<256x768xf32>
      %dot_general3A_44 = tpu.matmul %convert_element_type3A_21, %get3A_43, %dot_general3A {dimension_numbers = #tpu.dot_dimension_numbers<[1], [1], [0], [0], [0, 0, 1, 0], [], []>, transpose_lhs_hint = false} : vector<256x768xbf16>, vector<768x768xbf16>, vector<256x768xf32> -> vector<256x768xf32>
      %eq3A = vector.broadcast %while3A_37 : i32 to vector<256x1xi32>
      %eq3A_45 = arith.cmpi eq, %sub3A_9, %eq3A : vector<256x1xi32>
      %jit3A = arith.constant 0.000000e+00 : f32
      %broadcast_in_dim3A_46 = vector.shape_cast %eq3A_45 : vector<256x1xi1> to vector<256x1xi1>
      %broadcast_in_dim3A_47 = vector.broadcast %broadcast_in_dim3A_46 : vector<256x1xi1> to vector<256x768xi1>
      %broadcast_in_dim3A_48 = vector.broadcast %jit3A : f32 to vector<256x768xf32>
      %select_n3A = arith.select %broadcast_in_dim3A_47, %dot_general3A_44, %broadcast_in_dim3A_48 : vector<256x768xi1>, vector<256x768xf32>
      %add3A_49 = arith.addf %while3A_38, %select_n3A : vector<256x768xf32>
      scf.yield %add3A_49 : vector<256x768xf32>
    }
    %swap3A = arith.constant 0 : index
    %swap3A_35 = arith.constant 0 : index
    %swap3A_36 = vector.load %arg4[%swap3A, %swap3A_35] : memref<256x768xf32, #tpu.memory_space<vmem>>, vector<256x768xf32>
    tpu.vector_store %arg4[%swap3A, %swap3A_35], %while3A_34 {strides = array<i32>} : memref<256x768xf32, #tpu.memory_space<vmem>>, vector<256x768xf32>,
    return
  }
  func.func @transform_0(%arg0: i32) -> (i32, i32) {
    %c0_i32 = arith.constant 0 : i32
    %c0_i32_0 = arith.constant 0 : i32
    return %arg0, %c0_i32 : i32, i32
  }
  func.func @transform_1(%arg0: i32) -> (i32, i32, i32) {
    %c0_i32 = arith.constant 0 : i32
    %c0_i32_0 = arith.constant 0 : i32
    %c0_i32_1 = arith.constant 0 : i32
    %c0_i32_2 = arith.constant 0 : i32
    return %c0_i32, %c0_i32_0, %c0_i32_1 : i32, i32, i32
  }
  func.func @transform_2(%arg0: i32) -> (i32, i32, i32) {
    %c3_i32 = arith.constant 3 : i32
    %c0_i32 = arith.constant 0 : i32
    %c0_i32_0 = arith.constant 0 : i32
    %c0_i32_1 = arith.constant 0 : i32
    return %c3_i32, %c0_i32, %c0_i32_0 : i32, i32, i32
  }
  func.func @transform_3(%arg0: i32) -> (i32, i32) {
    %c0_i32 = arith.constant 0 : i32
    %c0_i32_0 = arith.constant 0 : i32
    return %arg0, %c0_i32 : i32, i32
  }
}

module attributes {stable_mosaic.version = 14 : i64} {
  func.func @_grouped_body(%arg0: i32, %arg1: memref<256x768xf32, #tpu.memory_space<vmem>>, %arg2: memref<8x768x768xbf16, #tpu.memory_space<vmem>>, %arg3: memref<1x1x8xi32, #tpu.memory_space<vmem>>, %arg4: memref<256x768xf32, #tpu.memory_space<vmem>>) attributes {dimension_semantics = [#tpu.dimension_semantics<arbitrary>], iteration_bounds = array<i64: 8>, scalar_prefetch = 0 : i64, scratch_operands = 0 : i64, tpu.core_type = #tpu.core_type<tc>, window_params = [{transform_indices = @transform_0, window_bounds = array<i64: 256, 768>}, {pipeline_mode = #tpu.pipeline_mode<synchronous>, transform_indices = @transform_1, window_bounds = array<i64: 8, 768, 768>}, {transform_indices = @transform_2, window_bounds = array<i64: 1, 1, 8>}, {transform_indices = @transform_3, window_bounds = array<i64: 256, 768>}]} {
    %mul3A = arith.constant 256 : i32
    %mul3A_0 = arith.muli %arg0, %mul3A : i32
    %iota3A = tpu.iota {dimensions = array<i32: 0>} : vector<256x8xi32>
    %add3A = vector.broadcast %mul3A_0 : i32 to vector<256x8xi32>
    %add3A_1 = arith.addi %iota3A, %add3A : vector<256x8xi32>
    %get3A = arith.constant 0 : index
    %get3A_2 = arith.constant 0 : index
    %get3A_3 = arith.constant 0 : index
    %get3A_4 = vector.load %arg3[%get3A, %get3A_2, %get3A_3] : memref<1x1x8xi32, #tpu.memory_space<vmem>>, vector<1x1x8xi32>
    %get3A_5 = vector.shape_cast %get3A_4 : vector<1x1x8xi32> to vector<1x8xi32>
    %ge3A = vector.broadcast %get3A_5 : vector<1x8xi32> to vector<256x8xi32>
    %ge3A_6 = arith.cmpi sge, %add3A_1, %ge3A : vector<256x8xi32>
    %convert_element_type3A = arith.extui %ge3A_6 : vector<256x8xi1> to vector<256x8xi32>
    %reduce_sum3A = arith.constant dense<0> : vector<256xi32>
    %reduce_sum3A_7 = vector.multi_reduction <add>, %convert_element_type3A, %reduce_sum3A [1] : vector<256x8xi32> to vector<256xi32>
    %broadcast_in_dim3A = vector.shape_cast %reduce_sum3A_7 : vector<256xi32> to vector<256x1xi32>
    %sub3A = arith.constant 1 : i32
    %sub3A_8 = vector.broadcast %sub3A : i32 to vector<256x1xi32>
    %sub3A_9 = arith.subi %broadcast_in_dim3A, %sub3A_8 : vector<256x1xi32>
    %reduce_min3A = vector.shape_cast %sub3A_9 : vector<256x1xi32> to vector<1x256x1xi32>
    %reduce_min3A_10 = arith.constant dense<2147483647> : vector<1xi32>
    %reduce_min3A_11 = vector.multi_reduction <minsi>, %reduce_min3A, %reduce_min3A_10 [1, 2] : vector<1x256x1xi32> to vector<1xi32>
    %reduce_min3A_12 = vector.shape_cast %reduce_min3A_11 : vector<1xi32> to vector<1x1x1xi32>
    %reduce_min3A_13 = vector.extract %reduce_min3A_12[0, 0, 0] : i32 from vector<1x1x1xi32>
    %reduce_max3A = vector.shape_cast %sub3A_9 : vector<256x1xi32> to vector<1x256x1xi32>
    %reduce_max3A_14 = arith.constant dense<-2147483648> : vector<1xi32>
    %reduce_max3A_15 = vector.multi_reduction <maxsi>, %reduce_max3A, %reduce_max3A_14 [1, 2] : vector<1x256x1xi32> to vector<1xi32>
    %reduce_max3A_16 = vector.shape_cast %reduce_max3A_15 : vector<1xi32> to vector<1x1x1xi32>
    %reduce_max3A_17 = vector.extract %reduce_max3A_16[0, 0, 0] : i32 from vector<1x1x1xi32>
    %get3A_18 = arith.constant 0 : index
    %get3A_19 = arith.constant 0 : index
    %get3A_20 = vector.load %arg1[%get3A_18, %get3A_19] : memref<256x768xf32, #tpu.memory_space<vmem>>, vector<256x768xf32>
    %convert_element_type3A_21 = arith.truncf %get3A_20 : vector<256x768xf32> to vector<256x768xbf16>
    %add3A_22 = arith.constant 1 : i32
    %add3A_23 = arith.addi %reduce_max3A_17, %add3A_22 : i32
    %broadcast_in_dim3A_24 = arith.constant 0.000000e+00 : f32
    %broadcast_in_dim3A_25 = vector.broadcast %broadcast_in_dim3A_24 : f32 to vector<256x768xf32>
    %while3A = arith.subi %add3A_23, %reduce_min3A_13 : i32
    %while3A_26 = arith.addi %reduce_min3A_13, %while3A : i32
    %while3A_27 = arith.constant 1 : i32
    %while3A_28 = arith.divsi %while3A, %while3A_27 : i32
    %while3A_29 = arith.muli %while3A_28, %while3A_27 : i32
    %while3A_30 = arith.addi %reduce_min3A_13, %while3A_29 : i32
    %while3A_31 = arith.constant 1 : i32
    %while3A_32 = scf.for %while3A_37 = %reduce_min3A_13 to %while3A_30 step %while3A_31 iter_args(%while3A_38 = %broadcast_in_dim3A_25) -> (vector<256x768xf32>)  : i32 {
      %get3A_39 = arith.index_cast %while3A_37 : i32 to index
      %get3A_40 = arith.constant 0 : index
      %get3A_41 = arith.constant 0 : index
      %get3A_42 = vector.load %arg2[%get3A_39, %get3A_40, %get3A_41] : memref<8x768x768xbf16, #tpu.memory_space<vmem>>, vector<1x768x768xbf16>
      %get3A_43 = vector.shape_cast %get3A_42 : vector<1x768x768xbf16> to vector<768x768xbf16>
      %dot_general3A = arith.constant dense<0.000000e+00> : vector<256x768xf32>
      %dot_general3A_44 = tpu.matmul %convert_element_type3A_21, %get3A_43, %dot_general3A {dimension_numbers = #tpu.dot_dimension_numbers<[1], [1], [0], [0], [0, 0, 1, 0], [], []>, transpose_lhs_hint = false} : vector<256x768xbf16>, vector<768x768xbf16>, vector<256x768xf32> -> vector<256x768xf32>
      %eq3A = vector.broadcast %while3A_37 : i32 to vector<256x1xi32>
      %eq3A_45 = arith.cmpi eq, %sub3A_9, %eq3A : vector<256x1xi32>
      %jit3A = arith.constant 0.000000e+00 : f32
      %broadcast_in_dim3A_46 = vector.shape_cast %eq3A_45 : vector<256x1xi1> to vector<256x1xi1>
      %broadcast_in_dim3A_47 = vector.broadcast %broadcast_in_dim3A_46 : vector<256x1xi1> to vector<256x768xi1>
      %broadcast_in_dim3A_48 = vector.broadcast %jit3A : f32 to vector<256x768xf32>
      %select_n3A = arith.select %broadcast_in_dim3A_47, %dot_general3A_44, %broadcast_in_dim3A_48 : vector<256x768xi1>, vector<256x768xf32>
      %add3A_49 = arith.addf %while3A_38, %select_n3A : vector<256x768xf32>
      scf.yield %add3A_49 : vector<256x768xf32>
    }
    %while3A_33 = arith.constant 1 : i32
    %while3A_34 = scf.for %while3A_37 = %while3A_30 to %while3A_26 step %while3A_33 iter_args(%while3A_38 = %while3A_32) -> (vector<256x768xf32>)  : i32 {
      %get3A_39 = arith.index_cast %while3A_37 : i32 to index
      %get3A_40 = arith.constant 0 : index
      %get3A_41 = arith.constant 0 : index
      %get3A_42 = vector.load %arg2[%get3A_39, %get3A_40, %get3A_41] : memref<8x768x768xbf16, #tpu.memory_space<vmem>>, vector<1x768x768xbf16>
      %get3A_43 = vector.shape_cast %get3A_42 : vector<1x768x768xbf16> to vector<768x768xbf16>
      %dot_general3A = arith.constant dense<0.000000e+00> : vector<256x768xf32>
      %dot_general3A_44 = tpu.matmul %convert_element_type3A_21, %get3A_43, %dot_general3A {dimension_numbers = #tpu.dot_dimension_numbers<[1], [1], [0], [0], [0, 0, 1, 0], [], []>, transpose_lhs_hint = false} : vector<256x768xbf16>, vector<768x768xbf16>, vector<256x768xf32> -> vector<256x768xf32>
      %eq3A = vector.broadcast %while3A_37 : i32 to vector<256x1xi32>
      %eq3A_45 = arith.cmpi eq, %sub3A_9, %eq3A : vector<256x1xi32>
      %jit3A = arith.constant 0.000000e+00 : f32
      %broadcast_in_dim3A_46 = vector.shape_cast %eq3A_45 : vector<256x1xi1> to vector<256x1xi1>
      %broadcast_in_dim3A_47 = vector.broadcast %broadcast_in_dim3A_46 : vector<256x1xi1> to vector<256x768xi1>
      %broadcast_in_dim3A_48 = vector.broadcast %jit3A : f32 to vector<256x768xf32>
      %select_n3A = arith.select %broadcast_in_dim3A_47, %dot_general3A_44, %broadcast_in_dim3A_48 : vector<256x768xi1>, vector<256x768xf32>
      %add3A_49 = arith.addf %while3A_38, %select_n3A : vector<256x768xf32>
      scf.yield %add3A_49 : vector<256x768xf32>
    }
    %swap3A = arith.constant 0 : index
    %swap3A_35 = arith.constant 0 : index
    %swap3A_36 = vector.load %arg4[%swap3A, %swap3A_35] : memref<256x768xf32, #tpu.memory_space<vmem>>, vector<256x768xf32>
    tpu.vector_store %arg4[%swap3A, %swap3A_35], %while3A_34 {strides = array<i32>} : memref<256x768xf32, #tpu.memory_space<vmem>>, vector<256x768xf32>,
    return
  }
  func.func @transform_0(%arg0: i32) -> (i32, i32) {
    %c0_i32 = arith.constant 0 : i32
    %c0_i32_0 = arith.constant 0 : i32
    return %arg0, %c0_i32 : i32, i32
  }
  func.func @transform_1(%arg0: i32) -> (i32, i32, i32) {
    %c0_i32 = arith.constant 0 : i32
    %c0_i32_0 = arith.constant 0 : i32
    %c0_i32_1 = arith.constant 0 : i32
    %c0_i32_2 = arith.constant 0 : i32
    return %c0_i32, %c0_i32_0, %c0_i32_1 : i32, i32, i32
  }
  func.func @transform_2(%arg0: i32) -> (i32, i32, i32) {
    %c2_i32 = arith.constant 2 : i32
    %c0_i32 = arith.constant 0 : i32
    %c0_i32_0 = arith.constant 0 : i32
    %c0_i32_1 = arith.constant 0 : i32
    return %c2_i32, %c0_i32, %c0_i32_0 : i32, i32, i32
  }
  func.func @transform_3(%arg0: i32) -> (i32, i32) {
    %c0_i32 = arith.constant 0 : i32
    %c0_i32_0 = arith.constant 0 : i32
    return %arg0, %c0_i32 : i32, i32
  }
}

module attributes {stable_mosaic.version = 14 : i64} {
  func.func @_tc4_body(%arg0: i32, %arg1: memref<256x1024xf32, #tpu.memory_space<vmem>>, %arg2: memref<256x768xf32, #tpu.memory_space<vmem>>, %arg3: memref<256x768xf32, #tpu.memory_space<vmem>>, %arg4: memref<1024x768xbf16, #tpu.memory_space<vmem>>, %arg5: memref<1024x768xbf16, #tpu.memory_space<vmem>>, %arg6: memref<256x1024xf32, #tpu.memory_space<vmem>>) attributes {dimension_semantics = [#tpu.dimension_semantics<arbitrary>], iteration_bounds = array<i64: 8>, scalar_prefetch = 0 : i64, scratch_operands = 0 : i64, tpu.core_type = #tpu.core_type<tc>, window_params = [{transform_indices = @transform_0, window_bounds = array<i64: 256, 1024>}, {transform_indices = @transform_1, window_bounds = array<i64: 256, 768>}, {transform_indices = @transform_2, window_bounds = array<i64: 256, 768>}, {pipeline_mode = #tpu.pipeline_mode<synchronous>, transform_indices = @transform_3, window_bounds = array<i64: 1024, 768>}, {pipeline_mode = #tpu.pipeline_mode<synchronous>, transform_indices = @transform_4, window_bounds = array<i64: 1024, 768>}, {transform_indices = @transform_5, window_bounds = array<i64: 256, 1024>}]} {
    %get3A = arith.constant 0 : index
    %get3A_0 = arith.constant 0 : index
    %get3A_1 = vector.load %arg2[%get3A, %get3A_0] : memref<256x768xf32, #tpu.memory_space<vmem>>, vector<256x768xf32>
    %convert_element_type3A = arith.truncf %get3A_1 : vector<256x768xf32> to vector<256x768xbf16>
    %get3A_2 = arith.constant 0 : index
    %get3A_3 = arith.constant 0 : index
    %get3A_4 = vector.load %arg4[%get3A_2, %get3A_3] : memref<1024x768xbf16, #tpu.memory_space<vmem>>, vector<1024x768xbf16>
    %dot_general3A = arith.constant dense<0.000000e+00> : vector<256x1024xf32>
    %dot_general3A_5 = tpu.matmul %convert_element_type3A, %get3A_4, %dot_general3A {dimension_numbers = #tpu.dot_dimension_numbers<[1], [1], [0], [0], [0, 0, 1, 0], [], []>, transpose_lhs_hint = false} : vector<256x768xbf16>, vector<1024x768xbf16>, vector<256x1024xf32> -> vector<256x1024xf32>
    %get3A_6 = arith.constant 0 : index
    %get3A_7 = arith.constant 0 : index
    %get3A_8 = vector.load %arg3[%get3A_6, %get3A_7] : memref<256x768xf32, #tpu.memory_space<vmem>>, vector<256x768xf32>
    %convert_element_type3A_9 = arith.truncf %get3A_8 : vector<256x768xf32> to vector<256x768xbf16>
    %get3A_10 = arith.constant 0 : index
    %get3A_11 = arith.constant 0 : index
    %get3A_12 = vector.load %arg5[%get3A_10, %get3A_11] : memref<1024x768xbf16, #tpu.memory_space<vmem>>, vector<1024x768xbf16>
    %dot_general3A_13 = arith.constant dense<0.000000e+00> : vector<256x1024xf32>
    %dot_general3A_14 = tpu.matmul %convert_element_type3A_9, %get3A_12, %dot_general3A_13 {dimension_numbers = #tpu.dot_dimension_numbers<[1], [1], [0], [0], [0, 0, 1, 0], [], []>, transpose_lhs_hint = false} : vector<256x768xbf16>, vector<1024x768xbf16>, vector<256x1024xf32> -> vector<256x1024xf32>
    %get3A_15 = arith.constant 0 : index
    %get3A_16 = arith.constant 0 : index
    %get3A_17 = vector.load %arg1[%get3A_15, %get3A_16] : memref<256x1024xf32, #tpu.memory_space<vmem>>, vector<256x1024xf32>
    %mul3A = arith.constant 1.590000e-02 : f32
    %mul3A_18 = vector.broadcast %mul3A : f32 to vector<256x1024xf32>
    %mul3A_19 = arith.mulf %mul3A_18, %dot_general3A_5 : vector<256x1024xf32>
    %add3A = arith.addf %get3A_17, %mul3A_19 : vector<256x1024xf32>
    %mul3A_20 = arith.constant 1.590000e-02 : f32
    %mul3A_21 = vector.broadcast %mul3A_20 : f32 to vector<256x1024xf32>
    %mul3A_22 = arith.mulf %mul3A_21, %dot_general3A_14 : vector<256x1024xf32>
    %add3A_23 = arith.addf %add3A, %mul3A_22 : vector<256x1024xf32>
    %swap3A = arith.constant 0 : index
    %swap3A_24 = arith.constant 0 : index
    %swap3A_25 = vector.load %arg6[%swap3A, %swap3A_24] : memref<256x1024xf32, #tpu.memory_space<vmem>>, vector<256x1024xf32>
    tpu.vector_store %arg6[%swap3A, %swap3A_24], %add3A_23 {strides = array<i32>} : memref<256x1024xf32, #tpu.memory_space<vmem>>, vector<256x1024xf32>,
    return
  }
  func.func @transform_0(%arg0: i32) -> (i32, i32) {
    %c0_i32 = arith.constant 0 : i32
    %c0_i32_0 = arith.constant 0 : i32
    return %arg0, %c0_i32 : i32, i32
  }
  func.func @transform_1(%arg0: i32) -> (i32, i32) {
    %c0_i32 = arith.constant 0 : i32
    %c0_i32_0 = arith.constant 0 : i32
    return %arg0, %c0_i32 : i32, i32
  }
  func.func @transform_2(%arg0: i32) -> (i32, i32) {
    %c0_i32 = arith.constant 0 : i32
    %c0_i32_0 = arith.constant 0 : i32
    return %arg0, %c0_i32 : i32, i32
  }
  func.func @transform_3(%arg0: i32) -> (i32, i32) {
    %c0_i32 = arith.constant 0 : i32
    %c0_i32_0 = arith.constant 0 : i32
    %c0_i32_1 = arith.constant 0 : i32
    return %c0_i32, %c0_i32_0 : i32, i32
  }
  func.func @transform_4(%arg0: i32) -> (i32, i32) {
    %c0_i32 = arith.constant 0 : i32
    %c0_i32_0 = arith.constant 0 : i32
    %c0_i32_1 = arith.constant 0 : i32
    return %c0_i32, %c0_i32_0 : i32, i32
  }
  func.func @transform_5(%arg0: i32) -> (i32, i32) {
    %c0_i32 = arith.constant 0 : i32
    %c0_i32_0 = arith.constant 0 : i32
    return %arg0, %c0_i32 : i32, i32
  }
}

</mosaic_0001>

<sc_bundles>
// kernel: kernel.14.cloned.1.call-start
scs
__scs_entry_jumppad:
0x0: {  	(pc) =	sbr.rel $0x88, $3  }
0x1: {  	(tag) =	ssettag $0x0;
	lr =	simm.s32 $0x1  }
0x2: {  	[smem:$0x3F95] =	sst lr;
	_ =	strace $0xD0000000  }
0x3: {  	_ = 	snop  }
0x4: {  	_ = 	snop  }
0x5: {  	_ = 	snop  }
0x6: {  	_ = 	snop  }
0x7: {  	_ = 	snop  }
__scs_overlays_trampoline_lowered:
0x8: {  	[smem:$0x3FA4] =	sst s0  }
0x9: {  	[smem:$0x3FA5] =	sst s1  }
0xa: {  	[smem:$0x3FA6] =	sst s2  }
0xb: {  	[smem:$0x3FA7] =	sst s3  }
0xc: {  	[smem:$0x3FA8] =	sst s4  }
0xd: {  	[smem:$0x3FA9] =	sst s5  }
0xe: {  	[smem:$0x3FAA] =	sst s6  }
0xf: {  	[smem:$0x3FAB] =	sst s7  }
0x10: {  	[smem:$0x3FAC] =	sst s8  }
0x11: {  	[smem:$0x3FAD] =	sst s9;
	s0 =	simm.s32 @!p0 $0x0  }
0x12: {  	s1 =	sld [smem:$0x3F93];
	s0 =	simm.s32 @p0 $0x1  }
0x13: {  	[smem:$0x3FAE] =	sst s0;
	s0 =	simm.s32 @!p1 $0x0  }
0x14: {  	s2 =	sld [smem:$0x3F92];
	s0 =	simm.s32 @p1 $0x1  }
0x15: {  	[smem:$0x3FAF] =	sst s0;
	s0 =	simm.s32 @!p2 $0x0  }
0x16: {  	s3 =	sld [smem:$0x3FDB];
	s0 =	simm.s32 @p2 $0x1  }
0x17: {  	s4 =	simm.s32 $0x1BF5;
	[smem:$0x3FB1] =	sst s0  }
0x18: {  	s0 =	sld [smem:$0x3F94];
	_ =	swait.ge [sflag:s4], $0x0  }
0x19: {  	s7 =	sld [smem:$0x3F95]  }
0x1a: {  	s8 =	sadd.s32 $0xFFFFE003, lr  }
0x1b: {  	s9 =	sadd.s32 $0xFFFFFEF7, lr;
	s5 =	simm.s32 $0xFFFFFFFF;
	p2 =	slt.u32 s8, $0xFFFFF086  }
0x1c: {  	p1 =	slt.u32 s9, $0xF7A;
	s5 =	simm.s32 @!p2 $0x0  }
0x1d: {  	s5 =	simm.s32 @p1 $0x1;
	p0 =	seq.s32 s7, s2  }
0x1e: {  	s7 =	smul.u32 @!p0 $0xF7A, s2;
	p2 =	seq.s32 @!p0 s5, $0x0  }
0x1f: {  	s9 =	smul.u32 $0xF7A, s1;
	s8 =	simm.s32 @!p0 $0x1BF5;
	p2 =	por !p2, p0  }
0x20: {  	[sflag:s8] =	ssyncset.s32 @!p0 $0xFFFFF086;
	s6 =	sadd.s32 @!p0 s3, s7;
	s7 =	simm.s32 @!p0 $0x108  }
0x21: {  	s3 =	sadd.s32 s3, s9;
	s6 =	sadd.s32 @!p0 $0x88, s6;
	s7 =	simm.s32 @p2 $0x1082  }
0x22: {  	[simem:s7], [sflag:s8] =	dma.local @!p0 [hbm:s6], $0xF7A  }
0x23: {  	s9 =	sor.u32 $0xD0000000, s2;
	s6 =	simm.s32 $0x108;
	_ =	swait.ge @!p0 [sflag:s8], $0x0  }
0x24: {  	s3 =	sadd.s32 $0x88, s3;
	s6 =	simm.s32 @!p1 $0x1082;
	[sflag:s4] =	ssyncset.s32 $0xFFFFF086  }
0x25: {  	[simem:s6], [sflag:s4] =	dma.local [hbm:s3], $0xF7A  }
0x26: {  	[smem:$0x3F95] =	sst s1;
	(tag) =	ssettag s2;
	_ =	strace s9  }
0x27: {  	s1 =	sld [smem:$0x3FA5]  }
0x28: {  	s2 =	sld [smem:$0x3FA6]  }
0x29: {  	s4 =	sld [smem:$0x3FA8]  }
0x2a: {  	p0 =	seq.s32 s5, $0x0;
	s5 =	sld [smem:$0x3FA9]  }
0x2b: {  	s6 =	sld [smem:$0x3FAA]  }
0x2c: {  	s7 =	sld [smem:$0x3FAB]  }
0x2d: {  	s3 =	simm.s32 $0x108;
	s8 =	sld [smem:$0x3FAC]  }
0x2e: {  	s3 =	simm.s32 @!p0 $0x1082;
	s9 =	sld [smem:$0x3FAD]  }
0x2f: {  	lr =	sadd.s32 s0, s3;
	s0 =	sld [smem:$0x3FA4]  }
0x30: {  	s3 =	sld [smem:$0x3FA7]  }
0x31: {  	[smem:$0x3FB0] =	sst s10  }
0x32: {  	s10 =	sld [smem:$0x3FAE];
	_ =	sdelay $0x3  }
0x33: {  	p0 =	seq.s32 s10, $0x1;
	s10 =	sld [smem:$0x3FB0];
	_ =	sdelay $0x3  }
0x34: {  	[smem:$0x3FB0] =	sst s10  }
0x35: {  	s10 =	sld [smem:$0x3FAF];
	_ =	sdelay $0x3  }
0x36: {  	p1 =	seq.s32 s10, $0x1;
	s10 =	sld [smem:$0x3FB0];
	_ =	sdelay $0x3  }
0x37: {  	[smem:$0x3FB0] =	sst s10  }
0x38: {  	s10 =	sld [smem:$0x3FB1]  }
0x39: {  	_ = 	snop;
	(pc) =	sbr.ind lr, $3  }
0x3a: {  	_ = 	snop  }
0x3b: {  	_ = 	snop  }
0x3c: {  	p2 =	seq.s32 s10, $0x1;
	s10 =	sld [smem:$0x3FB0]  }
0x3d: {  	_ =	shalt  }
0x3e: {  	_ =	shalt  }
0x3f: {  	_ =	shalt  }
0x40: {  	_ =	shalt  }
0x41: {  	_ =	shalt  }
0x42: {  	_ =	shalt  }
0x43: {  	_ =	shalt  }
0x44: {  	_ =	shalt  }
0x45: {  	_ =	shalt  }
0x46: {  	_ =	shalt  }
0x47: {  	_ =	shalt  }
0x48: {  	_ =	shalt  }
0x49: {  	_ =	shalt  }
0x4a: {  	_ =	shalt  }
0x4b: {  	_ =	shalt  }
0x4c: {  	_ =	shalt  }
0x4d: {  	_ =	shalt  }
0x4e: {  	_ =	shalt  }
0x4f: {  	_ =	shalt  }
0x50: {  	_ =	shalt  }
0x51: {  	_ =	shalt  }
0x52: {  	_ =	shalt  }
0x53: {  	_ =	shalt  }
0x54: {  	_ =	shalt  }
0x55: {  	_ =	shalt  }
0x56: {  	_ =	shalt  }
0x57: {  	_ =	shalt  }
0x58: {  	_ =	shalt  }
0x59: {  	_ =	shalt  }
0x5a: {  	_ =	shalt  }
0x5b: {  	_ =	shalt  }
0x5c: {  	_ =	shalt  }
0x5d: {  	_ =	shalt  }
0x5e: {  	_ =	shalt  }
0x5f: {  	_ =	shalt  }
0x60: {  	_ =	shalt  }
0x61: {  	_ =	shalt  }
0x62: {  	_ =	shalt  }
0x63: {  	_ =	shalt  }
0x64: {  	_ =	shalt  }
0x65: {  	_ =	shalt  }
0x66: {  	_ =	shalt  }
0x67: {  	_ =	shalt  }
0x68: {  	_ =	shalt  }
0x69: {  	_ =	shalt  }
0x6a: {  	_ =	shalt  }
0x6b: {  	_ =	shalt  }
0x6c: {  	_ =	shalt  }
0x6d: {  	_ =	shalt  }
0x6e: {  	_ =	shalt  }
0x6f: {  	_ =	shalt  }
0x70: {  	_ =	shalt  }
0x71: {  	_ =	shalt  }
0x72: {  	_ =	shalt  }
0x73: {  	_ =	shalt  }
0x74: {  	_ =	shalt  }
0x75: {  	_ =	shalt  }
0x76: {  	_ =	shalt  }
0x77: {  	_ =	shalt  }
0x78: {  	_ =	shalt  }
0x79: {  	_ =	shalt  }
0x7a: {  	_ =	shalt  }
0x7b: {  	_ =	shalt  }
0x7c: {  	_ =	shalt  }
0x7d: {  	_ =	shalt  }
0x7e: {  	_ =	shalt  }
0x7f: {  	_ =	shalt  }
0x80: {  	_ =	shalt  }
0x81: {  	_ =	shalt  }
0x82: {  	_ =	shalt  }
0x83: {  	_ =	shalt  }
0x84: {  	_ =	shalt  }
0x85: {  	_ =	shalt  }
0x86: {  	_ =	shalt  }
0x87: {  	_ =	shalt  }
.Lfunc_end0:
.L_simem_size_0:
called_computation_lowered:
.L_overlay_start_0:
0x88: {  	s2 =	sld [smem:$0x3FD9]  }
0x89: {  	s3 =	sld [smem:$0x3FFE];
	_ =	sdelay $0x1  }
0x8a: {  	s1 =	srdreg.scid  }
0x8b: {  	s0 =	sand.u32 $0x1, s1  }
0x8c: {  	s17 =	sshll.u32 s0, $0xA;
	s2 =	sadd.s32 s3, s2  }
0x8d: {  	s2 =	sadd.s32 s2, s17  }
0x8e: {  	[smem:$0x3FBC] =	sst s2  }
0x8f: {  	_ = 	snop  }
0x90: {  	s18 =	sld [smem:$0x3FD0];
	(tm) =	ssettm $0x1  }
0x91: {  	s19 =	sld [smem:$0x3FFB];
	_ =	sdelay $0x3  }
0x92: {  	_ =	strace s19  }
0x93: {  	s2 =	sld [smem:$0x3FFC];
	_ =	sdelay $0x3  }
0x94: {  	_ =	strace s2  }
0x95: {  	s2 =	sld [smem:$0x3FFD];
	_ =	sdelay $0x3  }
0x96: {  	_ =	strace s2  }
0x97: {  	_ =	strace $0x8FFFFFFF  }
0x98: {  	s20 =	sld [smem:$0x3FDB];
	_ =	sdelay $0x1  }
0x99: {  	s4 =	simm.s32 $_scs_section_size  }
0x9a: {  	s5 =	simm.s32 $_size__tile_overlayer_lowered;
	s6 =	simm.s32 $_tile_overlayer_lowered  }
0x9b: {  	s7 =	simm.s32 $0x1BFF;
	s21 =	sshll.u32 s6, $0x1;
	s4 =	sadd.s32 s4, s20  }
0x9c: {  	s22 =	simm.s32 $0x0;
	s5 =	sshll.u32 s5, $0x1;
	s6 =	sadd.s32 s21, s4  }
0x9d: {  	[timem:s22], [sflag:s7] =	dma.local [hbm:s6], s5  }
0x9e: {  	_ =	swait.ge [sflag:s7], s5  }
0x9f: {  	s5 =	ssub.s32 $0x0, s5;
	[sflag:s7] =	ssyncset.done $0x0  }
0xa0: {  	[sflag:s7] =	ssyncadd.s32 s5;
	_ =	sdelay $0x1  }
0xa1: {  	s23 =	simm.s32 $0x1B8B  }
0xa2: {  	_ =	swait.ge [sflag:s23], $0x1  }
0xa3: {  	[sflag:s23] =	ssyncset.done $0x0  }
0xa4: {  	[sflag:s23] =	ssyncadd.s32 $0xFFFFFFFF  }
0xa5: {  	s5 =	sld [smem:$0x0]  }
0xa6: {  	s6 =	sand.u32 $0xFFFFFFFE, s1  }
0xa7: {  	p0 =	sne.s32 s1, s6  }
0xa8: {  	s6 =	sshll.u32 @p0 s6, $0xE  }
0xa9: {  	s6 =	sadd.s32 @p0 $0x11B8D, s6;
	s7 =	sshll.u32 @p0 s5, $0x11  }
0xaa: {  	s6 =	sor.u32 @p0 s7, s6  }
0xab: {  	[sflag:s6] =	ssyncadd.remote.s32 @p0 $0x1;
	_ =	sdelay $0x1  }
0xac: {  	s6 =	simm.s32 @p0 $0x1B8D  }
0xad: {  	_ =	swait.eq @p0 [sflag:s6], $0x1  }
0xae: {  	[sflag:s6] =	ssyncadd.s32 @p0 $0xFFFFFFFF  }
0xaf: {  	s7 =	sshll.u32 @!p0 s1, $0xE  }
0xb0: {  	s7 =	sor.u32 @!p0 $0x4000, s7;
	s6 =	simm.s32 @!p0 $0x1B8D  }
0xb1: {  	s5 =	sshll.u32 @!p0 s5, $0x11;
	s7 =	sadd.s32 @!p0 $0x11B8D, s7;
	_ =	swait.eq @!p0 [sflag:s6], $0x1  }
0xb2: {  	s5 =	sor.u32 @!p0 s5, s7;
	[sflag:s6] =	ssyncadd.s32 @!p0 $0xFFFFFFFF  }
0xb3: {  	s25 =	simm.s32 $0x1B8E;
	s24 =	sld [smem:$0x3FFE];
	[sflag:s5] =	ssyncadd.remote.s32 @!p0 $0x1  }
0xb4: {  	s26 =	simm.s32 $execute0_lowered;
	[smem:$0x3FD2] =	sst s25  }
0xb5: {  	s6 =	sshll.u32 s26, $0x1;
	_ =	strace $0x80000049;
	[dreg:$0x1] =	wrdreg $0xFFFFFFFF  }
0xb6: {  	s28 =	simm.s32 $_size_execute0_lowered;
	s4 =	sadd.s32 s4, s6;
	[dreg:$0x0] =	wrdreg $0x0  }
0xb7: {  	s6 =	sshll.u32 s28, $0x1;
	[dreg:$0x2] =	wrdreg s4  }
0xb8: {  	[dreg:$0x3] =	wrdreg s6  }
0xb9: {  	[dreg:$0x4] =	wrdreg $0xC0  }
0xba: {  	_ =	task [dreg:s22], $0x5FFFF  }
0xbb: {  	[dreg:$0x1] =	wrdreg $0xFFFFFFFF  }
0xbc: {  	[dreg:$0x0] =	wrdreg $0x60  }
0xbd: {  	[dreg:$0x2] =	wrdreg s18  }
0xbe: {  	[dreg:$0x3] =	wrdreg s24  }
0xbf: {  	[dreg:$0x4] =	wrdreg $0x9  }
0xc0: {  	_ =	task.clear_ibuf [dreg:s22], $0x5FFFF;
	_ =	strace $0x90000049  }
0xc1: {  	s29 =	simm.s32 $0x9;
	_ =	strace $0x8000004B  }
0xc2: {  	_ =	swait.ge [sflag:s29], $0x1  }
0xc3: {  	[sflag:s29] =	ssyncadd.s32 $0xFFFFFFFF  }
0xc4: {  	_ =	strace $0x9000004B  }
0xc5: {  	_ =	sfence  }
0xc6: {  	s30 =	sld [smem:$0x0];
	_ =	sdelay $0x2  }
0xc7: {  	s31 =	sshll.u32 s1, $0xD;
	s1 =	sshrl.u32 s1, $0x2  }
0xc8: {  	s4 =	sand.u32 $0x4000, s31;
	s1 =	sadd.s32 s1, s30  }
0xc9: {  	s0 =	sor.u32 s4, s0;
	s1 =	sshll.u32 s1, $0x11  }
0xca: {  	s0 =	sor.u32 s1, s0  }
0xcb: {  	s0 =	sadd.s32 $0x8F2B, s0  }
0xcc: {  	[sflag:s0] =	ssyncadd.remote.s32 $0x1  }
0xcd: {  	_ =	sfence.sel $0xFFFF  }
0xce: {  	[dreg:$0x0] =	wrdreg $0xFFFFFFFF;
	(pc) =	sbr.abs _section_cstart, $3  }
0xcf: {  	[dreg:$0x1] =	wrdreg $0xFFFFFFFF  }
0xd0: {  	_ =	task.clear_ibuf [dreg:s22], $0x2FFFF;
	_ =	strace $0x9FFFFFFF  }
0xd1: {  	(tm) =	ssettm $0x7FFFFFFF  }
tec
execute0_lowered:
.L_overlay_start_1:
0x0: {  	(tag) =	ssettag $0x1  }
0x1: {  	s1 =	srdreg.scid  }
0x2: {  	s3 =	rddreg [dreg:$0x0];
	s0 =	stileid.u32  }
0x3: {  	s5 =	rddreg [dreg:$0x1];
	s2 =	simm.s32 $0x0;
	s8 =	simm.s32 $0x80  }
0x4: {  	s26 =	simm.s32 $0x880;
	s9 =	simm.s32 $0x1080;
	s10 =	simm.s32 $0x1880  }
0x5: {  	s11 =	simm.s32 $0x2080;
	s12 =	simm.s32 $0x2880;
	s13 =	simm.s32 $0x3080  }
0x6: {  	s14 =	simm.s32 $0x3880;
	s15 =	simm.s32 $0x4080;
	s16 =	simm.s32 $0x4880  }
0x7: {  	s17 =	simm.s32 $0x5080;
	s18 =	simm.s32 $0x5880;
	s19 =	simm.s32 $0x6080  }
0x8: {  	s20 =	simm.s32 $0x6880;
	s21 =	simm.s32 $0x7080;
	s22 =	simm.s32 $0x7880  }
0x9: {  	s23 =	simm.s32 $0x8080;
	s24 =	simm.s32 $0x8880;
	s25 =	simm.s32 $0x9080  }
0xa: {  	s28 =	simm.s32 $0xA080;
	s29 =	simm.s32 $0xA880;
	s30 =	simm.s32 $0xB080  }
0xb: {  	s31 =	simm.s32 $0xB880;
	s1 =	sand.u32 $0x1, s1;
	[smem:$0x7FF] =	sst s2  }
0xc: {  	s4 =	sshll.u32 s0, $0x4;
	s6 =	sshll.u32 s1, $0x3;
	_ =	strace $0x8000004A  }
0xd: {  	s1 =	ssub.s32 $0x2, s1;
	[dreg:$0x5] =	wrdreg s26;
	s4 =	sor.u32 s6, s4  }
0xe: {  	s7 =	sshrl.u32 s1, $0x1;
	s6 =	sadd.s32 s4, s5;
	s4 =	smul.u32 $0x300, s4  }
0xf: {  	s26 =	simm.s32 $0x9880;
	s1 =	ssub.s32 s1, s7;
	s6 =	sadd.s32 $0x74400, s6  }
0x10: {  	v2 =	vlaneseq.u32;
	s7 =	simm.s32 $0x2;
	[dreg:$0x3] =	wrdreg s6;
	s4 =	sadd.s32 s3, s4  }
0x11: {  	vm0 =	vmmov $0xffff;
	v1 =	vshrl.u32 v2, $0x3;
	s3 =	sadd.s32 $0xA4A00, s5;
	s6 =	smax.u32 s1, $0x1;
	s1 =	simm.s32 $0x1  }
0x12: {  	v0 =	vand.u32 $0x7, v2;
	v2 =	vor.u32 $0x8, v2;
	v1 =	vmul.u32 $0x8, v1;
	[dreg:$0x4] =	wrdreg s4;
	s4 =	sadd.s32 $0xA4B00, s5;
	s5 =	sadd.s32 $0xA4C00, s5  }
.LBB2_1:
0x13: {  	s0 =	rddreg [dreg:$0x3]  }
0x14: {  	[tilespmem:s2], [sflag:$0x2] =	stream.linear.gather [hbm4b:s0+s2], $0x40, $0x38;
	[tilespmem:$0xC080] =	vst v63  }
0x15: {  	_ =	swait.ge [sflag:s7], $0x40  }
0x16: {  	[sflag:s7] =	ssyncset.done $0x0  }
0x17: {  	s0 =	rddreg [dreg:$0x4];
	[sflag:s7] =	ssyncadd.s32 $0xFFFFFFC0  }
0x18: {  	[tilespmem:s8], [sflag:$0x2] =	stream.linear.gather [hbm4b:s0+s2], $0xC000, $0x38;
	[tilespmem:$0xC080] =	vst v63  }
0x19: {  	_ =	swait.ge [sflag:s7], $0xC000  }
0x1a: {  	[sflag:s7] =	ssyncset.done $0x0  }
0x1b: {  	[sflag:s7] =	ssyncadd.s32 $0xFFFF4000  }
0x1c: {  	v3 =	vld [tilespmem:$0x0];
	_ =	sdelay $0x4  }
0x1d: {  	v4 =	vshrl.u32 v3, $0x3  }
0x1e: {  	v4 =	vmul.u32 $0x30, v4  }
0x1f: {  	v3 =	vand.u32 $0x7, v3  }
0x20: {  	v3 =	vor.u32 v3, v4  }
0x21: {  	v4 =	vperm.xlane v3, v0;
	_ =	sdelay $0x1  }
0x22: {  	v4 =	vadd.s32 v1, v4;
	_ =	sdelay $0x3  }
0x23: {  	v3 =	vperm.xlane v3, v2  }
0x24: {  	[hbm4b:s3+s2] =	stream.indirect_vreg.scatter [tilespmem:s8], [sflag:$0x1], $0x80, v4, vm0, $0xb8;
	[tilespmem:$0xC080] =	vst v63  }
0x25: {  	s0 =	rddreg [dreg:$0x5];
	v3 =	vadd.s32 v1, v3  }
0x26: {  	[hbm4b:s4+s2] =	stream.indirect_vreg.scatter [tilespmem:s0], [sflag:$0x1], $0x80, v4, vm0, $0xb8;
	[tilespmem:$0xC080] =	vst v63  }
0x27: {  	_ = 	snop  }
0x28: {  	[hbm4b:s5+s2] =	stream.indirect_vreg.scatter [tilespmem:s9], [sflag:$0x1], $0x80, v4, vm0, $0xb8;
	[tilespmem:$0xC080] =	vst v63  }
0x29: {  	_ = 	snop  }
0x2a: {  	[hbm4b:s3+s2] =	stream.indirect_vreg.scatter [tilespmem:s10], [sflag:$0x1], $0x80, v3, vm0, $0xb8;
	[tilespmem:$0xC080] =	vst v63  }
0x2b: {  	_ = 	snop  }
0x2c: {  	[hbm4b:s4+s2] =	stream.indirect_vreg.scatter [tilespmem:s11], [sflag:$0x1], $0x80, v3, vm0, $0xb8;
	[tilespmem:$0xC080] =	vst v63  }
0x2d: {  	_ = 	snop  }
0x2e: {  	[hbm4b:s5+s2] =	stream.indirect_vreg.scatter [tilespmem:s12], [sflag:$0x1], $0x80, v3, vm0, $0xb8;
	[tilespmem:$0xC080] =	vst v63  }
0x2f: {  	v3 =	vld [tilespmem:$0x10];
	_ =	sdelay $0x4  }
0x30: {  	v61 =	vshrl.u32 v3, $0x3  }
0x31: {  	v4 =	vmul.u32 $0x30, v61  }
0x32: {  	v3 =	vand.u32 $0x7, v3  }
0x33: {  	v3 =	vor.u32 v3, v4  }
0x34: {  	v4 =	vperm.xlane v3, v0;
	_ =	sdelay $0x1  }
0x35: {  	v4 =	vadd.s32 v1, v4;
	_ =	sdelay $0x3  }
0x36: {  	v3 =	vperm.xlane v3, v2  }
0x37: {  	[hbm4b:s3+s2] =	stream.indirect_vreg.scatter [tilespmem:s13], [sflag:$0x1], $0x80, v4, vm0, $0xb8;
	[tilespmem:$0xC080] =	vst v63  }
0x38: {  	v3 =	vadd.s32 v1, v3  }
0x39: {  	[hbm4b:s4+s2] =	stream.indirect_vreg.scatter [tilespmem:s14], [sflag:$0x1], $0x80, v4, vm0, $0xb8;
	[tilespmem:$0xC080] =	vst v63  }
0x3a: {  	_ = 	snop  }
0x3b: {  	[hbm4b:s5+s2] =	stream.indirect_vreg.scatter [tilespmem:s15], [sflag:$0x1], $0x80, v4, vm0, $0xb8;
	[tilespmem:$0xC080] =	vst v63  }
0x3c: {  	_ = 	snop  }
0x3d: {  	[hbm4b:s3+s2] =	stream.indirect_vreg.scatter [tilespmem:s16], [sflag:$0x1], $0x80, v3, vm0, $0xb8;
	[tilespmem:$0xC080] =	vst v63  }
0x3e: {  	_ = 	snop  }
0x3f: {  	[hbm4b:s4+s2] =	stream.indirect_vreg.scatter [tilespmem:s17], [sflag:$0x1], $0x80, v3, vm0, $0xb8;
	[tilespmem:$0xC080] =	vst v63  }
0x40: {  	_ = 	snop  }
0x41: {  	[hbm4b:s5+s2] =	stream.indirect_vreg.scatter [tilespmem:s18], [sflag:$0x1], $0x80, v3, vm0, $0xb8;
	[tilespmem:$0xC080] =	vst v63  }
0x42: {  	v3 =	vld [tilespmem:$0x20];
	_ =	sdelay $0x4  }
0x43: {  	v62 =	vshrl.u32 v3, $0x3  }
0x44: {  	v4 =	vmul.u32 $0x30, v62  }
0x45: {  	v3 =	vand.u32 $0x7, v3  }
0x46: {  	v3 =	vor.u32 v3, v4  }
0x47: {  	v4 =	vperm.xlane v3, v0;
	_ =	sdelay $0x1  }
0x48: {  	v4 =	vadd.s32 v1, v4;
	_ =	sdelay $0x3  }
0x49: {  	v3 =	vperm.xlane v3, v2  }
0x4a: {  	[hbm4b:s3+s2] =	stream.indirect_vreg.scatter [tilespmem:s19], [sflag:$0x1], $0x80, v4, vm0, $0xb8;
	[tilespmem:$0xC080] =	vst v63  }
0x4b: {  	v3 =	vadd.s32 v1, v3  }
0x4c: {  	[hbm4b:s4+s2] =	stream.indirect_vreg.scatter [tilespmem:s20], [sflag:$0x1], $0x80, v4, vm0, $0xb8;
	[tilespmem:$0xC080] =	vst v63  }
0x4d: {  	_ = 	snop  }
0x4e: {  	[hbm4b:s5+s2] =	stream.indirect_vreg.scatter [tilespmem:s21], [sflag:$0x1], $0x80, v4, vm0, $0xb8;
	[tilespmem:$0xC080] =	vst v63  }
0x4f: {  	_ = 	snop  }
0x50: {  	[hbm4b:s3+s2] =	stream.indirect_vreg.scatter [tilespmem:s22], [sflag:$0x1], $0x80, v3, vm0, $0xb8;
	[tilespmem:$0xC080] =	vst v63  }
0x51: {  	_ = 	snop  }
0x52: {  	[hbm4b:s4+s2] =	stream.indirect_vreg.scatter [tilespmem:s23], [sflag:$0x1], $0x80, v3, vm0, $0xb8;
	[tilespmem:$0xC080] =	vst v63  }
0x53: {  	_ = 	snop  }
0x54: {  	[hbm4b:s5+s2] =	stream.indirect_vreg.scatter [tilespmem:s24], [sflag:$0x1], $0x80, v3, vm0, $0xb8;
	[tilespmem:$0xC080] =	vst v63  }
0x55: {  	v3 =	vld [tilespmem:$0x30];
	_ =	sdelay $0x4  }
0x56: {  	v63 =	vshrl.u32 v3, $0x3  }
0x57: {  	v4 =	vmul.u32 $0x30, v63  }
0x58: {  	v3 =	vand.u32 $0x7, v3  }
0x59: {  	v3 =	vor.u32 v3, v4  }
0x5a: {  	v4 =	vperm.xlane v3, v0;
	_ =	sdelay $0x1  }
0x5b: {  	v4 =	vadd.s32 v1, v4;
	_ =	sdelay $0x3  }
0x5c: {  	v3 =	vperm.xlane v3, v2  }
0x5d: {  	[hbm4b:s3+s2] =	stream.indirect_vreg.scatter [tilespmem:s25], [sflag:$0x1], $0x80, v4, vm0, $0xb8;
	[tilespmem:$0xC080] =	vst v63  }
0x5e: {  	v3 =	vadd.s32 v1, v3  }
0x5f: {  	[hbm4b:s4+s2] =	stream.indirect_vreg.scatter [tilespmem:s26], [sflag:$0x1], $0x80, v4, vm0, $0xb8;
	[tilespmem:$0xC080] =	vst v63  }
0x60: {  	_ = 	snop  }
0x61: {  	[hbm4b:s5+s2] =	stream.indirect_vreg.scatter [tilespmem:s28], [sflag:$0x1], $0x80, v4, vm0, $0xb8;
	[tilespmem:$0xC080] =	vst v63  }
0x62: {  	_ = 	snop  }
0x63: {  	[hbm4b:s3+s2] =	stream.indirect_vreg.scatter [tilespmem:s29], [sflag:$0x1], $0x80, v3, vm0, $0xb8;
	[tilespmem:$0xC080] =	vst v63  }
0x64: {  	p0 =	sne.s32 s6, $0x1  }
0x65: {  	[hbm4b:s4+s2] =	stream.indirect_vreg.scatter [tilespmem:s30], [sflag:$0x1], $0x80, v3, vm0, $0xb8;
	[tilespmem:$0xC080] =	vst v63  }
.Ltmp0:
0x66: {  	_ = 	snop;
	(pc) =	sbr.rel @p0 .LBB2_1-.Ltmp0, $4  }
0x67: {  	[hbm4b:s5+s2] =	stream.indirect_vreg.scatter [tilespmem:s31], [sflag:$0x1], $0x80, v3, vm0, $0xb8;
	[tilespmem:$0xC080] =	vst v63  }
0x68: {  	_ =	swait.ge [sflag:s1], $0xC000  }
0x69: {  	[sflag:s1] =	ssyncset.done $0x0  }
0x6a: {  	s6 =	sadd.s32 $0xFFFFFFFF, s6;
	[sflag:s1] =	ssyncadd.s32 $0xFFFF4000  }
0x6b: {  	_ =	sfence.sel $0x180000  }
0x6c: {  	[bflag:$0x0] =	sbarrier.arrive $0xFFFF  }
0x6d: {  	_ =	strace $0x9000004A  }
0x6e: {  	s0 =	stileid.u32;
	[bflag:$0x2] =	sbarrier.arrive $0xFFFF  }
0x6f: {  	p0 =	sne.s32 s0, $0x0;
	s0 =	rddreg [dreg:$0x2]  }
0x70: {  	s0 =	sadd.s32 @!p0 $0x100000, s0  }
0x71: {  	[sflag:s0] =	ssyncadd.tile.s32 @!p0 $0x1;
	_ =	shalt  }
.Lfunc_end2:
_tile_overlayer_lowered:
.L_overlay_start_2:
0x72: {  	(tag) =	ssettag $0x2  }
0x73: {  	s0 =	rddreg [dreg:$0x0];
	s2 =	stileid.u32  }
0x74: {  	s1 =	rddreg [dreg:$0x1];
	p0 =	sne.s32 s2, $0x0  }
0x75: {  	s3 =	rddreg [dreg:$0x2];
	[bflag:$0x3] =	sbarrier.arrive $0xFFFF;
	s2 =	simm.s32 @!p0 $0x1C02  }
0x76: {  	[timem:s3], [sflag:s2] =	dma.local @!p0 [hbm:s0], s1  }
0x77: {  	s0 =	simm.s32 @!p0 $0x2  }
0x78: {  	_ =	swait.ge @!p0 [sflag:s0], s1  }
0x79: {  	s1 =	ssub.s32 @!p0 $0x0, s1;
	[sflag:s0] =	ssyncset.done @!p0 $0x0  }
0x7a: {  	[sflag:s0] =	ssyncadd.s32 @!p0 s1  }
0x7b: {  	[bflag:$0x3] =	sbarrier.arrive $0xFFFF  }
0x7c: {  	_ =	shalt  }

// kernel: kernel.17.cloned.1.call-start
scs
__scs_entry_jumppad:
0x0: {  	(pc) =	sbr.rel $0x88, $3  }
0x1: {  	(tag) =	ssettag $0x0;
	lr =	simm.s32 $0x1  }
0x2: {  	[smem:$0x3F95] =	sst lr;
	_ =	strace $0xD0000000  }
0x3: {  	_ = 	snop  }
0x4: {  	_ = 	snop  }
0x5: {  	_ = 	snop  }
0x6: {  	_ = 	snop  }
0x7: {  	_ = 	snop  }
__scs_overlays_trampoline_lowered:
0x8: {  	[smem:$0x3FA4] =	sst s0  }
0x9: {  	[smem:$0x3FA5] =	sst s1  }
0xa: {  	[smem:$0x3FA6] =	sst s2  }
0xb: {  	[smem:$0x3FA7] =	sst s3  }
0xc: {  	[smem:$0x3FA8] =	sst s4  }
0xd: {  	[smem:$0x3FA9] =	sst s5  }
0xe: {  	[smem:$0x3FAA] =	sst s6  }
0xf: {  	[smem:$0x3FAB] =	sst s7  }
0x10: {  	[smem:$0x3FAC] =	sst s8  }
0x11: {  	[smem:$0x3FAD] =	sst s9;
	s0 =	simm.s32 @!p0 $0x0  }
0x12: {  	s1 =	sld [smem:$0x3F93];
	s0 =	simm.s32 @p0 $0x1  }
0x13: {  	[smem:$0x3FAE] =	sst s0;
	s0 =	simm.s32 @!p1 $0x0  }
0x14: {  	s2 =	sld [smem:$0x3F92];
	s0 =	simm.s32 @p1 $0x1  }
0x15: {  	[smem:$0x3FAF] =	sst s0;
	s0 =	simm.s32 @!p2 $0x0  }
0x16: {  	s3 =	sld [smem:$0x3FDB];
	s0 =	simm.s32 @p2 $0x1  }
0x17: {  	s4 =	simm.s32 $0x1BF5;
	[smem:$0x3FB1] =	sst s0  }
0x18: {  	s0 =	sld [smem:$0x3F94];
	_ =	swait.ge [sflag:s4], $0x0  }
0x19: {  	s7 =	sld [smem:$0x3F95]  }
0x1a: {  	s8 =	sadd.s32 $0xFFFFE003, lr  }
0x1b: {  	s9 =	sadd.s32 $0xFFFFFEF7, lr;
	s5 =	simm.s32 $0xFFFFFFFF;
	p2 =	slt.u32 s8, $0xFFFFF086  }
0x1c: {  	p1 =	slt.u32 s9, $0xF7A;
	s5 =	simm.s32 @!p2 $0x0  }
0x1d: {  	s5 =	simm.s32 @p1 $0x1;
	p0 =	seq.s32 s7, s2  }
0x1e: {  	s7 =	smul.u32 @!p0 $0xF7A, s2;
	p2 =	seq.s32 @!p0 s5, $0x0  }
0x1f: {  	s9 =	smul.u32 $0xF7A, s1;
	s8 =	simm.s32 @!p0 $0x1BF5;
	p2 =	por !p2, p0  }
0x20: {  	[sflag:s8] =	ssyncset.s32 @!p0 $0xFFFFF086;
	s6 =	sadd.s32 @!p0 s3, s7;
	s7 =	simm.s32 @!p0 $0x108  }
0x21: {  	s3 =	sadd.s32 s3, s9;
	s6 =	sadd.s32 @!p0 $0x88, s6;
	s7 =	simm.s32 @p2 $0x1082  }
0x22: {  	[simem:s7], [sflag:s8] =	dma.local @!p0 [hbm:s6], $0xF7A  }
0x23: {  	s9 =	sor.u32 $0xD0000000, s2;
	s6 =	simm.s32 $0x108;
	_ =	swait.ge @!p0 [sflag:s8], $0x0  }
0x24: {  	s3 =	sadd.s32 $0x88, s3;
	s6 =	simm.s32 @!p1 $0x1082;
	[sflag:s4] =	ssyncset.s32 $0xFFFFF086  }
0x25: {  	[simem:s6], [sflag:s4] =	dma.local [hbm:s3], $0xF7A  }
0x26: {  	[smem:$0x3F95] =	sst s1;
	(tag) =	ssettag s2;
	_ =	strace s9  }
0x27: {  	s1 =	sld [smem:$0x3FA5]  }
0x28: {  	s2 =	sld [smem:$0x3FA6]  }
0x29: {  	s4 =	sld [smem:$0x3FA8]  }
0x2a: {  	p0 =	seq.s32 s5, $0x0;
	s5 =	sld [smem:$0x3FA9]  }
0x2b: {  	s6 =	sld [smem:$0x3FAA]  }
0x2c: {  	s7 =	sld [smem:$0x3FAB]  }
0x2d: {  	s3 =	simm.s32 $0x108;
	s8 =	sld [smem:$0x3FAC]  }
0x2e: {  	s3 =	simm.s32 @!p0 $0x1082;
	s9 =	sld [smem:$0x3FAD]  }
0x2f: {  	lr =	sadd.s32 s0, s3;
	s0 =	sld [smem:$0x3FA4]  }
0x30: {  	s3 =	sld [smem:$0x3FA7]  }
0x31: {  	[smem:$0x3FB0] =	sst s10  }
0x32: {  	s10 =	sld [smem:$0x3FAE];
	_ =	sdelay $0x3  }
0x33: {  	p0 =	seq.s32 s10, $0x1;
	s10 =	sld [smem:$0x3FB0];
	_ =	sdelay $0x3  }
0x34: {  	[smem:$0x3FB0] =	sst s10  }
0x35: {  	s10 =	sld [smem:$0x3FAF];
	_ =	sdelay $0x3  }
0x36: {  	p1 =	seq.s32 s10, $0x1;
	s10 =	sld [smem:$0x3FB0];
	_ =	sdelay $0x3  }
0x37: {  	[smem:$0x3FB0] =	sst s10  }
0x38: {  	s10 =	sld [smem:$0x3FB1]  }
0x39: {  	_ = 	snop;
	(pc) =	sbr.ind lr, $3  }
0x3a: {  	_ = 	snop  }
0x3b: {  	_ = 	snop  }
0x3c: {  	p2 =	seq.s32 s10, $0x1;
	s10 =	sld [smem:$0x3FB0]  }
0x3d: {  	_ =	shalt  }
0x3e: {  	_ =	shalt  }
0x3f: {  	_ =	shalt  }
0x40: {  	_ =	shalt  }
0x41: {  	_ =	shalt  }
0x42: {  	_ =	shalt  }
0x43: {  	_ =	shalt  }
0x44: {  	_ =	shalt  }
0x45: {  	_ =	shalt  }
0x46: {  	_ =	shalt  }
0x47: {  	_ =	shalt  }
0x48: {  	_ =	shalt  }
0x49: {  	_ =	shalt  }
0x4a: {  	_ =	shalt  }
0x4b: {  	_ =	shalt  }
0x4c: {  	_ =	shalt  }
0x4d: {  	_ =	shalt  }
0x4e: {  	_ =	shalt  }
0x4f: {  	_ =	shalt  }
0x50: {  	_ =	shalt  }
0x51: {  	_ =	shalt  }
0x52: {  	_ =	shalt  }
0x53: {  	_ =	shalt  }
0x54: {  	_ =	shalt  }
0x55: {  	_ =	shalt  }
0x56: {  	_ =	shalt  }
0x57: {  	_ =	shalt  }
0x58: {  	_ =	shalt  }
0x59: {  	_ =	shalt  }
0x5a: {  	_ =	shalt  }
0x5b: {  	_ =	shalt  }
0x5c: {  	_ =	shalt  }
0x5d: {  	_ =	shalt  }
0x5e: {  	_ =	shalt  }
0x5f: {  	_ =	shalt  }
0x60: {  	_ =	shalt  }
0x61: {  	_ =	shalt  }
0x62: {  	_ =	shalt  }
0x63: {  	_ =	shalt  }
0x64: {  	_ =	shalt  }
0x65: {  	_ =	shalt  }
0x66: {  	_ =	shalt  }
0x67: {  	_ =	shalt  }
0x68: {  	_ =	shalt  }
0x69: {  	_ =	shalt  }
0x6a: {  	_ =	shalt  }
0x6b: {  	_ =	shalt  }
0x6c: {  	_ =	shalt  }
0x6d: {  	_ =	shalt  }
0x6e: {  	_ =	shalt  }
0x6f: {  	_ =	shalt  }
0x70: {  	_ =	shalt  }
0x71: {  	_ =	shalt  }
0x72: {  	_ =	shalt  }
0x73: {  	_ =	shalt  }
0x74: {  	_ =	shalt  }
0x75: {  	_ =	shalt  }
0x76: {  	_ =	shalt  }
0x77: {  	_ =	shalt  }
0x78: {  	_ =	shalt  }
0x79: {  	_ =	shalt  }
0x7a: {  	_ =	shalt  }
0x7b: {  	_ =	shalt  }
0x7c: {  	_ =	shalt  }
0x7d: {  	_ =	shalt  }
0x7e: {  	_ =	shalt  }
0x7f: {  	_ =	shalt  }
0x80: {  	_ =	shalt  }
0x81: {  	_ =	shalt  }
0x82: {  	_ =	shalt  }
0x83: {  	_ =	shalt  }
0x84: {  	_ =	shalt  }
0x85: {  	_ =	shalt  }
0x86: {  	_ =	shalt  }
0x87: {  	_ =	shalt  }
.Lfunc_end0:
.L_simem_size_0:
called_computation.1_lowered:
.L_overlay_start_0:
0x88: {  	s2 =	sld [smem:$0x3FD9]  }
0x89: {  	s3 =	sld [smem:$0x3FFE];
	_ =	sdelay $0x1  }
0x8a: {  	s1 =	srdreg.scid  }
0x8b: {  	s0 =	sand.u32 $0x1, s1  }
0x8c: {  	s16 =	sshll.u32 s0, $0xA;
	s2 =	sadd.s32 s3, s2  }
0x8d: {  	s2 =	sadd.s32 s2, s16  }
0x8e: {  	[smem:$0x3FBC] =	sst s2  }
0x8f: {  	_ = 	snop  }
0x90: {  	(tm) =	ssettm $0x1  }
0x91: {  	s17 =	sld [smem:$0x3FFB];
	_ =	sdelay $0x3  }
0x92: {  	_ =	strace s17  }
0x93: {  	s2 =	sld [smem:$0x3FFC];
	_ =	sdelay $0x3  }
0x94: {  	_ =	strace s2  }
0x95: {  	s2 =	sld [smem:$0x3FFD];
	_ =	sdelay $0x3  }
0x96: {  	_ =	strace s2  }
0x97: {  	_ =	strace $0x8FFFFFFF  }
0x98: {  	s18 =	sld [smem:$0x3FDB];
	_ =	sdelay $0x1  }
0x99: {  	s19 =	simm.s32 $_scs_section_size  }
0x9a: {  	s4 =	simm.s32 $_size__tile_overlayer_lowered;
	s5 =	simm.s32 $_tile_overlayer_lowered  }
0x9b: {  	s22 =	simm.s32 $0x1BFF;
	s21 =	sshll.u32 s5, $0x1;
	s2 =	sadd.s32 s19, s18  }
0x9c: {  	s6 =	simm.s32 $0x0;
	s20 =	sshll.u32 s4, $0x1;
	s4 =	sadd.s32 s21, s2  }
0x9d: {  	[timem:s6], [sflag:s22] =	dma.local [hbm:s4], s20  }
0x9e: {  	_ =	swait.ge [sflag:s22], s20  }
0x9f: {  	s3 =	ssub.s32 $0x0, s20;
	[sflag:s22] =	ssyncset.done $0x0  }
0xa0: {  	[sflag:s22] =	ssyncadd.s32 s3;
	_ =	sdelay $0x1  }
0xa1: {  	s23 =	simm.s32 $0x1B8B  }
0xa2: {  	_ =	swait.ge [sflag:s23], $0x1  }
0xa3: {  	[sflag:s23] =	ssyncset.done $0x0  }
0xa4: {  	s25 =	simm.s32 $0x1B8E;
	s24 =	sld [smem:$0x3FFE];
	[sflag:s23] =	ssyncadd.s32 $0xFFFFFFFF  }
0xa5: {  	s26 =	simm.s32 $execute0_lowered;
	[smem:$0x3FD2] =	sst s25  }
0xa6: {  	s4 =	sshll.u32 s26, $0x1;
	_ =	strace $0x80000046;
	[dreg:$0x1] =	wrdreg $0xFFFFFFFF  }
0xa7: {  	s28 =	simm.s32 $_size_execute0_lowered;
	s2 =	sadd.s32 s2, s4;
	[dreg:$0x0] =	wrdreg $0x0  }
0xa8: {  	s4 =	sshll.u32 s28, $0x1;
	[dreg:$0x2] =	wrdreg s2  }
0xa9: {  	[dreg:$0x3] =	wrdreg s4  }
0xaa: {  	[dreg:$0x4] =	wrdreg $0xC0  }
0xab: {  	_ =	task [dreg:s6], $0x5FFFF  }
0xac: {  	[dreg:$0x1] =	wrdreg $0xFFFFFFFF  }
0xad: {  	[dreg:$0x0] =	wrdreg $0x60  }
0xae: {  	[dreg:$0x2] =	wrdreg s24  }
0xaf: {  	[dreg:$0x3] =	wrdreg $0xA  }
0xb0: {  	_ =	task.clear_ibuf [dreg:s6], $0x4FFFF;
	_ =	strace $0x90000046  }
0xb1: {  	s29 =	simm.s32 $0xA;
	_ =	strace $0x80000048  }
0xb2: {  	_ =	swait.ge [sflag:s29], $0x1  }
0xb3: {  	[sflag:s29] =	ssyncadd.s32 $0xFFFFFFFF  }
0xb4: {  	_ =	strace $0x90000048  }
0xb5: {  	_ =	sfence  }
0xb6: {  	s30 =	sld [smem:$0x0];
	_ =	sdelay $0x2  }
0xb7: {  	s31 =	sshll.u32 s1, $0xD;
	s1 =	sshrl.u32 s1, $0x2  }
0xb8: {  	s3 =	sand.u32 $0x4000, s31;
	s1 =	sadd.s32 s1, s30  }
0xb9: {  	s0 =	sor.u32 s3, s0;
	s1 =	sshll.u32 s1, $0x11  }
0xba: {  	s0 =	sor.u32 s1, s0  }
0xbb: {  	s0 =	sadd.s32 $0x8F2B, s0  }
0xbc: {  	[sflag:s0] =	ssyncadd.remote.s32 $0x1  }
0xbd: {  	_ =	sfence.sel $0xFFFF  }
0xbe: {  	[dreg:$0x0] =	wrdreg $0xFFFFFFFF;
	(pc) =	sbr.abs _section_cstart, $3  }
0xbf: {  	[dreg:$0x1] =	wrdreg $0xFFFFFFFF  }
0xc0: {  	_ =	task.clear_ibuf [dreg:s6], $0x2FFFF;
	_ =	strace $0x9FFFFFFF  }
0xc1: {  	(tm) =	ssettm $0x7FFFFFFF  }
tec
execute0_lowered:
.L_overlay_start_1:
0x0: {  	(tag) =	ssettag $0x1  }
0x1: {  	s1 =	srdreg.scid  }
0x2: {  	s0 =	stileid.u32;
	s5 =	rddreg [dreg:$0x0]  }
0x3: {  	s2 =	simm.s32 $0x0;
	s7 =	simm.s32 $0x2;
	s8 =	simm.s32 $0x80  }
0x4: {  	s26 =	simm.s32 $0x880;
	s9 =	simm.s32 $0x1080;
	s10 =	simm.s32 $0x1880  }
0x5: {  	s11 =	simm.s32 $0x2080;
	s12 =	simm.s32 $0x2880;
	s13 =	simm.s32 $0x3080  }
0x6: {  	s14 =	simm.s32 $0x3880;
	s15 =	simm.s32 $0x4080;
	s16 =	simm.s32 $0x4880  }
0x7: {  	s17 =	simm.s32 $0x5080;
	s18 =	simm.s32 $0x5880;
	s19 =	simm.s32 $0x6080  }
0x8: {  	s20 =	simm.s32 $0x6880;
	s21 =	simm.s32 $0x7080;
	s22 =	simm.s32 $0x7880  }
0x9: {  	s23 =	simm.s32 $0x8080;
	s24 =	simm.s32 $0x8880;
	s25 =	simm.s32 $0x9080  }
0xa: {  	s28 =	simm.s32 $0xA080;
	s29 =	simm.s32 $0xA880;
	s30 =	simm.s32 $0xB080  }
0xb: {  	s31 =	simm.s32 $0xB880;
	s1 =	sand.u32 $0x1, s1;
	[smem:$0x7FF] =	sst s2  }
0xc: {  	s3 =	sshll.u32 s0, $0x4;
	s4 =	sshll.u32 s1, $0x3;
	_ =	strace $0x80000047  }
0xd: {  	s1 =	ssub.s32 $0x2, s1;
	[dreg:$0x4] =	wrdreg s26;
	s3 =	sor.u32 s4, s3  }
0xe: {  	s6 =	sshrl.u32 s1, $0x1;
	s4 =	smul.u32 $0x300, s3;
	s3 =	sadd.s32 s3, s5  }
0xf: {  	s26 =	simm.s32 $0x9880;
	s1 =	ssub.s32 s1, s6;
	s3 =	sadd.s32 $0x74200, s3  }
0x10: {  	v2 =	vlaneseq.u32;
	s6 =	smax.u32 s1, $0x1;
	s1 =	simm.s32 $0x1;
	s4 =	sadd.s32 s4, s5  }
0x11: {  	vm0 =	vmmov $0xffff;
	v1 =	vshrl.u32 v2, $0x3;
	[dreg:$0x2] =	wrdreg s3;
	s3 =	sadd.s32 $0x74A00, s5;
	s4 =	sadd.s32 $0x44200, s4  }
0x12: {  	v0 =	vand.u32 $0x7, v2;
	v2 =	vor.u32 $0x8, v2;
	v1 =	vmul.u32 $0x8, v1;
	[dreg:$0x3] =	wrdreg s4;
	s4 =	sadd.s32 $0x74B00, s5;
	s5 =	sadd.s32 $0x74C00, s5  }
.LBB2_1:
0x13: {  	s0 =	rddreg [dreg:$0x2]  }
0x14: {  	[tilespmem:s2], [sflag:$0x2] =	stream.linear.gather [hbm4b:s0+s2], $0x40, $0x38;
	[tilespmem:$0xC080] =	vst v63  }
0x15: {  	_ =	swait.ge [sflag:s7], $0x40  }
0x16: {  	[sflag:s7] =	ssyncset.done $0x0  }
0x17: {  	s0 =	rddreg [dreg:$0x3];
	[sflag:s7] =	ssyncadd.s32 $0xFFFFFFC0  }
0x18: {  	[tilespmem:s8], [sflag:$0x2] =	stream.linear.gather [hbm4b:s0+s2], $0xC000, $0x38;
	[tilespmem:$0xC080] =	vst v63  }
0x19: {  	_ =	swait.ge [sflag:s7], $0xC000  }
0x1a: {  	[sflag:s7] =	ssyncset.done $0x0  }
0x1b: {  	[sflag:s7] =	ssyncadd.s32 $0xFFFF4000  }
0x1c: {  	v3 =	vld [tilespmem:$0x0];
	_ =	sdelay $0x4  }
0x1d: {  	v4 =	vshrl.u32 v3, $0x3  }
0x1e: {  	v4 =	vmul.u32 $0x30, v4  }
0x1f: {  	v3 =	vand.u32 $0x7, v3  }
0x20: {  	v3 =	vor.u32 v3, v4  }
0x21: {  	v4 =	vperm.xlane v3, v0;
	_ =	sdelay $0x1  }
0x22: {  	v4 =	vadd.s32 v1, v4;
	_ =	sdelay $0x3  }
0x23: {  	v3 =	vperm.xlane v3, v2  }
0x24: {  	[hbm4b:s3+s2] =	stream.indirect_vreg.scatter [tilespmem:s8], [sflag:$0x1], $0x80, v4, vm0, $0xb8;
	[tilespmem:$0xC080] =	vst v63  }
0x25: {  	s0 =	rddreg [dreg:$0x4];
	v3 =	vadd.s32 v1, v3  }
0x26: {  	[hbm4b:s4+s2] =	stream.indirect_vreg.scatter [tilespmem:s0], [sflag:$0x1], $0x80, v4, vm0, $0xb8;
	[tilespmem:$0xC080] =	vst v63  }
0x27: {  	_ = 	snop  }
0x28: {  	[hbm4b:s5+s2] =	stream.indirect_vreg.scatter [tilespmem:s9], [sflag:$0x1], $0x80, v4, vm0, $0xb8;
	[tilespmem:$0xC080] =	vst v63  }
0x29: {  	_ = 	snop  }
0x2a: {  	[hbm4b:s3+s2] =	stream.indirect_vreg.scatter [tilespmem:s10], [sflag:$0x1], $0x80, v3, vm0, $0xb8;
	[tilespmem:$0xC080] =	vst v63  }
0x2b: {  	_ = 	snop  }
0x2c: {  	[hbm4b:s4+s2] =	stream.indirect_vreg.scatter [tilespmem:s11], [sflag:$0x1], $0x80, v3, vm0, $0xb8;
	[tilespmem:$0xC080] =	vst v63  }
0x2d: {  	_ = 	snop  }
0x2e: {  	[hbm4b:s5+s2] =	stream.indirect_vreg.scatter [tilespmem:s12], [sflag:$0x1], $0x80, v3, vm0, $0xb8;
	[tilespmem:$0xC080] =	vst v63  }
0x2f: {  	v3 =	vld [tilespmem:$0x10];
	_ =	sdelay $0x4  }
0x30: {  	v61 =	vshrl.u32 v3, $0x3  }
0x31: {  	v4 =	vmul.u32 $0x30, v61  }
0x32: {  	v3 =	vand.u32 $0x7, v3  }
0x33: {  	v3 =	vor.u32 v3, v4  }
0x34: {  	v4 =	vperm.xlane v3, v0;
	_ =	sdelay $0x1  }
0x35: {  	v4 =	vadd.s32 v1, v4;
	_ =	sdelay $0x3  }
0x36: {  	v3 =	vperm.xlane v3, v2  }
0x37: {  	[hbm4b:s3+s2] =	stream.indirect_vreg.scatter [tilespmem:s13], [sflag:$0x1], $0x80, v4, vm0, $0xb8;
	[tilespmem:$0xC080] =	vst v63  }
0x38: {  	v3 =	vadd.s32 v1, v3  }
0x39: {  	[hbm4b:s4+s2] =	stream.indirect_vreg.scatter [tilespmem:s14], [sflag:$0x1], $0x80, v4, vm0, $0xb8;
	[tilespmem:$0xC080] =	vst v63  }
0x3a: {  	_ = 	snop  }
0x3b: {  	[hbm4b:s5+s2] =	stream.indirect_vreg.scatter [tilespmem:s15], [sflag:$0x1], $0x80, v4, vm0, $0xb8;
	[tilespmem:$0xC080] =	vst v63  }
0x3c: {  	_ = 	snop  }
0x3d: {  	[hbm4b:s3+s2] =	stream.indirect_vreg.scatter [tilespmem:s16], [sflag:$0x1], $0x80, v3, vm0, $0xb8;
	[tilespmem:$0xC080] =	vst v63  }
0x3e: {  	_ = 	snop  }
0x3f: {  	[hbm4b:s4+s2] =	stream.indirect_vreg.scatter [tilespmem:s17], [sflag:$0x1], $0x80, v3, vm0, $0xb8;
	[tilespmem:$0xC080] =	vst v63  }
0x40: {  	_ = 	snop  }
0x41: {  	[hbm4b:s5+s2] =	stream.indirect_vreg.scatter [tilespmem:s18], [sflag:$0x1], $0x80, v3, vm0, $0xb8;
	[tilespmem:$0xC080] =	vst v63  }
0x42: {  	v3 =	vld [tilespmem:$0x20];
	_ =	sdelay $0x4  }
0x43: {  	v62 =	vshrl.u32 v3, $0x3  }
0x44: {  	v4 =	vmul.u32 $0x30, v62  }
0x45: {  	v3 =	vand.u32 $0x7, v3  }
0x46: {  	v3 =	vor.u32 v3, v4  }
0x47: {  	v4 =	vperm.xlane v3, v0;
	_ =	sdelay $0x1  }
0x48: {  	v4 =	vadd.s32 v1, v4;
	_ =	sdelay $0x3  }
0x49: {  	v3 =	vperm.xlane v3, v2  }
0x4a: {  	[hbm4b:s3+s2] =	stream.indirect_vreg.scatter [tilespmem:s19], [sflag:$0x1], $0x80, v4, vm0, $0xb8;
	[tilespmem:$0xC080] =	vst v63  }
0x4b: {  	v3 =	vadd.s32 v1, v3  }
0x4c: {  	[hbm4b:s4+s2] =	stream.indirect_vreg.scatter [tilespmem:s20], [sflag:$0x1], $0x80, v4, vm0, $0xb8;
	[tilespmem:$0xC080] =	vst v63  }
0x4d: {  	_ = 	snop  }
0x4e: {  	[hbm4b:s5+s2] =	stream.indirect_vreg.scatter [tilespmem:s21], [sflag:$0x1], $0x80, v4, vm0, $0xb8;
	[tilespmem:$0xC080] =	vst v63  }
0x4f: {  	_ = 	snop  }
0x50: {  	[hbm4b:s3+s2] =	stream.indirect_vreg.scatter [tilespmem:s22], [sflag:$0x1], $0x80, v3, vm0, $0xb8;
	[tilespmem:$0xC080] =	vst v63  }
0x51: {  	_ = 	snop  }
0x52: {  	[hbm4b:s4+s2] =	stream.indirect_vreg.scatter [tilespmem:s23], [sflag:$0x1], $0x80, v3, vm0, $0xb8;
	[tilespmem:$0xC080] =	vst v63  }
0x53: {  	_ = 	snop  }
0x54: {  	[hbm4b:s5+s2] =	stream.indirect_vreg.scatter [tilespmem:s24], [sflag:$0x1], $0x80, v3, vm0, $0xb8;
	[tilespmem:$0xC080] =	vst v63  }
0x55: {  	v3 =	vld [tilespmem:$0x30];
	_ =	sdelay $0x4  }
0x56: {  	v63 =	vshrl.u32 v3, $0x3  }
0x57: {  	v4 =	vmul.u32 $0x30, v63  }
0x58: {  	v3 =	vand.u32 $0x7, v3  }
0x59: {  	v3 =	vor.u32 v3, v4  }
0x5a: {  	v4 =	vperm.xlane v3, v0;
	_ =	sdelay $0x1  }
0x5b: {  	v4 =	vadd.s32 v1, v4;
	_ =	sdelay $0x3  }
0x5c: {  	v3 =	vperm.xlane v3, v2  }
0x5d: {  	[hbm4b:s3+s2] =	stream.indirect_vreg.scatter [tilespmem:s25], [sflag:$0x1], $0x80, v4, vm0, $0xb8;
	[tilespmem:$0xC080] =	vst v63  }
0x5e: {  	v3 =	vadd.s32 v1, v3  }
0x5f: {  	[hbm4b:s4+s2] =	stream.indirect_vreg.scatter [tilespmem:s26], [sflag:$0x1], $0x80, v4, vm0, $0xb8;
	[tilespmem:$0xC080] =	vst v63  }
0x60: {  	_ = 	snop  }
0x61: {  	[hbm4b:s5+s2] =	stream.indirect_vreg.scatter [tilespmem:s28], [sflag:$0x1], $0x80, v4, vm0, $0xb8;
	[tilespmem:$0xC080] =	vst v63  }
0x62: {  	_ = 	snop  }
0x63: {  	[hbm4b:s3+s2] =	stream.indirect_vreg.scatter [tilespmem:s29], [sflag:$0x1], $0x80, v3, vm0, $0xb8;
	[tilespmem:$0xC080] =	vst v63  }
0x64: {  	p0 =	sne.s32 s6, $0x1  }
0x65: {  	[hbm4b:s4+s2] =	stream.indirect_vreg.scatter [tilespmem:s30], [sflag:$0x1], $0x80, v3, vm0, $0xb8;
	[tilespmem:$0xC080] =	vst v63  }
.Ltmp0:
0x66: {  	_ = 	snop;
	(pc) =	sbr.rel @p0 .LBB2_1-.Ltmp0, $4  }
0x67: {  	[hbm4b:s5+s2] =	stream.indirect_vreg.scatter [tilespmem:s31], [sflag:$0x1], $0x80, v3, vm0, $0xb8;
	[tilespmem:$0xC080] =	vst v63  }
0x68: {  	_ =	swait.ge [sflag:s1], $0xC000  }
0x69: {  	[sflag:s1] =	ssyncset.done $0x0  }
0x6a: {  	s6 =	sadd.s32 $0xFFFFFFFF, s6;
	[sflag:s1] =	ssyncadd.s32 $0xFFFF4000  }
0x6b: {  	_ =	sfence.sel $0x180000  }
0x6c: {  	[bflag:$0x0] =	sbarrier.arrive $0xFFFF  }
0x6d: {  	_ =	strace $0x90000047  }
0x6e: {  	s0 =	stileid.u32;
	[bflag:$0x2] =	sbarrier.arrive $0xFFFF  }
0x6f: {  	p0 =	sne.s32 s0, $0x0;
	s0 =	rddreg [dreg:$0x1]  }
0x70: {  	s0 =	sadd.s32 @!p0 $0x100000, s0  }
0x71: {  	[sflag:s0] =	ssyncadd.tile.s32 @!p0 $0x1;
	_ =	shalt  }
.Lfunc_end2:
_tile_overlayer_lowered:
.L_overlay_start_2:
0x72: {  	(tag) =	ssettag $0x2  }
0x73: {  	s0 =	rddreg [dreg:$0x0];
	s2 =	stileid.u32  }
0x74: {  	s1 =	rddreg [dreg:$0x1];
	p0 =	sne.s32 s2, $0x0  }
0x75: {  	s3 =	rddreg [dreg:$0x2];
	[bflag:$0x3] =	sbarrier.arrive $0xFFFF;
	s2 =	simm.s32 @!p0 $0x1C02  }
0x76: {  	[timem:s3], [sflag:s2] =	dma.local @!p0 [hbm:s0], s1  }
0x77: {  	s0 =	simm.s32 @!p0 $0x2  }
0x78: {  	_ =	swait.ge @!p0 [sflag:s0], s1  }
0x79: {  	s1 =	ssub.s32 @!p0 $0x0, s1;
	[sflag:s0] =	ssyncset.done @!p0 $0x0  }
0x7a: {  	[sflag:s0] =	ssyncadd.s32 @!p0 s1  }
0x7b: {  	[bflag:$0x3] =	sbarrier.arrive $0xFFFF  }
0x7c: {  	_ =	shalt  }

// kernel: kernel.20.cloned.1.call-start
scs
__scs_entry_jumppad:
0x0: {  	(pc) =	sbr.rel $0x88, $3  }
0x1: {  	(tag) =	ssettag $0x0;
	lr =	simm.s32 $0x1  }
0x2: {  	[smem:$0x3F95] =	sst lr;
	_ =	strace $0xD0000000  }
0x3: {  	_ = 	snop  }
0x4: {  	_ = 	snop  }
0x5: {  	_ = 	snop  }
0x6: {  	_ = 	snop  }
0x7: {  	_ = 	snop  }
__scs_overlays_trampoline_lowered:
0x8: {  	[smem:$0x3FA4] =	sst s0  }
0x9: {  	[smem:$0x3FA5] =	sst s1  }
0xa: {  	[smem:$0x3FA6] =	sst s2  }
0xb: {  	[smem:$0x3FA7] =	sst s3  }
0xc: {  	[smem:$0x3FA8] =	sst s4  }
0xd: {  	[smem:$0x3FA9] =	sst s5  }
0xe: {  	[smem:$0x3FAA] =	sst s6  }
0xf: {  	[smem:$0x3FAB] =	sst s7  }
0x10: {  	[smem:$0x3FAC] =	sst s8  }
0x11: {  	[smem:$0x3FAD] =	sst s9;
	s0 =	simm.s32 @!p0 $0x0  }
0x12: {  	s1 =	sld [smem:$0x3F93];
	s0 =	simm.s32 @p0 $0x1  }
0x13: {  	[smem:$0x3FAE] =	sst s0;
	s0 =	simm.s32 @!p1 $0x0  }
0x14: {  	s2 =	sld [smem:$0x3F92];
	s0 =	simm.s32 @p1 $0x1  }
0x15: {  	[smem:$0x3FAF] =	sst s0;
	s0 =	simm.s32 @!p2 $0x0  }
0x16: {  	s3 =	sld [smem:$0x3FDB];
	s0 =	simm.s32 @p2 $0x1  }
0x17: {  	s4 =	simm.s32 $0x1BF5;
	[smem:$0x3FB1] =	sst s0  }
0x18: {  	s0 =	sld [smem:$0x3F94];
	_ =	swait.ge [sflag:s4], $0x0  }
0x19: {  	s7 =	sld [smem:$0x3F95]  }
0x1a: {  	s8 =	sadd.s32 $0xFFFFE003, lr  }
0x1b: {  	s9 =	sadd.s32 $0xFFFFFEF7, lr;
	s5 =	simm.s32 $0xFFFFFFFF;
	p2 =	slt.u32 s8, $0xFFFFF086  }
0x1c: {  	p1 =	slt.u32 s9, $0xF7A;
	s5 =	simm.s32 @!p2 $0x0  }
0x1d: {  	s5 =	simm.s32 @p1 $0x1;
	p0 =	seq.s32 s7, s2  }
0x1e: {  	s7 =	smul.u32 @!p0 $0xF7A, s2;
	p2 =	seq.s32 @!p0 s5, $0x0  }
0x1f: {  	s9 =	smul.u32 $0xF7A, s1;
	s8 =	simm.s32 @!p0 $0x1BF5;
	p2 =	por !p2, p0  }
0x20: {  	[sflag:s8] =	ssyncset.s32 @!p0 $0xFFFFF086;
	s6 =	sadd.s32 @!p0 s3, s7;
	s7 =	simm.s32 @!p0 $0x108  }
0x21: {  	s3 =	sadd.s32 s3, s9;
	s6 =	sadd.s32 @!p0 $0x88, s6;
	s7 =	simm.s32 @p2 $0x1082  }
0x22: {  	[simem:s7], [sflag:s8] =	dma.local @!p0 [hbm:s6], $0xF7A  }
0x23: {  	s9 =	sor.u32 $0xD0000000, s2;
	s6 =	simm.s32 $0x108;
	_ =	swait.ge @!p0 [sflag:s8], $0x0  }
0x24: {  	s3 =	sadd.s32 $0x88, s3;
	s6 =	simm.s32 @!p1 $0x1082;
	[sflag:s4] =	ssyncset.s32 $0xFFFFF086  }
0x25: {  	[simem:s6], [sflag:s4] =	dma.local [hbm:s3], $0xF7A  }
0x26: {  	[smem:$0x3F95] =	sst s1;
	(tag) =	ssettag s2;
	_ =	strace s9  }
0x27: {  	s1 =	sld [smem:$0x3FA5]  }
0x28: {  	s2 =	sld [smem:$0x3FA6]  }
0x29: {  	s4 =	sld [smem:$0x3FA8]  }
0x2a: {  	p0 =	seq.s32 s5, $0x0;
	s5 =	sld [smem:$0x3FA9]  }
0x2b: {  	s6 =	sld [smem:$0x3FAA]  }
0x2c: {  	s7 =	sld [smem:$0x3FAB]  }
0x2d: {  	s3 =	simm.s32 $0x108;
	s8 =	sld [smem:$0x3FAC]  }
0x2e: {  	s3 =	simm.s32 @!p0 $0x1082;
	s9 =	sld [smem:$0x3FAD]  }
0x2f: {  	lr =	sadd.s32 s0, s3;
	s0 =	sld [smem:$0x3FA4]  }
0x30: {  	s3 =	sld [smem:$0x3FA7]  }
0x31: {  	[smem:$0x3FB0] =	sst s10  }
0x32: {  	s10 =	sld [smem:$0x3FAE];
	_ =	sdelay $0x3  }
0x33: {  	p0 =	seq.s32 s10, $0x1;
	s10 =	sld [smem:$0x3FB0];
	_ =	sdelay $0x3  }
0x34: {  	[smem:$0x3FB0] =	sst s10  }
0x35: {  	s10 =	sld [smem:$0x3FAF];
	_ =	sdelay $0x3  }
0x36: {  	p1 =	seq.s32 s10, $0x1;
	s10 =	sld [smem:$0x3FB0];
	_ =	sdelay $0x3  }
0x37: {  	[smem:$0x3FB0] =	sst s10  }
0x38: {  	s10 =	sld [smem:$0x3FB1]  }
0x39: {  	_ = 	snop;
	(pc) =	sbr.ind lr, $3  }
0x3a: {  	_ = 	snop  }
0x3b: {  	_ = 	snop  }
0x3c: {  	p2 =	seq.s32 s10, $0x1;
	s10 =	sld [smem:$0x3FB0]  }
0x3d: {  	_ =	shalt  }
0x3e: {  	_ =	shalt  }
0x3f: {  	_ =	shalt  }
0x40: {  	_ =	shalt  }
0x41: {  	_ =	shalt  }
0x42: {  	_ =	shalt  }
0x43: {  	_ =	shalt  }
0x44: {  	_ =	shalt  }
0x45: {  	_ =	shalt  }
0x46: {  	_ =	shalt  }
0x47: {  	_ =	shalt  }
0x48: {  	_ =	shalt  }
0x49: {  	_ =	shalt  }
0x4a: {  	_ =	shalt  }
0x4b: {  	_ =	shalt  }
0x4c: {  	_ =	shalt  }
0x4d: {  	_ =	shalt  }
0x4e: {  	_ =	shalt  }
0x4f: {  	_ =	shalt  }
0x50: {  	_ =	shalt  }
0x51: {  	_ =	shalt  }
0x52: {  	_ =	shalt  }
0x53: {  	_ =	shalt  }
0x54: {  	_ =	shalt  }
0x55: {  	_ =	shalt  }
0x56: {  	_ =	shalt  }
0x57: {  	_ =	shalt  }
0x58: {  	_ =	shalt  }
0x59: {  	_ =	shalt  }
0x5a: {  	_ =	shalt  }
0x5b: {  	_ =	shalt  }
0x5c: {  	_ =	shalt  }
0x5d: {  	_ =	shalt  }
0x5e: {  	_ =	shalt  }
0x5f: {  	_ =	shalt  }
0x60: {  	_ =	shalt  }
0x61: {  	_ =	shalt  }
0x62: {  	_ =	shalt  }
0x63: {  	_ =	shalt  }
0x64: {  	_ =	shalt  }
0x65: {  	_ =	shalt  }
0x66: {  	_ =	shalt  }
0x67: {  	_ =	shalt  }
0x68: {  	_ =	shalt  }
0x69: {  	_ =	shalt  }
0x6a: {  	_ =	shalt  }
0x6b: {  	_ =	shalt  }
0x6c: {  	_ =	shalt  }
0x6d: {  	_ =	shalt  }
0x6e: {  	_ =	shalt  }
0x6f: {  	_ =	shalt  }
0x70: {  	_ =	shalt  }
0x71: {  	_ =	shalt  }
0x72: {  	_ =	shalt  }
0x73: {  	_ =	shalt  }
0x74: {  	_ =	shalt  }
0x75: {  	_ =	shalt  }
0x76: {  	_ =	shalt  }
0x77: {  	_ =	shalt  }
0x78: {  	_ =	shalt  }
0x79: {  	_ =	shalt  }
0x7a: {  	_ =	shalt  }
0x7b: {  	_ =	shalt  }
0x7c: {  	_ =	shalt  }
0x7d: {  	_ =	shalt  }
0x7e: {  	_ =	shalt  }
0x7f: {  	_ =	shalt  }
0x80: {  	_ =	shalt  }
0x81: {  	_ =	shalt  }
0x82: {  	_ =	shalt  }
0x83: {  	_ =	shalt  }
0x84: {  	_ =	shalt  }
0x85: {  	_ =	shalt  }
0x86: {  	_ =	shalt  }
0x87: {  	_ =	shalt  }
.Lfunc_end0:
.L_simem_size_0:
called_computation.2_lowered:
.L_overlay_start_0:
0x88: {  	s2 =	sld [smem:$0x3FD9]  }
0x89: {  	s3 =	sld [smem:$0x3FFE];
	_ =	sdelay $0x1  }
0x8a: {  	s1 =	srdreg.scid  }
0x8b: {  	s0 =	sand.u32 $0x1, s1  }
0x8c: {  	s17 =	sshll.u32 s0, $0xA;
	s2 =	sadd.s32 s3, s2  }
0x8d: {  	s2 =	sadd.s32 s2, s17  }
0x8e: {  	[smem:$0x3FBC] =	sst s2  }
0x8f: {  	_ = 	snop  }
0x90: {  	s18 =	sld [smem:$0x3FD0];
	(tm) =	ssettm $0x1  }
0x91: {  	s19 =	sld [smem:$0x3FFB];
	_ =	sdelay $0x3  }
0x92: {  	_ =	strace s19  }
0x93: {  	s2 =	sld [smem:$0x3FFC];
	_ =	sdelay $0x3  }
0x94: {  	_ =	strace s2  }
0x95: {  	s2 =	sld [smem:$0x3FFD];
	_ =	sdelay $0x3  }
0x96: {  	_ =	strace s2  }
0x97: {  	_ =	strace $0x8FFFFFFF  }
0x98: {  	s20 =	sld [smem:$0x3FDB];
	_ =	sdelay $0x1  }
0x99: {  	s4 =	simm.s32 $_scs_section_size  }
0x9a: {  	s5 =	simm.s32 $_size__tile_overlayer_lowered;
	s6 =	simm.s32 $_tile_overlayer_lowered  }
0x9b: {  	s7 =	simm.s32 $0x1BFF;
	s21 =	sshll.u32 s6, $0x1;
	s4 =	sadd.s32 s4, s20  }
0x9c: {  	s22 =	simm.s32 $0x0;
	s5 =	sshll.u32 s5, $0x1;
	s6 =	sadd.s32 s21, s4  }
0x9d: {  	[timem:s22], [sflag:s7] =	dma.local [hbm:s6], s5  }
0x9e: {  	_ =	swait.ge [sflag:s7], s5  }
0x9f: {  	s5 =	ssub.s32 $0x0, s5;
	[sflag:s7] =	ssyncset.done $0x0  }
0xa0: {  	[sflag:s7] =	ssyncadd.s32 s5;
	_ =	sdelay $0x1  }
0xa1: {  	s23 =	simm.s32 $0x1B8B  }
0xa2: {  	_ =	swait.ge [sflag:s23], $0x1  }
0xa3: {  	[sflag:s23] =	ssyncset.done $0x0  }
0xa4: {  	[sflag:s23] =	ssyncadd.s32 $0xFFFFFFFF  }
0xa5: {  	s5 =	sld [smem:$0x0]  }
0xa6: {  	s6 =	sand.u32 $0xFFFFFFFE, s1  }
0xa7: {  	p0 =	sne.s32 s1, s6  }
0xa8: {  	s6 =	sshll.u32 @p0 s6, $0xE  }
0xa9: {  	s6 =	sadd.s32 @p0 $0x11B8D, s6;
	s7 =	sshll.u32 @p0 s5, $0x11  }
0xaa: {  	s6 =	sor.u32 @p0 s7, s6  }
0xab: {  	[sflag:s6] =	ssyncadd.remote.s32 @p0 $0x1;
	_ =	sdelay $0x1  }
0xac: {  	s6 =	simm.s32 @p0 $0x1B8D  }
0xad: {  	_ =	swait.eq @p0 [sflag:s6], $0x1  }
0xae: {  	[sflag:s6] =	ssyncadd.s32 @p0 $0xFFFFFFFF  }
0xaf: {  	s7 =	sshll.u32 @!p0 s1, $0xE  }
0xb0: {  	s7 =	sor.u32 @!p0 $0x4000, s7;
	s6 =	simm.s32 @!p0 $0x1B8D  }
0xb1: {  	s5 =	sshll.u32 @!p0 s5, $0x11;
	s7 =	sadd.s32 @!p0 $0x11B8D, s7;
	_ =	swait.eq @!p0 [sflag:s6], $0x1  }
0xb2: {  	s5 =	sor.u32 @!p0 s5, s7;
	[sflag:s6] =	ssyncadd.s32 @!p0 $0xFFFFFFFF  }
0xb3: {  	s25 =	simm.s32 $0x1B8E;
	s24 =	sld [smem:$0x3FFE];
	[sflag:s5] =	ssyncadd.remote.s32 @!p0 $0x1  }
0xb4: {  	s26 =	simm.s32 $execute0_lowered;
	[smem:$0x3FD2] =	sst s25  }
0xb5: {  	s6 =	sshll.u32 s26, $0x1;
	_ =	strace $0x8000004F;
	[dreg:$0x1] =	wrdreg $0xFFFFFFFF  }
0xb6: {  	s28 =	simm.s32 $_size_execute0_lowered;
	s4 =	sadd.s32 s4, s6;
	[dreg:$0x0] =	wrdreg $0x0  }
0xb7: {  	s6 =	sshll.u32 s28, $0x1;
	[dreg:$0x2] =	wrdreg s4  }
0xb8: {  	[dreg:$0x3] =	wrdreg s6  }
0xb9: {  	[dreg:$0x4] =	wrdreg $0xC0  }
0xba: {  	_ =	task [dreg:s22], $0x5FFFF  }
0xbb: {  	[dreg:$0x1] =	wrdreg $0xFFFFFFFF  }
0xbc: {  	[dreg:$0x0] =	wrdreg $0x60  }
0xbd: {  	[dreg:$0x2] =	wrdreg s18  }
0xbe: {  	[dreg:$0x3] =	wrdreg s24  }
0xbf: {  	[dreg:$0x4] =	wrdreg $0x9  }
0xc0: {  	_ =	task.clear_ibuf [dreg:s22], $0x5FFFF;
	_ =	strace $0x9000004F  }
0xc1: {  	s29 =	simm.s32 $0x9;
	_ =	strace $0x80000051  }
0xc2: {  	_ =	swait.ge [sflag:s29], $0x1  }
0xc3: {  	[sflag:s29] =	ssyncadd.s32 $0xFFFFFFFF  }
0xc4: {  	_ =	strace $0x90000051  }
0xc5: {  	_ =	sfence  }
0xc6: {  	s30 =	sld [smem:$0x0];
	_ =	sdelay $0x2  }
0xc7: {  	s31 =	sshll.u32 s1, $0xD;
	s1 =	sshrl.u32 s1, $0x2  }
0xc8: {  	s4 =	sand.u32 $0x4000, s31;
	s1 =	sadd.s32 s1, s30  }
0xc9: {  	s0 =	sor.u32 s4, s0;
	s1 =	sshll.u32 s1, $0x11  }
0xca: {  	s0 =	sor.u32 s1, s0  }
0xcb: {  	s0 =	sadd.s32 $0x8F2B, s0  }
0xcc: {  	[sflag:s0] =	ssyncadd.remote.s32 $0x1  }
0xcd: {  	_ =	sfence.sel $0xFFFF  }
0xce: {  	[dreg:$0x0] =	wrdreg $0xFFFFFFFF;
	(pc) =	sbr.abs _section_cstart, $3  }
0xcf: {  	[dreg:$0x1] =	wrdreg $0xFFFFFFFF  }
0xd0: {  	_ =	task.clear_ibuf [dreg:s22], $0x2FFFF;
	_ =	strace $0x9FFFFFFF  }
0xd1: {  	(tm) =	ssettm $0x7FFFFFFF  }
tec
execute0_lowered:
.L_overlay_start_1:
0x0: {  	(tag) =	ssettag $0x1  }
0x1: {  	s0 =	srdreg.scid;
	s2 =	rddreg [dreg:$0x0]  }
0x2: {  	s3 =	stileid.u32;
	s1 =	rddreg [dreg:$0x1]  }
0x3: {  	s26 =	simm.s32 $0x80;
	s13 =	simm.s32 $0x1;
	s16 =	simm.s32 $0x1100  }
0x4: {  	s17 =	simm.s32 $0x1900;
	s18 =	simm.s32 $0x2100;
	s19 =	simm.s32 $0x2900  }
0x5: {  	s20 =	simm.s32 $0x3100;
	s21 =	simm.s32 $0x3900;
	s22 =	simm.s32 $0x4100  }
0x6: {  	s23 =	simm.s32 $0x4900;
	s28 =	simm.s32 $0x6900;
	s29 =	simm.s32 $0x7100  }
0x7: {  	s30 =	simm.s32 $0x7900;
	s31 =	simm.s32 $0x8100;
	s11 =	simm.s32 $0x9900  }
0x8: {  	s12 =	simm.s32 $0xA100;
	s10 =	simm.s32 $0xA900;
	s0 =	sand.u32 $0x1, s0  }
0x9: {  	s4 =	sshll.u32 s3, $0x4;
	s3 =	simm.s32 $0x0;
	s7 =	sadd.s32 $0xA4B00, s1  }
0xa: {  	s8 =	sadd.s32 $0xA4C00, s1;
	s5 =	sshll.u32 s0, $0x3;
	[smem:$0x7FF] =	sst s3  }
0xb: {  	s0 =	ssub.s32 $0x2, s0;
	s4 =	sor.u32 s5, s4;
	_ =	strace $0x80000050  }
0xc: {  	s6 =	sshrl.u32 s0, $0x1;
	s5 =	sadd.s32 $0x100, s2;
	[dreg:$0x5] =	wrdreg s26  }
0xd: {  	s26 =	simm.s32 $0x6100;
	s4 =	sadd.s32 s4, s1;
	s0 =	ssub.s32 s0, s6  }
0xe: {  	v2 =	vlaneseq.u32;
	s6 =	sadd.s32 $0x200, s2;
	s24 =	sadd.s32 $0x74400, s4;
	s25 =	sadd.s32 $0x74800, s4  }
0xf: {  	vm0 =	vmmov $0xffff;
	v1 =	vshrl.u32 v2, $0x3;
	s4 =	sadd.s32 $0xA4A00, s1;
	s9 =	smax.u32 s0, $0x1;
	[dreg:$0x3] =	wrdreg s24  }
0x10: {  	v0 =	vand.u32 $0x7, v2;
	v2 =	vor.u32 $0x8, v2;
	v1 =	vmul.u32 $0x8, v1;
	[dreg:$0x4] =	wrdreg s25;
	s24 =	simm.s32 $0x5100;
	s25 =	simm.s32 $0x5900  }
.LBB2_1:
0x11: {  	s14 =	rddreg [dreg:$0x3];
	s0 =	simm.s32 $0x2  }
0x12: {  	[tilespmem:s3], [sflag:$0x2] =	stream.linear.gather [hbm4b:s14+s3], $0x40, $0x38;
	[tilespmem:$0xC100] =	vst v63  }
0x13: {  	_ =	swait.ge [sflag:s0], $0x40  }
0x14: {  	s1 =	rddreg [dreg:$0x4];
	[sflag:s0] =	ssyncset.done $0x0  }
0x15: {  	s15 =	rddreg [dreg:$0x5];
	[sflag:s0] =	ssyncadd.s32 $0xFFFFFFC0  }
0x16: {  	[tilespmem:s15], [sflag:$0x2] =	stream.linear.gather [hbm4b:s1+s3], $0x40, $0x38;
	[tilespmem:$0xC100] =	vst v63  }
0x17: {  	_ =	swait.ge [sflag:s0], $0x40  }
0x18: {  	[sflag:s0] =	ssyncset.done $0x0  }
0x19: {  	[sflag:s0] =	ssyncadd.s32 $0xFFFFFFC0  }
0x1a: {  	v3 =	vld [tilespmem:$0x0];
	_ =	sdelay $0x4  }
0x1b: {  	v4 =	vshrl.u32 v3, $0x3  }
0x1c: {  	v4 =	vmul.u32 $0x30, v4  }
0x1d: {  	v3 =	vand.u32 $0x7, v3  }
0x1e: {  	v3 =	vor.u32 v3, v4  }
0x1f: {  	v4 =	vperm.xlane v3, v0;
	_ =	sdelay $0x1  }
0x20: {  	v4 =	vadd.s32 v1, v4;
	_ =	sdelay $0x3  }
0x21: {  	s14 =	simm.s32 $0x100;
	v3 =	vperm.xlane v3, v2  }
0x22: {  	[tilespmem:s14], [sflag:$0x1] =	stream.indirect_vreg.gather [hbm4b:s2+s3], $0x80, v4, vm0, $0xb8;
	[tilespmem:$0xC100] =	vst v63  }
0x23: {  	s15 =	simm.s32 $0x900;
	v3 =	vadd.s32 v1, v3  }
0x24: {  	[tilespmem:s15], [sflag:$0x1] =	stream.indirect_vreg.gather [hbm4b:s5+s3], $0x80, v4, vm0, $0xb8;
	[tilespmem:$0xC100] =	vst v63  }
0x25: {  	_ = 	snop  }
0x26: {  	[tilespmem:s16], [sflag:$0x1] =	stream.indirect_vreg.gather [hbm4b:s6+s3], $0x80, v4, vm0, $0xb8;
	[tilespmem:$0xC100] =	vst v63  }
0x27: {  	_ = 	snop  }
0x28: {  	[tilespmem:s17], [sflag:$0x1] =	stream.indirect_vreg.gather [hbm4b:s2+s3], $0x80, v3, vm0, $0xb8;
	[tilespmem:$0xC100] =	vst v63  }
0x29: {  	_ = 	snop  }
0x2a: {  	[tilespmem:s18], [sflag:$0x1] =	stream.indirect_vreg.gather [hbm4b:s5+s3], $0x80, v3, vm0, $0xb8;
	[tilespmem:$0xC100] =	vst v63  }
0x2b: {  	_ = 	snop  }
0x2c: {  	[tilespmem:s19], [sflag:$0x1] =	stream.indirect_vreg.gather [hbm4b:s6+s3], $0x80, v3, vm0, $0xb8;
	[tilespmem:$0xC100] =	vst v63  }
0x2d: {  	v3 =	vld [tilespmem:$0x10];
	_ =	sdelay $0x4  }
0x2e: {  	v57 =	vshrl.u32 v3, $0x3  }
0x2f: {  	v4 =	vmul.u32 $0x30, v57  }
0x30: {  	v3 =	vand.u32 $0x7, v3  }
0x31: {  	v3 =	vor.u32 v3, v4  }
0x32: {  	v4 =	vperm.xlane v3, v0;
	_ =	sdelay $0x1  }
0x33: {  	v4 =	vadd.s32 v1, v4;
	_ =	sdelay $0x3  }
0x34: {  	v3 =	vperm.xlane v3, v2  }
0x35: {  	[tilespmem:s20], [sflag:$0x1] =	stream.indirect_vreg.gather [hbm4b:s2+s3], $0x80, v4, vm0, $0xb8;
	[tilespmem:$0xC100] =	vst v63  }
0x36: {  	v3 =	vadd.s32 v1, v3  }
0x37: {  	[tilespmem:s21], [sflag:$0x1] =	stream.indirect_vreg.gather [hbm4b:s5+s3], $0x80, v4, vm0, $0xb8;
	[tilespmem:$0xC100] =	vst v63  }
0x38: {  	_ = 	snop  }
0x39: {  	[tilespmem:s22], [sflag:$0x1] =	stream.indirect_vreg.gather [hbm4b:s6+s3], $0x80, v4, vm0, $0xb8;
	[tilespmem:$0xC100] =	vst v63  }
0x3a: {  	_ = 	snop  }
0x3b: {  	[tilespmem:s23], [sflag:$0x1] =	stream.indirect_vreg.gather [hbm4b:s2+s3], $0x80, v3, vm0, $0xb8;
	[tilespmem:$0xC100] =	vst v63  }
0x3c: {  	_ = 	snop  }
0x3d: {  	[tilespmem:s24], [sflag:$0x1] =	stream.indirect_vreg.gather [hbm4b:s5+s3], $0x80, v3, vm0, $0xb8;
	[tilespmem:$0xC100] =	vst v63  }
0x3e: {  	_ = 	snop  }
0x3f: {  	[tilespmem:s25], [sflag:$0x1] =	stream.indirect_vreg.gather [hbm4b:s6+s3], $0x80, v3, vm0, $0xb8;
	[tilespmem:$0xC100] =	vst v63  }
0x40: {  	v3 =	vld [tilespmem:$0x20];
	_ =	sdelay $0x4  }
0x41: {  	v58 =	vshrl.u32 v3, $0x3  }
0x42: {  	v4 =	vmul.u32 $0x30, v58  }
0x43: {  	v3 =	vand.u32 $0x7, v3  }
0x44: {  	v3 =	vor.u32 v3, v4  }
0x45: {  	v4 =	vperm.xlane v3, v0;
	_ =	sdelay $0x1  }
0x46: {  	v4 =	vadd.s32 v1, v4;
	_ =	sdelay $0x3  }
0x47: {  	v3 =	vperm.xlane v3, v2  }
0x48: {  	[tilespmem:s26], [sflag:$0x1] =	stream.indirect_vreg.gather [hbm4b:s2+s3], $0x80, v4, vm0, $0xb8;
	[tilespmem:$0xC100] =	vst v63  }
0x49: {  	v3 =	vadd.s32 v1, v3  }
0x4a: {  	[tilespmem:s28], [sflag:$0x1] =	stream.indirect_vreg.gather [hbm4b:s5+s3], $0x80, v4, vm0, $0xb8;
	[tilespmem:$0xC100] =	vst v63  }
0x4b: {  	_ = 	snop  }
0x4c: {  	[tilespmem:s29], [sflag:$0x1] =	stream.indirect_vreg.gather [hbm4b:s6+s3], $0x80, v4, vm0, $0xb8;
	[tilespmem:$0xC100] =	vst v63  }
0x4d: {  	_ = 	snop  }
0x4e: {  	[tilespmem:s30], [sflag:$0x1] =	stream.indirect_vreg.gather [hbm4b:s2+s3], $0x80, v3, vm0, $0xb8;
	[tilespmem:$0xC100] =	vst v63  }
0x4f: {  	_ = 	snop  }
0x50: {  	[tilespmem:s31], [sflag:$0x1] =	stream.indirect_vreg.gather [hbm4b:s5+s3], $0x80, v3, vm0, $0xb8;
	[tilespmem:$0xC100] =	vst v63  }
0x51: {  	s1 =	simm.s32 $0x8900  }
0x52: {  	[tilespmem:s1], [sflag:$0x1] =	stream.indirect_vreg.gather [hbm4b:s6+s3], $0x80, v3, vm0, $0xb8;
	[tilespmem:$0xC100] =	vst v63  }
0x53: {  	v3 =	vld [tilespmem:$0x30];
	_ =	sdelay $0x4  }
0x54: {  	v59 =	vshrl.u32 v3, $0x3  }
0x55: {  	v4 =	vmul.u32 $0x30, v59  }
0x56: {  	v3 =	vand.u32 $0x7, v3  }
0x57: {  	v3 =	vor.u32 v3, v4  }
0x58: {  	v4 =	vperm.xlane v3, v0;
	_ =	sdelay $0x1  }
0x59: {  	v4 =	vadd.s32 v1, v4;
	_ =	sdelay $0x3  }
0x5a: {  	s0 =	simm.s32 $0x9100;
	v3 =	vperm.xlane v3, v2  }
0x5b: {  	[tilespmem:s0], [sflag:$0x1] =	stream.indirect_vreg.gather [hbm4b:s2+s3], $0x80, v4, vm0, $0xb8;
	[tilespmem:$0xC100] =	vst v63  }
0x5c: {  	v3 =	vadd.s32 v1, v3  }
0x5d: {  	[tilespmem:s11], [sflag:$0x1] =	stream.indirect_vreg.gather [hbm4b:s5+s3], $0x80, v4, vm0, $0xb8;
	[tilespmem:$0xC100] =	vst v63  }
0x5e: {  	_ = 	snop  }
0x5f: {  	[tilespmem:s12], [sflag:$0x1] =	stream.indirect_vreg.gather [hbm4b:s6+s3], $0x80, v4, vm0, $0xb8;
	[tilespmem:$0xC100] =	vst v63  }
0x60: {  	_ = 	snop  }
0x61: {  	[tilespmem:s10], [sflag:$0x1] =	stream.indirect_vreg.gather [hbm4b:s2+s3], $0x80, v3, vm0, $0xb8;
	[tilespmem:$0xC100] =	vst v63  }
0x62: {  	s0 =	simm.s32 $0xB100  }
0x63: {  	[tilespmem:s0], [sflag:$0x1] =	stream.indirect_vreg.gather [hbm4b:s5+s3], $0x80, v3, vm0, $0xb8;
	[tilespmem:$0xC100] =	vst v63  }
0x64: {  	s0 =	simm.s32 $0xB900  }
0x65: {  	[tilespmem:s0], [sflag:$0x1] =	stream.indirect_vreg.gather [hbm4b:s6+s3], $0x80, v3, vm0, $0xb8;
	[tilespmem:$0xC100] =	vst v63  }
0x66: {  	_ =	swait.ge [sflag:s13], $0xC000  }
0x67: {  	[sflag:s13] =	ssyncset.done $0x0  }
0x68: {  	[sflag:s13] =	ssyncadd.s32 $0xFFFF4000  }
0x69: {  	v3 =	vld [tilespmem:$0x80];
	_ =	sdelay $0x4  }
0x6a: {  	v60 =	vshrl.u32 v3, $0x3  }
0x6b: {  	v4 =	vmul.u32 $0x30, v60  }
0x6c: {  	v3 =	vand.u32 $0x7, v3  }
0x6d: {  	v3 =	vor.u32 v3, v4  }
0x6e: {  	v4 =	vperm.xlane v3, v0;
	_ =	sdelay $0x1  }
0x6f: {  	v4 =	vadd.s32 v1, v4;
	_ =	sdelay $0x3  }
0x70: {  	v3 =	vperm.xlane v3, v2  }
0x71: {  	[hbm4b:s4+s3] =	stream.indirect_vreg.scatter [tilespmem:s14], [sflag:$0x1], $0x80, v4, vm0, $0xb8;
	[tilespmem:$0xC100] =	vst v63  }
0x72: {  	v3 =	vadd.s32 v1, v3  }
0x73: {  	[hbm4b:s7+s3] =	stream.indirect_vreg.scatter [tilespmem:s15], [sflag:$0x1], $0x80, v4, vm0, $0xb8;
	[tilespmem:$0xC100] =	vst v63  }
0x74: {  	_ = 	snop  }
0x75: {  	[hbm4b:s8+s3] =	stream.indirect_vreg.scatter [tilespmem:s16], [sflag:$0x1], $0x80, v4, vm0, $0xb8;
	[tilespmem:$0xC100] =	vst v63  }
0x76: {  	_ = 	snop  }
0x77: {  	[hbm4b:s4+s3] =	stream.indirect_vreg.scatter [tilespmem:s17], [sflag:$0x1], $0x80, v3, vm0, $0xb8;
	[tilespmem:$0xC100] =	vst v63  }
0x78: {  	_ = 	snop  }
0x79: {  	[hbm4b:s7+s3] =	stream.indirect_vreg.scatter [tilespmem:s18], [sflag:$0x1], $0x80, v3, vm0, $0xb8;
	[tilespmem:$0xC100] =	vst v63  }
0x7a: {  	_ = 	snop  }
0x7b: {  	[hbm4b:s8+s3] =	stream.indirect_vreg.scatter [tilespmem:s19], [sflag:$0x1], $0x80, v3, vm0, $0xb8;
	[tilespmem:$0xC100] =	vst v63  }
0x7c: {  	v3 =	vld [tilespmem:$0x90];
	_ =	sdelay $0x4  }
0x7d: {  	v61 =	vshrl.u32 v3, $0x3  }
0x7e: {  	v4 =	vmul.u32 $0x30, v61  }
0x7f: {  	v3 =	vand.u32 $0x7, v3  }
0x80: {  	v3 =	vor.u32 v3, v4  }
0x81: {  	v4 =	vperm.xlane v3, v0;
	_ =	sdelay $0x1  }
0x82: {  	v4 =	vadd.s32 v1, v4;
	_ =	sdelay $0x3  }
0x83: {  	v3 =	vperm.xlane v3, v2  }
0x84: {  	[hbm4b:s4+s3] =	stream.indirect_vreg.scatter [tilespmem:s20], [sflag:$0x1], $0x80, v4, vm0, $0xb8;
	[tilespmem:$0xC100] =	vst v63  }
0x85: {  	v3 =	vadd.s32 v1, v3  }
0x86: {  	[hbm4b:s7+s3] =	stream.indirect_vreg.scatter [tilespmem:s21], [sflag:$0x1], $0x80, v4, vm0, $0xb8;
	[tilespmem:$0xC100] =	vst v63  }
0x87: {  	_ = 	snop  }
0x88: {  	[hbm4b:s8+s3] =	stream.indirect_vreg.scatter [tilespmem:s22], [sflag:$0x1], $0x80, v4, vm0, $0xb8;
	[tilespmem:$0xC100] =	vst v63  }
0x89: {  	_ = 	snop  }
0x8a: {  	[hbm4b:s4+s3] =	stream.indirect_vreg.scatter [tilespmem:s23], [sflag:$0x1], $0x80, v3, vm0, $0xb8;
	[tilespmem:$0xC100] =	vst v63  }
0x8b: {  	_ = 	snop  }
0x8c: {  	[hbm4b:s7+s3] =	stream.indirect_vreg.scatter [tilespmem:s24], [sflag:$0x1], $0x80, v3, vm0, $0xb8;
	[tilespmem:$0xC100] =	vst v63  }
0x8d: {  	_ = 	snop  }
0x8e: {  	[hbm4b:s8+s3] =	stream.indirect_vreg.scatter [tilespmem:s25], [sflag:$0x1], $0x80, v3, vm0, $0xb8;
	[tilespmem:$0xC100] =	vst v63  }
0x8f: {  	v3 =	vld [tilespmem:$0xA0];
	_ =	sdelay $0x4  }
0x90: {  	v62 =	vshrl.u32 v3, $0x3  }
0x91: {  	v4 =	vmul.u32 $0x30, v62  }
0x92: {  	v3 =	vand.u32 $0x7, v3  }
0x93: {  	v3 =	vor.u32 v3, v4  }
0x94: {  	v4 =	vperm.xlane v3, v0;
	_ =	sdelay $0x1  }
0x95: {  	v4 =	vadd.s32 v1, v4;
	_ =	sdelay $0x3  }
0x96: {  	v3 =	vperm.xlane v3, v2  }
0x97: {  	[hbm4b:s4+s3] =	stream.indirect_vreg.scatter [tilespmem:s26], [sflag:$0x1], $0x80, v4, vm0, $0xb8;
	[tilespmem:$0xC100] =	vst v63  }
0x98: {  	v3 =	vadd.s32 v1, v3  }
0x99: {  	[hbm4b:s7+s3] =	stream.indirect_vreg.scatter [tilespmem:s28], [sflag:$0x1], $0x80, v4, vm0, $0xb8;
	[tilespmem:$0xC100] =	vst v63  }
0x9a: {  	_ = 	snop  }
0x9b: {  	[hbm4b:s8+s3] =	stream.indirect_vreg.scatter [tilespmem:s29], [sflag:$0x1], $0x80, v4, vm0, $0xb8;
	[tilespmem:$0xC100] =	vst v63  }
0x9c: {  	_ = 	snop  }
0x9d: {  	[hbm4b:s4+s3] =	stream.indirect_vreg.scatter [tilespmem:s30], [sflag:$0x1], $0x80, v3, vm0, $0xb8;
	[tilespmem:$0xC100] =	vst v63  }
0x9e: {  	_ = 	snop  }
0x9f: {  	[hbm4b:s7+s3] =	stream.indirect_vreg.scatter [tilespmem:s31], [sflag:$0x1], $0x80, v3, vm0, $0xb8;
	[tilespmem:$0xC100] =	vst v63  }
0xa0: {  	_ = 	snop  }
0xa1: {  	[hbm4b:s8+s3] =	stream.indirect_vreg.scatter [tilespmem:s1], [sflag:$0x1], $0x80, v3, vm0, $0xb8;
	[tilespmem:$0xC100] =	vst v63  }
0xa2: {  	v3 =	vld [tilespmem:$0xB0];
	_ =	sdelay $0x4  }
0xa3: {  	v63 =	vshrl.u32 v3, $0x3  }
0xa4: {  	v4 =	vmul.u32 $0x30, v63  }
0xa5: {  	v3 =	vand.u32 $0x7, v3  }
0xa6: {  	v3 =	vor.u32 v3, v4  }
0xa7: {  	v4 =	vperm.xlane v3, v0;
	_ =	sdelay $0x1  }
0xa8: {  	v4 =	vadd.s32 v1, v4;
	_ =	sdelay $0x3  }
0xa9: {  	s14 =	simm.s32 $0x9100;
	v3 =	vperm.xlane v3, v2  }
0xaa: {  	[hbm4b:s4+s3] =	stream.indirect_vreg.scatter [tilespmem:s14], [sflag:$0x1], $0x80, v4, vm0, $0xb8;
	[tilespmem:$0xC100] =	vst v63  }
0xab: {  	v3 =	vadd.s32 v1, v3  }
0xac: {  	[hbm4b:s7+s3] =	stream.indirect_vreg.scatter [tilespmem:s11], [sflag:$0x1], $0x80, v4, vm0, $0xb8;
	[tilespmem:$0xC100] =	vst v63  }
0xad: {  	_ = 	snop  }
0xae: {  	[hbm4b:s8+s3] =	stream.indirect_vreg.scatter [tilespmem:s12], [sflag:$0x1], $0x80, v4, vm0, $0xb8;
	[tilespmem:$0xC100] =	vst v63  }
0xaf: {  	_ = 	snop  }
0xb0: {  	[hbm4b:s4+s3] =	stream.indirect_vreg.scatter [tilespmem:s10], [sflag:$0x1], $0x80, v3, vm0, $0xb8;
	[tilespmem:$0xC100] =	vst v63  }
0xb1: {  	p0 =	sne.s32 s9, $0x1;
	s15 =	simm.s32 $0xB100  }
0xb2: {  	[hbm4b:s7+s3] =	stream.indirect_vreg.scatter [tilespmem:s15], [sflag:$0x1], $0x80, v3, vm0, $0xb8;
	[tilespmem:$0xC100] =	vst v63  }
.Ltmp0:
0xb3: {  	s0 =	simm.s32 $0xB900;
	(pc) =	sbr.rel @p0 .LBB2_1-.Ltmp0, $4  }
0xb4: {  	[hbm4b:s8+s3] =	stream.indirect_vreg.scatter [tilespmem:s0], [sflag:$0x1], $0x80, v3, vm0, $0xb8;
	[tilespmem:$0xC100] =	vst v63  }
0xb5: {  	_ =	swait.ge [sflag:s13], $0xC000  }
0xb6: {  	[sflag:s13] =	ssyncset.done $0x0  }
0xb7: {  	s9 =	sadd.s32 $0xFFFFFFFF, s9;
	[sflag:s13] =	ssyncadd.s32 $0xFFFF4000  }
0xb8: {  	_ =	sfence.sel $0x180000  }
0xb9: {  	[bflag:$0x0] =	sbarrier.arrive $0xFFFF  }
0xba: {  	_ =	strace $0x90000050  }
0xbb: {  	s0 =	stileid.u32;
	[bflag:$0x2] =	sbarrier.arrive $0xFFFF  }
0xbc: {  	p0 =	sne.s32 s0, $0x0;
	s0 =	rddreg [dreg:$0x2]  }
0xbd: {  	s0 =	sadd.s32 @!p0 $0x100000, s0  }
0xbe: {  	[sflag:s0] =	ssyncadd.tile.s32 @!p0 $0x1;
	_ =	shalt  }
.Lfunc_end2:
_tile_overlayer_lowered:
.L_overlay_start_2:
0xbf: {  	(tag) =	ssettag $0x2  }
0xc0: {  	s0 =	rddreg [dreg:$0x0];
	s2 =	stileid.u32  }
0xc1: {  	s1 =	rddreg [dreg:$0x1];
	p0 =	sne.s32 s2, $0x0  }
0xc2: {  	s3 =	rddreg [dreg:$0x2];
	[bflag:$0x3] =	sbarrier.arrive $0xFFFF;
	s2 =	simm.s32 @!p0 $0x1C02  }
0xc3: {  	[timem:s3], [sflag:s2] =	dma.local @!p0 [hbm:s0], s1  }
0xc4: {  	s0 =	simm.s32 @!p0 $0x2  }
0xc5: {  	_ =	swait.ge @!p0 [sflag:s0], s1  }
0xc6: {  	s1 =	ssub.s32 @!p0 $0x0, s1;
	[sflag:s0] =	ssyncset.done @!p0 $0x0  }
0xc7: {  	[sflag:s0] =	ssyncadd.s32 @!p0 s1  }
0xc8: {  	[bflag:$0x3] =	sbarrier.arrive $0xFFFF  }
0xc9: {  	_ =	shalt  }

// kernel: kernel.23.cloned.1.call-start
scs
__scs_entry_jumppad:
0x0: {  	(pc) =	sbr.rel $0x88, $3  }
0x1: {  	(tag) =	ssettag $0x0;
	lr =	simm.s32 $0x1  }
0x2: {  	[smem:$0x3F95] =	sst lr;
	_ =	strace $0xD0000000  }
0x3: {  	_ = 	snop  }
0x4: {  	_ = 	snop  }
0x5: {  	_ = 	snop  }
0x6: {  	_ = 	snop  }
0x7: {  	_ = 	snop  }
__scs_overlays_trampoline_lowered:
0x8: {  	[smem:$0x3FA4] =	sst s0  }
0x9: {  	[smem:$0x3FA5] =	sst s1  }
0xa: {  	[smem:$0x3FA6] =	sst s2  }
0xb: {  	[smem:$0x3FA7] =	sst s3  }
0xc: {  	[smem:$0x3FA8] =	sst s4  }
0xd: {  	[smem:$0x3FA9] =	sst s5  }
0xe: {  	[smem:$0x3FAA] =	sst s6  }
0xf: {  	[smem:$0x3FAB] =	sst s7  }
0x10: {  	[smem:$0x3FAC] =	sst s8  }
0x11: {  	[smem:$0x3FAD] =	sst s9;
	s0 =	simm.s32 @!p0 $0x0  }
0x12: {  	s1 =	sld [smem:$0x3F93];
	s0 =	simm.s32 @p0 $0x1  }
0x13: {  	[smem:$0x3FAE] =	sst s0;
	s0 =	simm.s32 @!p1 $0x0  }
0x14: {  	s2 =	sld [smem:$0x3F92];
	s0 =	simm.s32 @p1 $0x1  }
0x15: {  	[smem:$0x3FAF] =	sst s0;
	s0 =	simm.s32 @!p2 $0x0  }
0x16: {  	s3 =	sld [smem:$0x3FDB];
	s0 =	simm.s32 @p2 $0x1  }
0x17: {  	s4 =	simm.s32 $0x1BF5;
	[smem:$0x3FB1] =	sst s0  }
0x18: {  	s0 =	sld [smem:$0x3F94];
	_ =	swait.ge [sflag:s4], $0x0  }
0x19: {  	s7 =	sld [smem:$0x3F95]  }
0x1a: {  	s8 =	sadd.s32 $0xFFFFE003, lr  }
0x1b: {  	s9 =	sadd.s32 $0xFFFFFEF7, lr;
	s5 =	simm.s32 $0xFFFFFFFF;
	p2 =	slt.u32 s8, $0xFFFFF086  }
0x1c: {  	p1 =	slt.u32 s9, $0xF7A;
	s5 =	simm.s32 @!p2 $0x0  }
0x1d: {  	s5 =	simm.s32 @p1 $0x1;
	p0 =	seq.s32 s7, s2  }
0x1e: {  	s7 =	smul.u32 @!p0 $0xF7A, s2;
	p2 =	seq.s32 @!p0 s5, $0x0  }
0x1f: {  	s9 =	smul.u32 $0xF7A, s1;
	s8 =	simm.s32 @!p0 $0x1BF5;
	p2 =	por !p2, p0  }
0x20: {  	[sflag:s8] =	ssyncset.s32 @!p0 $0xFFFFF086;
	s6 =	sadd.s32 @!p0 s3, s7;
	s7 =	simm.s32 @!p0 $0x108  }
0x21: {  	s3 =	sadd.s32 s3, s9;
	s6 =	sadd.s32 @!p0 $0x88, s6;
	s7 =	simm.s32 @p2 $0x1082  }
0x22: {  	[simem:s7], [sflag:s8] =	dma.local @!p0 [hbm:s6], $0xF7A  }
0x23: {  	s9 =	sor.u32 $0xD0000000, s2;
	s6 =	simm.s32 $0x108;
	_ =	swait.ge @!p0 [sflag:s8], $0x0  }
0x24: {  	s3 =	sadd.s32 $0x88, s3;
	s6 =	simm.s32 @!p1 $0x1082;
	[sflag:s4] =	ssyncset.s32 $0xFFFFF086  }
0x25: {  	[simem:s6], [sflag:s4] =	dma.local [hbm:s3], $0xF7A  }
0x26: {  	[smem:$0x3F95] =	sst s1;
	(tag) =	ssettag s2;
	_ =	strace s9  }
0x27: {  	s1 =	sld [smem:$0x3FA5]  }
0x28: {  	s2 =	sld [smem:$0x3FA6]  }
0x29: {  	s4 =	sld [smem:$0x3FA8]  }
0x2a: {  	p0 =	seq.s32 s5, $0x0;
	s5 =	sld [smem:$0x3FA9]  }
0x2b: {  	s6 =	sld [smem:$0x3FAA]  }
0x2c: {  	s7 =	sld [smem:$0x3FAB]  }
0x2d: {  	s3 =	simm.s32 $0x108;
	s8 =	sld [smem:$0x3FAC]  }
0x2e: {  	s3 =	simm.s32 @!p0 $0x1082;
	s9 =	sld [smem:$0x3FAD]  }
0x2f: {  	lr =	sadd.s32 s0, s3;
	s0 =	sld [smem:$0x3FA4]  }
0x30: {  	s3 =	sld [smem:$0x3FA7]  }
0x31: {  	[smem:$0x3FB0] =	sst s10  }
0x32: {  	s10 =	sld [smem:$0x3FAE];
	_ =	sdelay $0x3  }
0x33: {  	p0 =	seq.s32 s10, $0x1;
	s10 =	sld [smem:$0x3FB0];
	_ =	sdelay $0x3  }
0x34: {  	[smem:$0x3FB0] =	sst s10  }
0x35: {  	s10 =	sld [smem:$0x3FAF];
	_ =	sdelay $0x3  }
0x36: {  	p1 =	seq.s32 s10, $0x1;
	s10 =	sld [smem:$0x3FB0];
	_ =	sdelay $0x3  }
0x37: {  	[smem:$0x3FB0] =	sst s10  }
0x38: {  	s10 =	sld [smem:$0x3FB1]  }
0x39: {  	_ = 	snop;
	(pc) =	sbr.ind lr, $3  }
0x3a: {  	_ = 	snop  }
0x3b: {  	_ = 	snop  }
0x3c: {  	p2 =	seq.s32 s10, $0x1;
	s10 =	sld [smem:$0x3FB0]  }
0x3d: {  	_ =	shalt  }
0x3e: {  	_ =	shalt  }
0x3f: {  	_ =	shalt  }
0x40: {  	_ =	shalt  }
0x41: {  	_ =	shalt  }
0x42: {  	_ =	shalt  }
0x43: {  	_ =	shalt  }
0x44: {  	_ =	shalt  }
0x45: {  	_ =	shalt  }
0x46: {  	_ =	shalt  }
0x47: {  	_ =	shalt  }
0x48: {  	_ =	shalt  }
0x49: {  	_ =	shalt  }
0x4a: {  	_ =	shalt  }
0x4b: {  	_ =	shalt  }
0x4c: {  	_ =	shalt  }
0x4d: {  	_ =	shalt  }
0x4e: {  	_ =	shalt  }
0x4f: {  	_ =	shalt  }
0x50: {  	_ =	shalt  }
0x51: {  	_ =	shalt  }
0x52: {  	_ =	shalt  }
0x53: {  	_ =	shalt  }
0x54: {  	_ =	shalt  }
0x55: {  	_ =	shalt  }
0x56: {  	_ =	shalt  }
0x57: {  	_ =	shalt  }
0x58: {  	_ =	shalt  }
0x59: {  	_ =	shalt  }
0x5a: {  	_ =	shalt  }
0x5b: {  	_ =	shalt  }
0x5c: {  	_ =	shalt  }
0x5d: {  	_ =	shalt  }
0x5e: {  	_ =	shalt  }
0x5f: {  	_ =	shalt  }
0x60: {  	_ =	shalt  }
0x61: {  	_ =	shalt  }
0x62: {  	_ =	shalt  }
0x63: {  	_ =	shalt  }
0x64: {  	_ =	shalt  }
0x65: {  	_ =	shalt  }
0x66: {  	_ =	shalt  }
0x67: {  	_ =	shalt  }
0x68: {  	_ =	shalt  }
0x69: {  	_ =	shalt  }
0x6a: {  	_ =	shalt  }
0x6b: {  	_ =	shalt  }
0x6c: {  	_ =	shalt  }
0x6d: {  	_ =	shalt  }
0x6e: {  	_ =	shalt  }
0x6f: {  	_ =	shalt  }
0x70: {  	_ =	shalt  }
0x71: {  	_ =	shalt  }
0x72: {  	_ =	shalt  }
0x73: {  	_ =	shalt  }
0x74: {  	_ =	shalt  }
0x75: {  	_ =	shalt  }
0x76: {  	_ =	shalt  }
0x77: {  	_ =	shalt  }
0x78: {  	_ =	shalt  }
0x79: {  	_ =	shalt  }
0x7a: {  	_ =	shalt  }
0x7b: {  	_ =	shalt  }
0x7c: {  	_ =	shalt  }
0x7d: {  	_ =	shalt  }
0x7e: {  	_ =	shalt  }
0x7f: {  	_ =	shalt  }
0x80: {  	_ =	shalt  }
0x81: {  	_ =	shalt  }
0x82: {  	_ =	shalt  }
0x83: {  	_ =	shalt  }
0x84: {  	_ =	shalt  }
0x85: {  	_ =	shalt  }
0x86: {  	_ =	shalt  }
0x87: {  	_ =	shalt  }
.Lfunc_end0:
.L_simem_size_0:
called_computation.3_lowered:
.L_overlay_start_0:
0x88: {  	s2 =	sld [smem:$0x3FD9]  }
0x89: {  	s3 =	sld [smem:$0x3FFE];
	_ =	sdelay $0x1  }
0x8a: {  	s1 =	srdreg.scid  }
0x8b: {  	s0 =	sand.u32 $0x1, s1  }
0x8c: {  	s17 =	sshll.u32 s0, $0xA;
	s2 =	sadd.s32 s3, s2  }
0x8d: {  	s2 =	sadd.s32 s2, s17  }
0x8e: {  	[smem:$0x3FBC] =	sst s2  }
0x8f: {  	_ = 	snop  }
0x90: {  	(tm) =	ssettm $0x1  }
0x91: {  	s18 =	sld [smem:$0x3FFB];
	_ =	sdelay $0x3  }
0x92: {  	_ =	strace s18  }
0x93: {  	s2 =	sld [smem:$0x3FFC];
	_ =	sdelay $0x3  }
0x94: {  	_ =	strace s2  }
0x95: {  	s2 =	sld [smem:$0x3FFD];
	_ =	sdelay $0x3  }
0x96: {  	_ =	strace s2  }
0x97: {  	_ =	strace $0x8FFFFFFF  }
0x98: {  	s19 =	sld [smem:$0x3FDB];
	_ =	sdelay $0x1  }
0x99: {  	s20 =	simm.s32 $_scs_section_size  }
0x9a: {  	s4 =	simm.s32 $_size__tile_overlayer_lowered;
	s5 =	simm.s32 $_tile_overlayer_lowered  }
0x9b: {  	s6 =	simm.s32 $0x1BFF;
	s21 =	sshll.u32 s5, $0x1;
	s3 =	sadd.s32 s20, s19  }
0x9c: {  	s22 =	simm.s32 $0x0;
	s4 =	sshll.u32 s4, $0x1;
	s5 =	sadd.s32 s21, s3  }
0x9d: {  	[timem:s22], [sflag:s6] =	dma.local [hbm:s5], s4  }
0x9e: {  	_ =	swait.ge [sflag:s6], s4  }
0x9f: {  	s4 =	ssub.s32 $0x0, s4;
	[sflag:s6] =	ssyncset.done $0x0  }
0xa0: {  	[sflag:s6] =	ssyncadd.s32 s4;
	_ =	sdelay $0x1  }
0xa1: {  	s23 =	simm.s32 $0x1B8B  }
0xa2: {  	_ =	swait.ge [sflag:s23], $0x1  }
0xa3: {  	[sflag:s23] =	ssyncset.done $0x0  }
0xa4: {  	[sflag:s23] =	ssyncadd.s32 $0xFFFFFFFF  }
0xa5: {  	s4 =	sld [smem:$0x0]  }
0xa6: {  	s5 =	sand.u32 $0xFFFFFFFE, s1  }
0xa7: {  	p0 =	sne.s32 s1, s5  }
0xa8: {  	s5 =	sshll.u32 @p0 s5, $0xE  }
0xa9: {  	s5 =	sadd.s32 @p0 $0x11B8D, s5;
	s6 =	sshll.u32 @p0 s4, $0x11  }
0xaa: {  	s5 =	sor.u32 @p0 s6, s5  }
0xab: {  	[sflag:s5] =	ssyncadd.remote.s32 @p0 $0x1;
	_ =	sdelay $0x1  }
0xac: {  	s5 =	simm.s32 @p0 $0x1B8D  }
0xad: {  	_ =	swait.eq @p0 [sflag:s5], $0x1  }
0xae: {  	[sflag:s5] =	ssyncadd.s32 @p0 $0xFFFFFFFF  }
0xaf: {  	s6 =	sshll.u32 @!p0 s1, $0xE  }
0xb0: {  	s6 =	sor.u32 @!p0 $0x4000, s6;
	s5 =	simm.s32 @!p0 $0x1B8D  }
0xb1: {  	s4 =	sshll.u32 @!p0 s4, $0x11;
	s6 =	sadd.s32 @!p0 $0x11B8D, s6;
	_ =	swait.eq @!p0 [sflag:s5], $0x1  }
0xb2: {  	s4 =	sor.u32 @!p0 s4, s6;
	[sflag:s5] =	ssyncadd.s32 @!p0 $0xFFFFFFFF  }
0xb3: {  	s25 =	simm.s32 $0x1B8E;
	s24 =	sld [smem:$0x3FFE];
	[sflag:s4] =	ssyncadd.remote.s32 @!p0 $0x1  }
0xb4: {  	s26 =	simm.s32 $execute0_lowered;
	[smem:$0x3FD2] =	sst s25  }
0xb5: {  	s5 =	sshll.u32 s26, $0x1;
	_ =	strace $0x8000004C;
	[dreg:$0x1] =	wrdreg $0xFFFFFFFF  }
0xb6: {  	s28 =	simm.s32 $_size_execute0_lowered;
	s3 =	sadd.s32 s3, s5;
	[dreg:$0x0] =	wrdreg $0x0  }
0xb7: {  	s5 =	sshll.u32 s28, $0x1;
	[dreg:$0x2] =	wrdreg s3  }
0xb8: {  	[dreg:$0x3] =	wrdreg s5  }
0xb9: {  	[dreg:$0x4] =	wrdreg $0xC0  }
0xba: {  	_ =	task [dreg:s22], $0x5FFFF  }
0xbb: {  	[dreg:$0x1] =	wrdreg $0xFFFFFFFF  }
0xbc: {  	[dreg:$0x0] =	wrdreg $0x60  }
0xbd: {  	[dreg:$0x2] =	wrdreg s24  }
0xbe: {  	[dreg:$0x3] =	wrdreg $0xA  }
0xbf: {  	_ =	task.clear_ibuf [dreg:s22], $0x4FFFF;
	_ =	strace $0x9000004C  }
0xc0: {  	s29 =	simm.s32 $0xA;
	_ =	strace $0x8000004E  }
0xc1: {  	_ =	swait.ge [sflag:s29], $0x1  }
0xc2: {  	[sflag:s29] =	ssyncadd.s32 $0xFFFFFFFF  }
0xc3: {  	_ =	strace $0x9000004E  }
0xc4: {  	_ =	sfence  }
0xc5: {  	s30 =	sld [smem:$0x0];
	_ =	sdelay $0x2  }
0xc6: {  	s31 =	sshll.u32 s1, $0xD;
	s1 =	sshrl.u32 s1, $0x2  }
0xc7: {  	s4 =	sand.u32 $0x4000, s31;
	s1 =	sadd.s32 s1, s30  }
0xc8: {  	s0 =	sor.u32 s4, s0;
	s1 =	sshll.u32 s1, $0x11  }
0xc9: {  	s0 =	sor.u32 s1, s0  }
0xca: {  	s0 =	sadd.s32 $0x8F2B, s0  }
0xcb: {  	[sflag:s0] =	ssyncadd.remote.s32 $0x1  }
0xcc: {  	_ =	sfence.sel $0xFFFF  }
0xcd: {  	[dreg:$0x0] =	wrdreg $0xFFFFFFFF;
	(pc) =	sbr.abs _section_cstart, $3  }
0xce: {  	[dreg:$0x1] =	wrdreg $0xFFFFFFFF  }
0xcf: {  	_ =	task.clear_ibuf [dreg:s22], $0x2FFFF;
	_ =	strace $0x9FFFFFFF  }
0xd0: {  	(tm) =	ssettm $0x7FFFFFFF  }
0xd1: {  	_ =	shalt  }
tec
execute0_lowered:
.L_overlay_start_1:
0x0: {  	(tag) =	ssettag $0x1  }
0x1: {  	s0 =	rddreg [dreg:$0x0]  }
0x2: {  	s1 =	srdreg.scid;
	s3 =	stileid.u32;
	s2 =	simm.s32 $0x0  }
0x3: {  	s26 =	simm.s32 $0x80;
	s13 =	simm.s32 $0x1;
	s16 =	simm.s32 $0x1100  }
0x4: {  	s17 =	simm.s32 $0x1900;
	s18 =	simm.s32 $0x2100;
	s19 =	simm.s32 $0x2900  }
0x5: {  	s20 =	simm.s32 $0x3100;
	s21 =	simm.s32 $0x3900;
	s22 =	simm.s32 $0x4100  }
0x6: {  	s23 =	simm.s32 $0x4900;
	s24 =	simm.s32 $0x5100;
	s28 =	simm.s32 $0x6900  }
0x7: {  	s29 =	simm.s32 $0x7100;
	s30 =	simm.s32 $0x7900;
	s31 =	simm.s32 $0x8100  }
0x8: {  	s11 =	simm.s32 $0x9900;
	s12 =	simm.s32 $0xA100;
	s10 =	simm.s32 $0xA900  }
0x9: {  	s1 =	sand.u32 $0x1, s1;
	s3 =	sshll.u32 s3, $0x4;
	[smem:$0x7FF] =	sst s2  }
0xa: {  	s7 =	sadd.s32 $0x74B00, s0;
	s8 =	sadd.s32 $0x74C00, s0;
	s4 =	sshll.u32 s1, $0x3  }
0xb: {  	_ =	strace $0x8000004D;
	s1 =	ssub.s32 $0x2, s1;
	[dreg:$0x4] =	wrdreg s26  }
0xc: {  	s26 =	simm.s32 $0x6100;
	s3 =	sor.u32 s4, s3;
	s6 =	sshrl.u32 s1, $0x1  }
0xd: {  	s4 =	sadd.s32 s3, s0;
	s3 =	sadd.s32 $0x44200, s0;
	s1 =	ssub.s32 s1, s6  }
0xe: {  	v2 =	vlaneseq.u32;
	s6 =	sadd.s32 $0x44400, s0;
	s5 =	sadd.s32 $0x74200, s4;
	s25 =	sadd.s32 $0x74600, s4  }
0xf: {  	vm0 =	vmmov $0xffff;
	v1 =	vshrl.u32 v2, $0x3;
	s4 =	sadd.s32 $0x74A00, s0;
	s9 =	smax.u32 s1, $0x1;
	[dreg:$0x2] =	wrdreg s5  }
0x10: {  	v0 =	vand.u32 $0x7, v2;
	v2 =	vor.u32 $0x8, v2;
	v1 =	vmul.u32 $0x8, v1;
	[dreg:$0x3] =	wrdreg s25;
	s5 =	sadd.s32 $0x44300, s0;
	s25 =	simm.s32 $0x5900  }
.LBB2_1:
0x11: {  	s14 =	rddreg [dreg:$0x2];
	s0 =	simm.s32 $0x2  }
0x12: {  	[tilespmem:s2], [sflag:$0x2] =	stream.linear.gather [hbm4b:s14+s2], $0x40, $0x38;
	[tilespmem:$0xC100] =	vst v63  }
0x13: {  	_ =	swait.ge [sflag:s0], $0x40  }
0x14: {  	s1 =	rddreg [dreg:$0x3];
	[sflag:s0] =	ssyncset.done $0x0  }
0x15: {  	s15 =	rddreg [dreg:$0x4];
	[sflag:s0] =	ssyncadd.s32 $0xFFFFFFC0  }
0x16: {  	[tilespmem:s15], [sflag:$0x2] =	stream.linear.gather [hbm4b:s1+s2], $0x40, $0x38;
	[tilespmem:$0xC100] =	vst v63  }
0x17: {  	_ =	swait.ge [sflag:s0], $0x40  }
0x18: {  	[sflag:s0] =	ssyncset.done $0x0  }
0x19: {  	[sflag:s0] =	ssyncadd.s32 $0xFFFFFFC0  }
0x1a: {  	v3 =	vld [tilespmem:$0x0];
	_ =	sdelay $0x4  }
0x1b: {  	v4 =	vshrl.u32 v3, $0x3  }
0x1c: {  	v4 =	vmul.u32 $0x30, v4  }
0x1d: {  	v3 =	vand.u32 $0x7, v3  }
0x1e: {  	v3 =	vor.u32 v3, v4  }
0x1f: {  	v4 =	vperm.xlane v3, v0;
	_ =	sdelay $0x1  }
0x20: {  	v4 =	vadd.s32 v1, v4;
	_ =	sdelay $0x3  }
0x21: {  	s14 =	simm.s32 $0x100;
	v3 =	vperm.xlane v3, v2  }
0x22: {  	[tilespmem:s14], [sflag:$0x1] =	stream.indirect_vreg.gather [hbm4b:s3+s2], $0x80, v4, vm0, $0xb8;
	[tilespmem:$0xC100] =	vst v63  }
0x23: {  	s15 =	simm.s32 $0x900;
	v3 =	vadd.s32 v1, v3  }
0x24: {  	[tilespmem:s15], [sflag:$0x1] =	stream.indirect_vreg.gather [hbm4b:s5+s2], $0x80, v4, vm0, $0xb8;
	[tilespmem:$0xC100] =	vst v63  }
0x25: {  	_ = 	snop  }
0x26: {  	[tilespmem:s16], [sflag:$0x1] =	stream.indirect_vreg.gather [hbm4b:s6+s2], $0x80, v4, vm0, $0xb8;
	[tilespmem:$0xC100] =	vst v63  }
0x27: {  	_ = 	snop  }
0x28: {  	[tilespmem:s17], [sflag:$0x1] =	stream.indirect_vreg.gather [hbm4b:s3+s2], $0x80, v3, vm0, $0xb8;
	[tilespmem:$0xC100] =	vst v63  }
0x29: {  	_ = 	snop  }
0x2a: {  	[tilespmem:s18], [sflag:$0x1] =	stream.indirect_vreg.gather [hbm4b:s5+s2], $0x80, v3, vm0, $0xb8;
	[tilespmem:$0xC100] =	vst v63  }
0x2b: {  	_ = 	snop  }
0x2c: {  	[tilespmem:s19], [sflag:$0x1] =	stream.indirect_vreg.gather [hbm4b:s6+s2], $0x80, v3, vm0, $0xb8;
	[tilespmem:$0xC100] =	vst v63  }
0x2d: {  	v3 =	vld [tilespmem:$0x10];
	_ =	sdelay $0x4  }
0x2e: {  	v57 =	vshrl.u32 v3, $0x3  }
0x2f: {  	v4 =	vmul.u32 $0x30, v57  }
0x30: {  	v3 =	vand.u32 $0x7, v3  }
0x31: {  	v3 =	vor.u32 v3, v4  }
0x32: {  	v4 =	vperm.xlane v3, v0;
	_ =	sdelay $0x1  }
0x33: {  	v4 =	vadd.s32 v1, v4;
	_ =	sdelay $0x3  }
0x34: {  	v3 =	vperm.xlane v3, v2  }
0x35: {  	[tilespmem:s20], [sflag:$0x1] =	stream.indirect_vreg.gather [hbm4b:s3+s2], $0x80, v4, vm0, $0xb8;
	[tilespmem:$0xC100] =	vst v63  }
0x36: {  	v3 =	vadd.s32 v1, v3  }
0x37: {  	[tilespmem:s21], [sflag:$0x1] =	stream.indirect_vreg.gather [hbm4b:s5+s2], $0x80, v4, vm0, $0xb8;
	[tilespmem:$0xC100] =	vst v63  }
0x38: {  	_ = 	snop  }
0x39: {  	[tilespmem:s22], [sflag:$0x1] =	stream.indirect_vreg.gather [hbm4b:s6+s2], $0x80, v4, vm0, $0xb8;
	[tilespmem:$0xC100] =	vst v63  }
0x3a: {  	_ = 	snop  }
0x3b: {  	[tilespmem:s23], [sflag:$0x1] =	stream.indirect_vreg.gather [hbm4b:s3+s2], $0x80, v3, vm0, $0xb8;
	[tilespmem:$0xC100] =	vst v63  }
0x3c: {  	_ = 	snop  }
0x3d: {  	[tilespmem:s24], [sflag:$0x1] =	stream.indirect_vreg.gather [hbm4b:s5+s2], $0x80, v3, vm0, $0xb8;
	[tilespmem:$0xC100] =	vst v63  }
0x3e: {  	_ = 	snop  }
0x3f: {  	[tilespmem:s25], [sflag:$0x1] =	stream.indirect_vreg.gather [hbm4b:s6+s2], $0x80, v3, vm0, $0xb8;
	[tilespmem:$0xC100] =	vst v63  }
0x40: {  	v3 =	vld [tilespmem:$0x20];
	_ =	sdelay $0x4  }
0x41: {  	v58 =	vshrl.u32 v3, $0x3  }
0x42: {  	v4 =	vmul.u32 $0x30, v58  }
0x43: {  	v3 =	vand.u32 $0x7, v3  }
0x44: {  	v3 =	vor.u32 v3, v4  }
0x45: {  	v4 =	vperm.xlane v3, v0;
	_ =	sdelay $0x1  }
0x46: {  	v4 =	vadd.s32 v1, v4;
	_ =	sdelay $0x3  }
0x47: {  	v3 =	vperm.xlane v3, v2  }
0x48: {  	[tilespmem:s26], [sflag:$0x1] =	stream.indirect_vreg.gather [hbm4b:s3+s2], $0x80, v4, vm0, $0xb8;
	[tilespmem:$0xC100] =	vst v63  }
0x49: {  	v3 =	vadd.s32 v1, v3  }
0x4a: {  	[tilespmem:s28], [sflag:$0x1] =	stream.indirect_vreg.gather [hbm4b:s5+s2], $0x80, v4, vm0, $0xb8;
	[tilespmem:$0xC100] =	vst v63  }
0x4b: {  	_ = 	snop  }
0x4c: {  	[tilespmem:s29], [sflag:$0x1] =	stream.indirect_vreg.gather [hbm4b:s6+s2], $0x80, v4, vm0, $0xb8;
	[tilespmem:$0xC100] =	vst v63  }
0x4d: {  	_ = 	snop  }
0x4e: {  	[tilespmem:s30], [sflag:$0x1] =	stream.indirect_vreg.gather [hbm4b:s3+s2], $0x80, v3, vm0, $0xb8;
	[tilespmem:$0xC100] =	vst v63  }
0x4f: {  	_ = 	snop  }
0x50: {  	[tilespmem:s31], [sflag:$0x1] =	stream.indirect_vreg.gather [hbm4b:s5+s2], $0x80, v3, vm0, $0xb8;
	[tilespmem:$0xC100] =	vst v63  }
0x51: {  	s1 =	simm.s32 $0x8900  }
0x52: {  	[tilespmem:s1], [sflag:$0x1] =	stream.indirect_vreg.gather [hbm4b:s6+s2], $0x80, v3, vm0, $0xb8;
	[tilespmem:$0xC100] =	vst v63  }
0x53: {  	v3 =	vld [tilespmem:$0x30];
	_ =	sdelay $0x4  }
0x54: {  	v59 =	vshrl.u32 v3, $0x3  }
0x55: {  	v4 =	vmul.u32 $0x30, v59  }
0x56: {  	v3 =	vand.u32 $0x7, v3  }
0x57: {  	v3 =	vor.u32 v3, v4  }
0x58: {  	v4 =	vperm.xlane v3, v0;
	_ =	sdelay $0x1  }
0x59: {  	v4 =	vadd.s32 v1, v4;
	_ =	sdelay $0x3  }
0x5a: {  	s1 =	simm.s32 $0x9100;
	v3 =	vperm.xlane v3, v2  }
0x5b: {  	[tilespmem:s1], [sflag:$0x1] =	stream.indirect_vreg.gather [hbm4b:s3+s2], $0x80, v4, vm0, $0xb8;
	[tilespmem:$0xC100] =	vst v63  }
0x5c: {  	v3 =	vadd.s32 v1, v3  }
0x5d: {  	[tilespmem:s11], [sflag:$0x1] =	stream.indirect_vreg.gather [hbm4b:s5+s2], $0x80, v4, vm0, $0xb8;
	[tilespmem:$0xC100] =	vst v63  }
0x5e: {  	_ = 	snop  }
0x5f: {  	[tilespmem:s12], [sflag:$0x1] =	stream.indirect_vreg.gather [hbm4b:s6+s2], $0x80, v4, vm0, $0xb8;
	[tilespmem:$0xC100] =	vst v63  }
0x60: {  	_ = 	snop  }
0x61: {  	[tilespmem:s10], [sflag:$0x1] =	stream.indirect_vreg.gather [hbm4b:s3+s2], $0x80, v3, vm0, $0xb8;
	[tilespmem:$0xC100] =	vst v63  }
0x62: {  	s0 =	simm.s32 $0xB100  }
0x63: {  	[tilespmem:s0], [sflag:$0x1] =	stream.indirect_vreg.gather [hbm4b:s5+s2], $0x80, v3, vm0, $0xb8;
	[tilespmem:$0xC100] =	vst v63  }
0x64: {  	s0 =	simm.s32 $0xB900  }
0x65: {  	[tilespmem:s0], [sflag:$0x1] =	stream.indirect_vreg.gather [hbm4b:s6+s2], $0x80, v3, vm0, $0xb8;
	[tilespmem:$0xC100] =	vst v63  }
0x66: {  	_ =	swait.ge [sflag:s13], $0xC000  }
0x67: {  	[sflag:s13] =	ssyncset.done $0x0  }
0x68: {  	[sflag:s13] =	ssyncadd.s32 $0xFFFF4000  }
0x69: {  	v3 =	vld [tilespmem:$0x80];
	_ =	sdelay $0x4  }
0x6a: {  	v60 =	vshrl.u32 v3, $0x3  }
0x6b: {  	v4 =	vmul.u32 $0x30, v60  }
0x6c: {  	v3 =	vand.u32 $0x7, v3  }
0x6d: {  	v3 =	vor.u32 v3, v4  }
0x6e: {  	v4 =	vperm.xlane v3, v0;
	_ =	sdelay $0x1  }
0x6f: {  	v4 =	vadd.s32 v1, v4;
	_ =	sdelay $0x3  }
0x70: {  	v3 =	vperm.xlane v3, v2  }
0x71: {  	[hbm4b:s4+s2] =	stream.indirect_vreg.scatter [tilespmem:s14], [sflag:$0x1], $0x80, v4, vm0, $0xb8;
	[tilespmem:$0xC100] =	vst v63  }
0x72: {  	v3 =	vadd.s32 v1, v3  }
0x73: {  	[hbm4b:s7+s2] =	stream.indirect_vreg.scatter [tilespmem:s15], [sflag:$0x1], $0x80, v4, vm0, $0xb8;
	[tilespmem:$0xC100] =	vst v63  }
0x74: {  	_ = 	snop  }
0x75: {  	[hbm4b:s8+s2] =	stream.indirect_vreg.scatter [tilespmem:s16], [sflag:$0x1], $0x80, v4, vm0, $0xb8;
	[tilespmem:$0xC100] =	vst v63  }
0x76: {  	_ = 	snop  }
0x77: {  	[hbm4b:s4+s2] =	stream.indirect_vreg.scatter [tilespmem:s17], [sflag:$0x1], $0x80, v3, vm0, $0xb8;
	[tilespmem:$0xC100] =	vst v63  }
0x78: {  	_ = 	snop  }
0x79: {  	[hbm4b:s7+s2] =	stream.indirect_vreg.scatter [tilespmem:s18], [sflag:$0x1], $0x80, v3, vm0, $0xb8;
	[tilespmem:$0xC100] =	vst v63  }
0x7a: {  	_ = 	snop  }
0x7b: {  	[hbm4b:s8+s2] =	stream.indirect_vreg.scatter [tilespmem:s19], [sflag:$0x1], $0x80, v3, vm0, $0xb8;
	[tilespmem:$0xC100] =	vst v63  }
0x7c: {  	v3 =	vld [tilespmem:$0x90];
	_ =	sdelay $0x4  }
0x7d: {  	v61 =	vshrl.u32 v3, $0x3  }
0x7e: {  	v4 =	vmul.u32 $0x30, v61  }
0x7f: {  	v3 =	vand.u32 $0x7, v3  }
0x80: {  	v3 =	vor.u32 v3, v4  }
0x81: {  	v4 =	vperm.xlane v3, v0;
	_ =	sdelay $0x1  }
0x82: {  	v4 =	vadd.s32 v1, v4;
	_ =	sdelay $0x3  }
0x83: {  	v3 =	vperm.xlane v3, v2  }
0x84: {  	[hbm4b:s4+s2] =	stream.indirect_vreg.scatter [tilespmem:s20], [sflag:$0x1], $0x80, v4, vm0, $0xb8;
	[tilespmem:$0xC100] =	vst v63  }
0x85: {  	v3 =	vadd.s32 v1, v3  }
0x86: {  	[hbm4b:s7+s2] =	stream.indirect_vreg.scatter [tilespmem:s21], [sflag:$0x1], $0x80, v4, vm0, $0xb8;
	[tilespmem:$0xC100] =	vst v63  }
0x87: {  	_ = 	snop  }
0x88: {  	[hbm4b:s8+s2] =	stream.indirect_vreg.scatter [tilespmem:s22], [sflag:$0x1], $0x80, v4, vm0, $0xb8;
	[tilespmem:$0xC100] =	vst v63  }
0x89: {  	_ = 	snop  }
0x8a: {  	[hbm4b:s4+s2] =	stream.indirect_vreg.scatter [tilespmem:s23], [sflag:$0x1], $0x80, v3, vm0, $0xb8;
	[tilespmem:$0xC100] =	vst v63  }
0x8b: {  	_ = 	snop  }
0x8c: {  	[hbm4b:s7+s2] =	stream.indirect_vreg.scatter [tilespmem:s24], [sflag:$0x1], $0x80, v3, vm0, $0xb8;
	[tilespmem:$0xC100] =	vst v63  }
0x8d: {  	_ = 	snop  }
0x8e: {  	[hbm4b:s8+s2] =	stream.indirect_vreg.scatter [tilespmem:s25], [sflag:$0x1], $0x80, v3, vm0, $0xb8;
	[tilespmem:$0xC100] =	vst v63  }
0x8f: {  	v3 =	vld [tilespmem:$0xA0];
	_ =	sdelay $0x4  }
0x90: {  	v62 =	vshrl.u32 v3, $0x3  }
0x91: {  	v4 =	vmul.u32 $0x30, v62  }
0x92: {  	v3 =	vand.u32 $0x7, v3  }
0x93: {  	v3 =	vor.u32 v3, v4  }
0x94: {  	v4 =	vperm.xlane v3, v0;
	_ =	sdelay $0x1  }
0x95: {  	v4 =	vadd.s32 v1, v4;
	_ =	sdelay $0x3  }
0x96: {  	v3 =	vperm.xlane v3, v2  }
0x97: {  	[hbm4b:s4+s2] =	stream.indirect_vreg.scatter [tilespmem:s26], [sflag:$0x1], $0x80, v4, vm0, $0xb8;
	[tilespmem:$0xC100] =	vst v63  }
0x98: {  	v3 =	vadd.s32 v1, v3  }
0x99: {  	[hbm4b:s7+s2] =	stream.indirect_vreg.scatter [tilespmem:s28], [sflag:$0x1], $0x80, v4, vm0, $0xb8;
	[tilespmem:$0xC100] =	vst v63  }
0x9a: {  	_ = 	snop  }
0x9b: {  	[hbm4b:s8+s2] =	stream.indirect_vreg.scatter [tilespmem:s29], [sflag:$0x1], $0x80, v4, vm0, $0xb8;
	[tilespmem:$0xC100] =	vst v63  }
0x9c: {  	_ = 	snop  }
0x9d: {  	[hbm4b:s4+s2] =	stream.indirect_vreg.scatter [tilespmem:s30], [sflag:$0x1], $0x80, v3, vm0, $0xb8;
	[tilespmem:$0xC100] =	vst v63  }
0x9e: {  	_ = 	snop  }
0x9f: {  	[hbm4b:s7+s2] =	stream.indirect_vreg.scatter [tilespmem:s31], [sflag:$0x1], $0x80, v3, vm0, $0xb8;
	[tilespmem:$0xC100] =	vst v63  }
0xa0: {  	s15 =	simm.s32 $0x8900  }
0xa1: {  	[hbm4b:s8+s2] =	stream.indirect_vreg.scatter [tilespmem:s15], [sflag:$0x1], $0x80, v3, vm0, $0xb8;
	[tilespmem:$0xC100] =	vst v63  }
0xa2: {  	v3 =	vld [tilespmem:$0xB0];
	_ =	sdelay $0x4  }
0xa3: {  	v63 =	vshrl.u32 v3, $0x3  }
0xa4: {  	v4 =	vmul.u32 $0x30, v63  }
0xa5: {  	v3 =	vand.u32 $0x7, v3  }
0xa6: {  	v3 =	vor.u32 v3, v4  }
0xa7: {  	v4 =	vperm.xlane v3, v0;
	_ =	sdelay $0x1  }
0xa8: {  	v4 =	vadd.s32 v1, v4;
	_ =	sdelay $0x3  }
0xa9: {  	v3 =	vperm.xlane v3, v2  }
0xaa: {  	[hbm4b:s4+s2] =	stream.indirect_vreg.scatter [tilespmem:s1], [sflag:$0x1], $0x80, v4, vm0, $0xb8;
	[tilespmem:$0xC100] =	vst v63  }
0xab: {  	v3 =	vadd.s32 v1, v3  }
0xac: {  	[hbm4b:s7+s2] =	stream.indirect_vreg.scatter [tilespmem:s11], [sflag:$0x1], $0x80, v4, vm0, $0xb8;
	[tilespmem:$0xC100] =	vst v63  }
0xad: {  	_ = 	snop  }
0xae: {  	[hbm4b:s8+s2] =	stream.indirect_vreg.scatter [tilespmem:s12], [sflag:$0x1], $0x80, v4, vm0, $0xb8;
	[tilespmem:$0xC100] =	vst v63  }
0xaf: {  	_ = 	snop  }
0xb0: {  	[hbm4b:s4+s2] =	stream.indirect_vreg.scatter [tilespmem:s10], [sflag:$0x1], $0x80, v3, vm0, $0xb8;
	[tilespmem:$0xC100] =	vst v63  }
0xb1: {  	p0 =	sne.s32 s9, $0x1;
	s15 =	simm.s32 $0xB100  }
0xb2: {  	[hbm4b:s7+s2] =	stream.indirect_vreg.scatter [tilespmem:s15], [sflag:$0x1], $0x80, v3, vm0, $0xb8;
	[tilespmem:$0xC100] =	vst v63  }
.Ltmp0:
0xb3: {  	s0 =	simm.s32 $0xB900;
	(pc) =	sbr.rel @p0 .LBB2_1-.Ltmp0, $4  }
0xb4: {  	[hbm4b:s8+s2] =	stream.indirect_vreg.scatter [tilespmem:s0], [sflag:$0x1], $0x80, v3, vm0, $0xb8;
	[tilespmem:$0xC100] =	vst v63  }
0xb5: {  	_ =	swait.ge [sflag:s13], $0xC000  }
0xb6: {  	[sflag:s13] =	ssyncset.done $0x0  }
0xb7: {  	s9 =	sadd.s32 $0xFFFFFFFF, s9;
	[sflag:s13] =	ssyncadd.s32 $0xFFFF4000  }
0xb8: {  	_ =	sfence.sel $0x180000  }
0xb9: {  	[bflag:$0x0] =	sbarrier.arrive $0xFFFF  }
0xba: {  	_ =	strace $0x9000004D  }
0xbb: {  	s0 =	stileid.u32;
	[bflag:$0x2] =	sbarrier.arrive $0xFFFF  }
0xbc: {  	p0 =	sne.s32 s0, $0x0;
	s0 =	rddreg [dreg:$0x1]  }
0xbd: {  	s0 =	sadd.s32 @!p0 $0x100000, s0  }
0xbe: {  	[sflag:s0] =	ssyncadd.tile.s32 @!p0 $0x1;
	_ =	shalt  }
.Lfunc_end2:
_tile_overlayer_lowered:
.L_overlay_start_2:
0xbf: {  	(tag) =	ssettag $0x2  }
0xc0: {  	s0 =	rddreg [dreg:$0x0];
	s2 =	stileid.u32  }
0xc1: {  	s1 =	rddreg [dreg:$0x1];
	p0 =	sne.s32 s2, $0x0  }
0xc2: {  	s3 =	rddreg [dreg:$0x2];
	[bflag:$0x3] =	sbarrier.arrive $0xFFFF;
	s2 =	simm.s32 @!p0 $0x1C02  }
0xc3: {  	[timem:s3], [sflag:s2] =	dma.local @!p0 [hbm:s0], s1  }
0xc4: {  	s0 =	simm.s32 @!p0 $0x2  }
0xc5: {  	_ =	swait.ge @!p0 [sflag:s0], s1  }
0xc6: {  	s1 =	ssub.s32 @!p0 $0x0, s1;
	[sflag:s0] =	ssyncset.done @!p0 $0x0  }
0xc7: {  	[sflag:s0] =	ssyncadd.s32 @!p0 s1  }
0xc8: {  	[bflag:$0x3] =	sbarrier.arrive $0xFFFF  }
0xc9: {  	_ =	shalt  }

// kernel: kernel.26.cloned.1.call-start
scs
__scs_entry_jumppad:
0x0: {  	(pc) =	sbr.rel $0x88, $3  }
0x1: {  	(tag) =	ssettag $0x0;
	lr =	simm.s32 $0x1  }
0x2: {  	[smem:$0x3F95] =	sst lr;
	_ =	strace $0xD0000000  }
0x3: {  	_ = 	snop  }
0x4: {  	_ = 	snop  }
0x5: {  	_ = 	snop  }
0x6: {  	_ = 	snop  }
0x7: {  	_ = 	snop  }
__scs_overlays_trampoline_lowered:
0x8: {  	[smem:$0x3FA4] =	sst s0  }
0x9: {  	[smem:$0x3FA5] =	sst s1  }
0xa: {  	[smem:$0x3FA6] =	sst s2  }
0xb: {  	[smem:$0x3FA7] =	sst s3  }
0xc: {  	[smem:$0x3FA8] =	sst s4  }
0xd: {  	[smem:$0x3FA9] =	sst s5  }
0xe: {  	[smem:$0x3FAA] =	sst s6  }
0xf: {  	[smem:$0x3FAB] =	sst s7  }
0x10: {  	[smem:$0x3FAC] =	sst s8  }
0x11: {  	[smem:$0x3FAD] =	sst s9;
	s0 =	simm.s32 @!p0 $0x0  }
0x12: {  	s1 =	sld [smem:$0x3F93];
	s0 =	simm.s32 @p0 $0x1  }
0x13: {  	[smem:$0x3FAE] =	sst s0;
	s0 =	simm.s32 @!p1 $0x0  }
0x14: {  	s2 =	sld [smem:$0x3F92];
	s0 =	simm.s32 @p1 $0x1  }
0x15: {  	[smem:$0x3FAF] =	sst s0;
	s0 =	simm.s32 @!p2 $0x0  }
0x16: {  	s3 =	sld [smem:$0x3FDB];
	s0 =	simm.s32 @p2 $0x1  }
0x17: {  	s4 =	simm.s32 $0x1BF5;
	[smem:$0x3FB1] =	sst s0  }
0x18: {  	s0 =	sld [smem:$0x3F94];
	_ =	swait.ge [sflag:s4], $0x0  }
0x19: {  	s7 =	sld [smem:$0x3F95]  }
0x1a: {  	s8 =	sadd.s32 $0xFFFFE003, lr  }
0x1b: {  	s9 =	sadd.s32 $0xFFFFFEF7, lr;
	s5 =	simm.s32 $0xFFFFFFFF;
	p2 =	slt.u32 s8, $0xFFFFF086  }
0x1c: {  	p1 =	slt.u32 s9, $0xF7A;
	s5 =	simm.s32 @!p2 $0x0  }
0x1d: {  	s5 =	simm.s32 @p1 $0x1;
	p0 =	seq.s32 s7, s2  }
0x1e: {  	s7 =	smul.u32 @!p0 $0xF7A, s2;
	p2 =	seq.s32 @!p0 s5, $0x0  }
0x1f: {  	s9 =	smul.u32 $0xF7A, s1;
	s8 =	simm.s32 @!p0 $0x1BF5;
	p2 =	por !p2, p0  }
0x20: {  	[sflag:s8] =	ssyncset.s32 @!p0 $0xFFFFF086;
	s6 =	sadd.s32 @!p0 s3, s7;
	s7 =	simm.s32 @!p0 $0x108  }
0x21: {  	s3 =	sadd.s32 s3, s9;
	s6 =	sadd.s32 @!p0 $0x88, s6;
	s7 =	simm.s32 @p2 $0x1082  }
0x22: {  	[simem:s7], [sflag:s8] =	dma.local @!p0 [hbm:s6], $0xF7A  }
0x23: {  	s9 =	sor.u32 $0xD0000000, s2;
	s6 =	simm.s32 $0x108;
	_ =	swait.ge @!p0 [sflag:s8], $0x0  }
0x24: {  	s3 =	sadd.s32 $0x88, s3;
	s6 =	simm.s32 @!p1 $0x1082;
	[sflag:s4] =	ssyncset.s32 $0xFFFFF086  }
0x25: {  	[simem:s6], [sflag:s4] =	dma.local [hbm:s3], $0xF7A  }
0x26: {  	[smem:$0x3F95] =	sst s1;
	(tag) =	ssettag s2;
	_ =	strace s9  }
0x27: {  	s1 =	sld [smem:$0x3FA5]  }
0x28: {  	s2 =	sld [smem:$0x3FA6]  }
0x29: {  	s4 =	sld [smem:$0x3FA8]  }
0x2a: {  	p0 =	seq.s32 s5, $0x0;
	s5 =	sld [smem:$0x3FA9]  }
0x2b: {  	s6 =	sld [smem:$0x3FAA]  }
0x2c: {  	s7 =	sld [smem:$0x3FAB]  }
0x2d: {  	s3 =	simm.s32 $0x108;
	s8 =	sld [smem:$0x3FAC]  }
0x2e: {  	s3 =	simm.s32 @!p0 $0x1082;
	s9 =	sld [smem:$0x3FAD]  }
0x2f: {  	lr =	sadd.s32 s0, s3;
	s0 =	sld [smem:$0x3FA4]  }
0x30: {  	s3 =	sld [smem:$0x3FA7]  }
0x31: {  	[smem:$0x3FB0] =	sst s10  }
0x32: {  	s10 =	sld [smem:$0x3FAE];
	_ =	sdelay $0x3  }
0x33: {  	p0 =	seq.s32 s10, $0x1;
	s10 =	sld [smem:$0x3FB0];
	_ =	sdelay $0x3  }
0x34: {  	[smem:$0x3FB0] =	sst s10  }
0x35: {  	s10 =	sld [smem:$0x3FAF];
	_ =	sdelay $0x3  }
0x36: {  	p1 =	seq.s32 s10, $0x1;
	s10 =	sld [smem:$0x3FB0];
	_ =	sdelay $0x3  }
0x37: {  	[smem:$0x3FB0] =	sst s10  }
0x38: {  	s10 =	sld [smem:$0x3FB1]  }
0x39: {  	_ = 	snop;
	(pc) =	sbr.ind lr, $3  }
0x3a: {  	_ = 	snop  }
0x3b: {  	_ = 	snop  }
0x3c: {  	p2 =	seq.s32 s10, $0x1;
	s10 =	sld [smem:$0x3FB0]  }
0x3d: {  	_ =	shalt  }
0x3e: {  	_ =	shalt  }
0x3f: {  	_ =	shalt  }
0x40: {  	_ =	shalt  }
0x41: {  	_ =	shalt  }
0x42: {  	_ =	shalt  }
0x43: {  	_ =	shalt  }
0x44: {  	_ =	shalt  }
0x45: {  	_ =	shalt  }
0x46: {  	_ =	shalt  }
0x47: {  	_ =	shalt  }
0x48: {  	_ =	shalt  }
0x49: {  	_ =	shalt  }
0x4a: {  	_ =	shalt  }
0x4b: {  	_ =	shalt  }
0x4c: {  	_ =	shalt  }
0x4d: {  	_ =	shalt  }
0x4e: {  	_ =	shalt  }
0x4f: {  	_ =	shalt  }
0x50: {  	_ =	shalt  }
0x51: {  	_ =	shalt  }
0x52: {  	_ =	shalt  }
0x53: {  	_ =	shalt  }
0x54: {  	_ =	shalt  }
0x55: {  	_ =	shalt  }
0x56: {  	_ =	shalt  }
0x57: {  	_ =	shalt  }
0x58: {  	_ =	shalt  }
0x59: {  	_ =	shalt  }
0x5a: {  	_ =	shalt  }
0x5b: {  	_ =	shalt  }
0x5c: {  	_ =	shalt  }
0x5d: {  	_ =	shalt  }
0x5e: {  	_ =	shalt  }
0x5f: {  	_ =	shalt  }
0x60: {  	_ =	shalt  }
0x61: {  	_ =	shalt  }
0x62: {  	_ =	shalt  }
0x63: {  	_ =	shalt  }
0x64: {  	_ =	shalt  }
0x65: {  	_ =	shalt  }
0x66: {  	_ =	shalt  }
0x67: {  	_ =	shalt  }
0x68: {  	_ =	shalt  }
0x69: {  	_ =	shalt  }
0x6a: {  	_ =	shalt  }
0x6b: {  	_ =	shalt  }
0x6c: {  	_ =	shalt  }
0x6d: {  	_ =	shalt  }
0x6e: {  	_ =	shalt  }
0x6f: {  	_ =	shalt  }
0x70: {  	_ =	shalt  }
0x71: {  	_ =	shalt  }
0x72: {  	_ =	shalt  }
0x73: {  	_ =	shalt  }
0x74: {  	_ =	shalt  }
0x75: {  	_ =	shalt  }
0x76: {  	_ =	shalt  }
0x77: {  	_ =	shalt  }
0x78: {  	_ =	shalt  }
0x79: {  	_ =	shalt  }
0x7a: {  	_ =	shalt  }
0x7b: {  	_ =	shalt  }
0x7c: {  	_ =	shalt  }
0x7d: {  	_ =	shalt  }
0x7e: {  	_ =	shalt  }
0x7f: {  	_ =	shalt  }
0x80: {  	_ =	shalt  }
0x81: {  	_ =	shalt  }
0x82: {  	_ =	shalt  }
0x83: {  	_ =	shalt  }
0x84: {  	_ =	shalt  }
0x85: {  	_ =	shalt  }
0x86: {  	_ =	shalt  }
0x87: {  	_ =	shalt  }
.Lfunc_end0:
.L_simem_size_0:
called_computation.4_lowered:
.L_overlay_start_0:
0x88: {  	s2 =	sld [smem:$0x3FD9]  }
0x89: {  	s3 =	sld [smem:$0x3FFE];
	_ =	sdelay $0x1  }
0x8a: {  	s1 =	srdreg.scid  }
0x8b: {  	s0 =	sand.u32 $0x1, s1  }
0x8c: {  	s17 =	sshll.u32 s0, $0xA;
	s2 =	sadd.s32 s3, s2  }
0x8d: {  	s2 =	sadd.s32 s2, s17  }
0x8e: {  	[smem:$0x3FBC] =	sst s2  }
0x8f: {  	_ = 	snop  }
0x90: {  	s18 =	sld [smem:$0x3FD0];
	(tm) =	ssettm $0x1  }
0x91: {  	s19 =	sld [smem:$0x3FFB];
	_ =	sdelay $0x3  }
0x92: {  	_ =	strace s19  }
0x93: {  	s2 =	sld [smem:$0x3FFC];
	_ =	sdelay $0x3  }
0x94: {  	_ =	strace s2  }
0x95: {  	s2 =	sld [smem:$0x3FFD];
	_ =	sdelay $0x3  }
0x96: {  	_ =	strace s2  }
0x97: {  	_ =	strace $0x8FFFFFFF  }
0x98: {  	s20 =	sld [smem:$0x3FDB];
	_ =	sdelay $0x1  }
0x99: {  	s4 =	simm.s32 $_scs_section_size  }
0x9a: {  	s5 =	simm.s32 $_size__tile_overlayer_lowered;
	s6 =	simm.s32 $_tile_overlayer_lowered  }
0x9b: {  	s7 =	simm.s32 $0x1BFF;
	s21 =	sshll.u32 s6, $0x1;
	s4 =	sadd.s32 s4, s20  }
0x9c: {  	s22 =	simm.s32 $0x0;
	s5 =	sshll.u32 s5, $0x1;
	s6 =	sadd.s32 s21, s4  }
0x9d: {  	[timem:s22], [sflag:s7] =	dma.local [hbm:s6], s5  }
0x9e: {  	_ =	swait.ge [sflag:s7], s5  }
0x9f: {  	s5 =	ssub.s32 $0x0, s5;
	[sflag:s7] =	ssyncset.done $0x0  }
0xa0: {  	[sflag:s7] =	ssyncadd.s32 s5;
	_ =	sdelay $0x1  }
0xa1: {  	s23 =	simm.s32 $0x1B8B  }
0xa2: {  	_ =	swait.ge [sflag:s23], $0x1  }
0xa3: {  	[sflag:s23] =	ssyncset.done $0x0  }
0xa4: {  	[sflag:s23] =	ssyncadd.s32 $0xFFFFFFFF  }
0xa5: {  	s5 =	sld [smem:$0x0]  }
0xa6: {  	s6 =	sand.u32 $0xFFFFFFFE, s1  }
0xa7: {  	p0 =	sne.s32 s1, s6  }
0xa8: {  	s6 =	sshll.u32 @p0 s6, $0xE  }
0xa9: {  	s6 =	sadd.s32 @p0 $0x11B8D, s6;
	s7 =	sshll.u32 @p0 s5, $0x11  }
0xaa: {  	s6 =	sor.u32 @p0 s7, s6  }
0xab: {  	[sflag:s6] =	ssyncadd.remote.s32 @p0 $0x1;
	_ =	sdelay $0x1  }
0xac: {  	s6 =	simm.s32 @p0 $0x1B8D  }
0xad: {  	_ =	swait.eq @p0 [sflag:s6], $0x1  }
0xae: {  	[sflag:s6] =	ssyncadd.s32 @p0 $0xFFFFFFFF  }
0xaf: {  	s7 =	sshll.u32 @!p0 s1, $0xE  }
0xb0: {  	s7 =	sor.u32 @!p0 $0x4000, s7;
	s6 =	simm.s32 @!p0 $0x1B8D  }
0xb1: {  	s5 =	sshll.u32 @!p0 s5, $0x11;
	s7 =	sadd.s32 @!p0 $0x11B8D, s7;
	_ =	swait.eq @!p0 [sflag:s6], $0x1  }
0xb2: {  	s5 =	sor.u32 @!p0 s5, s7;
	[sflag:s6] =	ssyncadd.s32 @!p0 $0xFFFFFFFF  }
0xb3: {  	s25 =	simm.s32 $0x1B8E;
	s24 =	sld [smem:$0x3FFE];
	[sflag:s5] =	ssyncadd.remote.s32 @!p0 $0x1  }
0xb4: {  	s26 =	simm.s32 $execute0_lowered;
	[smem:$0x3FD2] =	sst s25  }
0xb5: {  	s6 =	sshll.u32 s26, $0x1;
	_ =	strace $0x80000055;
	[dreg:$0x1] =	wrdreg $0xFFFFFFFF  }
0xb6: {  	s28 =	simm.s32 $_size_execute0_lowered;
	s4 =	sadd.s32 s4, s6;
	[dreg:$0x0] =	wrdreg $0x0  }
0xb7: {  	s6 =	sshll.u32 s28, $0x1;
	[dreg:$0x2] =	wrdreg s4  }
0xb8: {  	[dreg:$0x3] =	wrdreg s6  }
0xb9: {  	[dreg:$0x4] =	wrdreg $0xC0  }
0xba: {  	_ =	task [dreg:s22], $0x5FFFF  }
0xbb: {  	[dreg:$0x1] =	wrdreg $0xFFFFFFFF  }
0xbc: {  	[dreg:$0x0] =	wrdreg $0x60  }
0xbd: {  	[dreg:$0x2] =	wrdreg s18  }
0xbe: {  	[dreg:$0x3] =	wrdreg s24  }
0xbf: {  	[dreg:$0x4] =	wrdreg $0x9  }
0xc0: {  	_ =	task.clear_ibuf [dreg:s22], $0x5FFFF;
	_ =	strace $0x90000055  }
0xc1: {  	s29 =	simm.s32 $0x9;
	_ =	strace $0x80000057  }
0xc2: {  	_ =	swait.ge [sflag:s29], $0x1  }
0xc3: {  	[sflag:s29] =	ssyncadd.s32 $0xFFFFFFFF  }
0xc4: {  	_ =	strace $0x90000057  }
0xc5: {  	_ =	sfence  }
0xc6: {  	s30 =	sld [smem:$0x0];
	_ =	sdelay $0x2  }
0xc7: {  	s31 =	sshll.u32 s1, $0xD;
	s1 =	sshrl.u32 s1, $0x2  }
0xc8: {  	s4 =	sand.u32 $0x4000, s31;
	s1 =	sadd.s32 s1, s30  }
0xc9: {  	s0 =	sor.u32 s4, s0;
	s1 =	sshll.u32 s1, $0x11  }
0xca: {  	s0 =	sor.u32 s1, s0  }
0xcb: {  	s0 =	sadd.s32 $0x8F2B, s0  }
0xcc: {  	[sflag:s0] =	ssyncadd.remote.s32 $0x1  }
0xcd: {  	_ =	sfence.sel $0xFFFF  }
0xce: {  	[dreg:$0x0] =	wrdreg $0xFFFFFFFF;
	(pc) =	sbr.abs _section_cstart, $3  }
0xcf: {  	[dreg:$0x1] =	wrdreg $0xFFFFFFFF  }
0xd0: {  	_ =	task.clear_ibuf [dreg:s22], $0x2FFFF;
	_ =	strace $0x9FFFFFFF  }
0xd1: {  	(tm) =	ssettm $0x7FFFFFFF  }
tec
execute0_lowered:
.L_overlay_start_1:
0x0: {  	(tag) =	ssettag $0x1  }
0x1: {  	s1 =	srdreg.scid  }
0x2: {  	s2 =	rddreg [dreg:$0x0];
	s0 =	stileid.u32  }
0x3: {  	s4 =	rddreg [dreg:$0x1];
	s3 =	simm.s32 $0x0;
	s8 =	simm.s32 $0x80  }
0x4: {  	s26 =	simm.s32 $0x880;
	s9 =	simm.s32 $0x1080;
	s10 =	simm.s32 $0x1880  }
0x5: {  	s11 =	simm.s32 $0x2080;
	s12 =	simm.s32 $0x2880;
	s13 =	simm.s32 $0x3080  }
0x6: {  	s14 =	simm.s32 $0x3880;
	s15 =	simm.s32 $0x4080;
	s16 =	simm.s32 $0x4880  }
0x7: {  	s17 =	simm.s32 $0x5080;
	s18 =	simm.s32 $0x5880;
	s19 =	simm.s32 $0x6080  }
0x8: {  	s20 =	simm.s32 $0x6880;
	s21 =	simm.s32 $0x7080;
	s22 =	simm.s32 $0x7880  }
0x9: {  	s23 =	simm.s32 $0x8080;
	s24 =	simm.s32 $0x8880;
	s28 =	simm.s32 $0xA080  }
0xa: {  	s29 =	simm.s32 $0xA880;
	s30 =	simm.s32 $0xB080;
	s31 =	simm.s32 $0xB880  }
0xb: {  	s1 =	sand.u32 $0x1, s1;
	s5 =	sshll.u32 s0, $0x4;
	[smem:$0x7FF] =	sst s3  }
0xc: {  	s6 =	sshll.u32 s1, $0x3;
	s1 =	ssub.s32 $0x2, s1;
	_ =	strace $0x80000056  }
0xd: {  	[dreg:$0x5] =	wrdreg s26;
	s26 =	simm.s32 $0x9880;
	s5 =	sor.u32 s6, s5  }
0xe: {  	s7 =	sshrl.u32 s1, $0x1;
	s6 =	smul.u32 $0x300, s5;
	s5 =	sadd.s32 s5, s4  }
0xf: {  	s1 =	ssub.s32 s1, s7;
	s7 =	simm.s32 $0x2;
	s25 =	sadd.s32 $0x74800, s5  }
0x10: {  	v2 =	vlaneseq.u32;
	s5 =	sadd.s32 $0x200, s2;
	s6 =	sadd.s32 s6, s4;
	[dreg:$0x3] =	wrdreg s25  }
0x11: {  	vm0 =	vmmov $0xffff;
	v1 =	vshrl.u32 v2, $0x3;
	s4 =	sadd.s32 $0x100, s2;
	s25 =	simm.s32 $0x9080;
	s6 =	sadd.s32 $0xA4A00, s6  }
0x12: {  	v0 =	vand.u32 $0x7, v2;
	v2 =	vor.u32 $0x8, v2;
	v1 =	vmul.u32 $0x8, v1;
	[dreg:$0x4] =	wrdreg s6;
	s6 =	smax.u32 s1, $0x1;
	s1 =	simm.s32 $0x1  }
.LBB2_1:
0x13: {  	s0 =	rddreg [dreg:$0x3]  }
0x14: {  	[tilespmem:s3], [sflag:$0x2] =	stream.linear.gather [hbm4b:s0+s3], $0x40, $0x38;
	[tilespmem:$0xC080] =	vst v63  }
0x15: {  	_ =	swait.ge [sflag:s7], $0x40  }
0x16: {  	[sflag:s7] =	ssyncset.done $0x0  }
0x17: {  	[sflag:s7] =	ssyncadd.s32 $0xFFFFFFC0  }
0x18: {  	v3 =	vld [tilespmem:$0x0];
	_ =	sdelay $0x4  }
0x19: {  	v4 =	vshrl.u32 v3, $0x3  }
0x1a: {  	v4 =	vmul.u32 $0x30, v4  }
0x1b: {  	v3 =	vand.u32 $0x7, v3  }
0x1c: {  	v3 =	vor.u32 v3, v4  }
0x1d: {  	v4 =	vperm.xlane v3, v0;
	_ =	sdelay $0x1  }
0x1e: {  	v4 =	vadd.s32 v1, v4;
	_ =	sdelay $0x3  }
0x1f: {  	v3 =	vperm.xlane v3, v2  }
0x20: {  	[tilespmem:s8], [sflag:$0x1] =	stream.indirect_vreg.gather [hbm4b:s2+s3], $0x80, v4, vm0, $0xb8;
	[tilespmem:$0xC080] =	vst v63  }
0x21: {  	s0 =	rddreg [dreg:$0x5];
	v3 =	vadd.s32 v1, v3  }
0x22: {  	[tilespmem:s0], [sflag:$0x1] =	stream.indirect_vreg.gather [hbm4b:s4+s3], $0x80, v4, vm0, $0xb8;
	[tilespmem:$0xC080] =	vst v63  }
0x23: {  	_ = 	snop  }
0x24: {  	[tilespmem:s9], [sflag:$0x1] =	stream.indirect_vreg.gather [hbm4b:s5+s3], $0x80, v4, vm0, $0xb8;
	[tilespmem:$0xC080] =	vst v63  }
0x25: {  	_ = 	snop  }
0x26: {  	[tilespmem:s10], [sflag:$0x1] =	stream.indirect_vreg.gather [hbm4b:s2+s3], $0x80, v3, vm0, $0xb8;
	[tilespmem:$0xC080] =	vst v63  }
0x27: {  	_ = 	snop  }
0x28: {  	[tilespmem:s11], [sflag:$0x1] =	stream.indirect_vreg.gather [hbm4b:s4+s3], $0x80, v3, vm0, $0xb8;
	[tilespmem:$0xC080] =	vst v63  }
0x29: {  	_ = 	snop  }
0x2a: {  	[tilespmem:s12], [sflag:$0x1] =	stream.indirect_vreg.gather [hbm4b:s5+s3], $0x80, v3, vm0, $0xb8;
	[tilespmem:$0xC080] =	vst v63  }
0x2b: {  	v3 =	vld [tilespmem:$0x10];
	_ =	sdelay $0x4  }
0x2c: {  	v61 =	vshrl.u32 v3, $0x3  }
0x2d: {  	v4 =	vmul.u32 $0x30, v61  }
0x2e: {  	v3 =	vand.u32 $0x7, v3  }
0x2f: {  	v3 =	vor.u32 v3, v4  }
0x30: {  	v4 =	vperm.xlane v3, v0;
	_ =	sdelay $0x1  }
0x31: {  	v4 =	vadd.s32 v1, v4;
	_ =	sdelay $0x3  }
0x32: {  	v3 =	vperm.xlane v3, v2  }
0x33: {  	[tilespmem:s13], [sflag:$0x1] =	stream.indirect_vreg.gather [hbm4b:s2+s3], $0x80, v4, vm0, $0xb8;
	[tilespmem:$0xC080] =	vst v63  }
0x34: {  	v3 =	vadd.s32 v1, v3  }
0x35: {  	[tilespmem:s14], [sflag:$0x1] =	stream.indirect_vreg.gather [hbm4b:s4+s3], $0x80, v4, vm0, $0xb8;
	[tilespmem:$0xC080] =	vst v63  }
0x36: {  	_ = 	snop  }
0x37: {  	[tilespmem:s15], [sflag:$0x1] =	stream.indirect_vreg.gather [hbm4b:s5+s3], $0x80, v4, vm0, $0xb8;
	[tilespmem:$0xC080] =	vst v63  }
0x38: {  	_ = 	snop  }
0x39: {  	[tilespmem:s16], [sflag:$0x1] =	stream.indirect_vreg.gather [hbm4b:s2+s3], $0x80, v3, vm0, $0xb8;
	[tilespmem:$0xC080] =	vst v63  }
0x3a: {  	_ = 	snop  }
0x3b: {  	[tilespmem:s17], [sflag:$0x1] =	stream.indirect_vreg.gather [hbm4b:s4+s3], $0x80, v3, vm0, $0xb8;
	[tilespmem:$0xC080] =	vst v63  }
0x3c: {  	_ = 	snop  }
0x3d: {  	[tilespmem:s18], [sflag:$0x1] =	stream.indirect_vreg.gather [hbm4b:s5+s3], $0x80, v3, vm0, $0xb8;
	[tilespmem:$0xC080] =	vst v63  }
0x3e: {  	v3 =	vld [tilespmem:$0x20];
	_ =	sdelay $0x4  }
0x3f: {  	v62 =	vshrl.u32 v3, $0x3  }
0x40: {  	v4 =	vmul.u32 $0x30, v62  }
0x41: {  	v3 =	vand.u32 $0x7, v3  }
0x42: {  	v3 =	vor.u32 v3, v4  }
0x43: {  	v4 =	vperm.xlane v3, v0;
	_ =	sdelay $0x1  }
0x44: {  	v4 =	vadd.s32 v1, v4;
	_ =	sdelay $0x3  }
0x45: {  	v3 =	vperm.xlane v3, v2  }
0x46: {  	[tilespmem:s19], [sflag:$0x1] =	stream.indirect_vreg.gather [hbm4b:s2+s3], $0x80, v4, vm0, $0xb8;
	[tilespmem:$0xC080] =	vst v63  }
0x47: {  	v3 =	vadd.s32 v1, v3  }
0x48: {  	[tilespmem:s20], [sflag:$0x1] =	stream.indirect_vreg.gather [hbm4b:s4+s3], $0x80, v4, vm0, $0xb8;
	[tilespmem:$0xC080] =	vst v63  }
0x49: {  	_ = 	snop  }
0x4a: {  	[tilespmem:s21], [sflag:$0x1] =	stream.indirect_vreg.gather [hbm4b:s5+s3], $0x80, v4, vm0, $0xb8;
	[tilespmem:$0xC080] =	vst v63  }
0x4b: {  	_ = 	snop  }
0x4c: {  	[tilespmem:s22], [sflag:$0x1] =	stream.indirect_vreg.gather [hbm4b:s2+s3], $0x80, v3, vm0, $0xb8;
	[tilespmem:$0xC080] =	vst v63  }
0x4d: {  	_ = 	snop  }
0x4e: {  	[tilespmem:s23], [sflag:$0x1] =	stream.indirect_vreg.gather [hbm4b:s4+s3], $0x80, v3, vm0, $0xb8;
	[tilespmem:$0xC080] =	vst v63  }
0x4f: {  	_ = 	snop  }
0x50: {  	[tilespmem:s24], [sflag:$0x1] =	stream.indirect_vreg.gather [hbm4b:s5+s3], $0x80, v3, vm0, $0xb8;
	[tilespmem:$0xC080] =	vst v63  }
0x51: {  	v3 =	vld [tilespmem:$0x30];
	_ =	sdelay $0x4  }
0x52: {  	v63 =	vshrl.u32 v3, $0x3  }
0x53: {  	v4 =	vmul.u32 $0x30, v63  }
0x54: {  	v3 =	vand.u32 $0x7, v3  }
0x55: {  	v3 =	vor.u32 v3, v4  }
0x56: {  	v4 =	vperm.xlane v3, v0;
	_ =	sdelay $0x1  }
0x57: {  	v4 =	vadd.s32 v1, v4;
	_ =	sdelay $0x3  }
0x58: {  	v3 =	vperm.xlane v3, v2  }
0x59: {  	[tilespmem:s25], [sflag:$0x1] =	stream.indirect_vreg.gather [hbm4b:s2+s3], $0x80, v4, vm0, $0xb8;
	[tilespmem:$0xC080] =	vst v63  }
0x5a: {  	v3 =	vadd.s32 v1, v3  }
0x5b: {  	[tilespmem:s26], [sflag:$0x1] =	stream.indirect_vreg.gather [hbm4b:s4+s3], $0x80, v4, vm0, $0xb8;
	[tilespmem:$0xC080] =	vst v63  }
0x5c: {  	_ = 	snop  }
0x5d: {  	[tilespmem:s28], [sflag:$0x1] =	stream.indirect_vreg.gather [hbm4b:s5+s3], $0x80, v4, vm0, $0xb8;
	[tilespmem:$0xC080] =	vst v63  }
0x5e: {  	_ = 	snop  }
0x5f: {  	[tilespmem:s29], [sflag:$0x1] =	stream.indirect_vreg.gather [hbm4b:s2+s3], $0x80, v3, vm0, $0xb8;
	[tilespmem:$0xC080] =	vst v63  }
0x60: {  	_ = 	snop  }
0x61: {  	[tilespmem:s30], [sflag:$0x1] =	stream.indirect_vreg.gather [hbm4b:s4+s3], $0x80, v3, vm0, $0xb8;
	[tilespmem:$0xC080] =	vst v63  }
0x62: {  	_ = 	snop  }
0x63: {  	[tilespmem:s31], [sflag:$0x1] =	stream.indirect_vreg.gather [hbm4b:s5+s3], $0x80, v3, vm0, $0xb8;
	[tilespmem:$0xC080] =	vst v63  }
0x64: {  	_ =	swait.ge [sflag:s1], $0xC000  }
0x65: {  	p0 =	sne.s32 s6, $0x1;
	[sflag:s1] =	ssyncset.done $0x0  }
.Ltmp0:
0x66: {  	s0 =	rddreg [dreg:$0x4];
	[sflag:s1] =	ssyncadd.s32 $0xFFFF4000;
	(pc) =	sbr.rel @p0 .LBB2_1-.Ltmp0, $4  }
0x67: {  	[hbm4b:s0+s3] =	stream.linear.scatter [tilespmem:s8], [sflag:$0x2], $0xC000, $0x38;
	[tilespmem:$0xC080] =	vst v63  }
0x68: {  	_ =	swait.ge [sflag:s7], $0xC000  }
0x69: {  	[sflag:s7] =	ssyncset.done $0x0  }
0x6a: {  	s6 =	sadd.s32 $0xFFFFFFFF, s6;
	[sflag:s7] =	ssyncadd.s32 $0xFFFF4000  }
0x6b: {  	_ =	sfence.sel $0x180000  }
0x6c: {  	[bflag:$0x0] =	sbarrier.arrive $0xFFFF  }
0x6d: {  	_ =	strace $0x90000056  }
0x6e: {  	s0 =	stileid.u32;
	[bflag:$0x2] =	sbarrier.arrive $0xFFFF  }
0x6f: {  	p0 =	sne.s32 s0, $0x0;
	s0 =	rddreg [dreg:$0x2]  }
0x70: {  	s0 =	sadd.s32 @!p0 $0x100000, s0  }
0x71: {  	[sflag:s0] =	ssyncadd.tile.s32 @!p0 $0x1;
	_ =	shalt  }
.Lfunc_end2:
_tile_overlayer_lowered:
.L_overlay_start_2:
0x72: {  	(tag) =	ssettag $0x2  }
0x73: {  	s0 =	rddreg [dreg:$0x0];
	s2 =	stileid.u32  }
0x74: {  	s1 =	rddreg [dreg:$0x1];
	p0 =	sne.s32 s2, $0x0  }
0x75: {  	s3 =	rddreg [dreg:$0x2];
	[bflag:$0x3] =	sbarrier.arrive $0xFFFF;
	s2 =	simm.s32 @!p0 $0x1C02  }
0x76: {  	[timem:s3], [sflag:s2] =	dma.local @!p0 [hbm:s0], s1  }
0x77: {  	s0 =	simm.s32 @!p0 $0x2  }
0x78: {  	_ =	swait.ge @!p0 [sflag:s0], s1  }
0x79: {  	s1 =	ssub.s32 @!p0 $0x0, s1;
	[sflag:s0] =	ssyncset.done @!p0 $0x0  }
0x7a: {  	[sflag:s0] =	ssyncadd.s32 @!p0 s1  }
0x7b: {  	[bflag:$0x3] =	sbarrier.arrive $0xFFFF  }
0x7c: {  	_ =	shalt  }

// kernel: kernel.29.cloned.1.call-start
scs
__scs_entry_jumppad:
0x0: {  	(pc) =	sbr.rel $0x88, $3  }
0x1: {  	(tag) =	ssettag $0x0;
	lr =	simm.s32 $0x1  }
0x2: {  	[smem:$0x3F95] =	sst lr;
	_ =	strace $0xD0000000  }
0x3: {  	_ = 	snop  }
0x4: {  	_ = 	snop  }
0x5: {  	_ = 	snop  }
0x6: {  	_ = 	snop  }
0x7: {  	_ = 	snop  }
__scs_overlays_trampoline_lowered:
0x8: {  	[smem:$0x3FA4] =	sst s0  }
0x9: {  	[smem:$0x3FA5] =	sst s1  }
0xa: {  	[smem:$0x3FA6] =	sst s2  }
0xb: {  	[smem:$0x3FA7] =	sst s3  }
0xc: {  	[smem:$0x3FA8] =	sst s4  }
0xd: {  	[smem:$0x3FA9] =	sst s5  }
0xe: {  	[smem:$0x3FAA] =	sst s6  }
0xf: {  	[smem:$0x3FAB] =	sst s7  }
0x10: {  	[smem:$0x3FAC] =	sst s8  }
0x11: {  	[smem:$0x3FAD] =	sst s9;
	s0 =	simm.s32 @!p0 $0x0  }
0x12: {  	s1 =	sld [smem:$0x3F93];
	s0 =	simm.s32 @p0 $0x1  }
0x13: {  	[smem:$0x3FAE] =	sst s0;
	s0 =	simm.s32 @!p1 $0x0  }
0x14: {  	s2 =	sld [smem:$0x3F92];
	s0 =	simm.s32 @p1 $0x1  }
0x15: {  	[smem:$0x3FAF] =	sst s0;
	s0 =	simm.s32 @!p2 $0x0  }
0x16: {  	s3 =	sld [smem:$0x3FDB];
	s0 =	simm.s32 @p2 $0x1  }
0x17: {  	s4 =	simm.s32 $0x1BF5;
	[smem:$0x3FB1] =	sst s0  }
0x18: {  	s0 =	sld [smem:$0x3F94];
	_ =	swait.ge [sflag:s4], $0x0  }
0x19: {  	s7 =	sld [smem:$0x3F95]  }
0x1a: {  	s8 =	sadd.s32 $0xFFFFE003, lr  }
0x1b: {  	s9 =	sadd.s32 $0xFFFFFEF7, lr;
	s5 =	simm.s32 $0xFFFFFFFF;
	p2 =	slt.u32 s8, $0xFFFFF086  }
0x1c: {  	p1 =	slt.u32 s9, $0xF7A;
	s5 =	simm.s32 @!p2 $0x0  }
0x1d: {  	s5 =	simm.s32 @p1 $0x1;
	p0 =	seq.s32 s7, s2  }
0x1e: {  	s7 =	smul.u32 @!p0 $0xF7A, s2;
	p2 =	seq.s32 @!p0 s5, $0x0  }
0x1f: {  	s9 =	smul.u32 $0xF7A, s1;
	s8 =	simm.s32 @!p0 $0x1BF5;
	p2 =	por !p2, p0  }
0x20: {  	[sflag:s8] =	ssyncset.s32 @!p0 $0xFFFFF086;
	s6 =	sadd.s32 @!p0 s3, s7;
	s7 =	simm.s32 @!p0 $0x108  }
0x21: {  	s3 =	sadd.s32 s3, s9;
	s6 =	sadd.s32 @!p0 $0x88, s6;
	s7 =	simm.s32 @p2 $0x1082  }
0x22: {  	[simem:s7], [sflag:s8] =	dma.local @!p0 [hbm:s6], $0xF7A  }
0x23: {  	s9 =	sor.u32 $0xD0000000, s2;
	s6 =	simm.s32 $0x108;
	_ =	swait.ge @!p0 [sflag:s8], $0x0  }
0x24: {  	s3 =	sadd.s32 $0x88, s3;
	s6 =	simm.s32 @!p1 $0x1082;
	[sflag:s4] =	ssyncset.s32 $0xFFFFF086  }
0x25: {  	[simem:s6], [sflag:s4] =	dma.local [hbm:s3], $0xF7A  }
0x26: {  	[smem:$0x3F95] =	sst s1;
	(tag) =	ssettag s2;
	_ =	strace s9  }
0x27: {  	s1 =	sld [smem:$0x3FA5]  }
0x28: {  	s2 =	sld [smem:$0x3FA6]  }
0x29: {  	s4 =	sld [smem:$0x3FA8]  }
0x2a: {  	p0 =	seq.s32 s5, $0x0;
	s5 =	sld [smem:$0x3FA9]  }
0x2b: {  	s6 =	sld [smem:$0x3FAA]  }
0x2c: {  	s7 =	sld [smem:$0x3FAB]  }
0x2d: {  	s3 =	simm.s32 $0x108;
	s8 =	sld [smem:$0x3FAC]  }
0x2e: {  	s3 =	simm.s32 @!p0 $0x1082;
	s9 =	sld [smem:$0x3FAD]  }
0x2f: {  	lr =	sadd.s32 s0, s3;
	s0 =	sld [smem:$0x3FA4]  }
0x30: {  	s3 =	sld [smem:$0x3FA7]  }
0x31: {  	[smem:$0x3FB0] =	sst s10  }
0x32: {  	s10 =	sld [smem:$0x3FAE];
	_ =	sdelay $0x3  }
0x33: {  	p0 =	seq.s32 s10, $0x1;
	s10 =	sld [smem:$0x3FB0];
	_ =	sdelay $0x3  }
0x34: {  	[smem:$0x3FB0] =	sst s10  }
0x35: {  	s10 =	sld [smem:$0x3FAF];
	_ =	sdelay $0x3  }
0x36: {  	p1 =	seq.s32 s10, $0x1;
	s10 =	sld [smem:$0x3FB0];
	_ =	sdelay $0x3  }
0x37: {  	[smem:$0x3FB0] =	sst s10  }
0x38: {  	s10 =	sld [smem:$0x3FB1]  }
0x39: {  	_ = 	snop;
	(pc) =	sbr.ind lr, $3  }
0x3a: {  	_ = 	snop  }
0x3b: {  	_ = 	snop  }
0x3c: {  	p2 =	seq.s32 s10, $0x1;
	s10 =	sld [smem:$0x3FB0]  }
0x3d: {  	_ =	shalt  }
0x3e: {  	_ =	shalt  }
0x3f: {  	_ =	shalt  }
0x40: {  	_ =	shalt  }
0x41: {  	_ =	shalt  }
0x42: {  	_ =	shalt  }
0x43: {  	_ =	shalt  }
0x44: {  	_ =	shalt  }
0x45: {  	_ =	shalt  }
0x46: {  	_ =	shalt  }
0x47: {  	_ =	shalt  }
0x48: {  	_ =	shalt  }
0x49: {  	_ =	shalt  }
0x4a: {  	_ =	shalt  }
0x4b: {  	_ =	shalt  }
0x4c: {  	_ =	shalt  }
0x4d: {  	_ =	shalt  }
0x4e: {  	_ =	shalt  }
0x4f: {  	_ =	shalt  }
0x50: {  	_ =	shalt  }
0x51: {  	_ =	shalt  }
0x52: {  	_ =	shalt  }
0x53: {  	_ =	shalt  }
0x54: {  	_ =	shalt  }
0x55: {  	_ =	shalt  }
0x56: {  	_ =	shalt  }
0x57: {  	_ =	shalt  }
0x58: {  	_ =	shalt  }
0x59: {  	_ =	shalt  }
0x5a: {  	_ =	shalt  }
0x5b: {  	_ =	shalt  }
0x5c: {  	_ =	shalt  }
0x5d: {  	_ =	shalt  }
0x5e: {  	_ =	shalt  }
0x5f: {  	_ =	shalt  }
0x60: {  	_ =	shalt  }
0x61: {  	_ =	shalt  }
0x62: {  	_ =	shalt  }
0x63: {  	_ =	shalt  }
0x64: {  	_ =	shalt  }
0x65: {  	_ =	shalt  }
0x66: {  	_ =	shalt  }
0x67: {  	_ =	shalt  }
0x68: {  	_ =	shalt  }
0x69: {  	_ =	shalt  }
0x6a: {  	_ =	shalt  }
0x6b: {  	_ =	shalt  }
0x6c: {  	_ =	shalt  }
0x6d: {  	_ =	shalt  }
0x6e: {  	_ =	shalt  }
0x6f: {  	_ =	shalt  }
0x70: {  	_ =	shalt  }
0x71: {  	_ =	shalt  }
0x72: {  	_ =	shalt  }
0x73: {  	_ =	shalt  }
0x74: {  	_ =	shalt  }
0x75: {  	_ =	shalt  }
0x76: {  	_ =	shalt  }
0x77: {  	_ =	shalt  }
0x78: {  	_ =	shalt  }
0x79: {  	_ =	shalt  }
0x7a: {  	_ =	shalt  }
0x7b: {  	_ =	shalt  }
0x7c: {  	_ =	shalt  }
0x7d: {  	_ =	shalt  }
0x7e: {  	_ =	shalt  }
0x7f: {  	_ =	shalt  }
0x80: {  	_ =	shalt  }
0x81: {  	_ =	shalt  }
0x82: {  	_ =	shalt  }
0x83: {  	_ =	shalt  }
0x84: {  	_ =	shalt  }
0x85: {  	_ =	shalt  }
0x86: {  	_ =	shalt  }
0x87: {  	_ =	shalt  }
.Lfunc_end0:
.L_simem_size_0:
called_computation.5_lowered:
.L_overlay_start_0:
0x88: {  	s2 =	sld [smem:$0x3FD9]  }
0x89: {  	s3 =	sld [smem:$0x3FFE];
	_ =	sdelay $0x1  }
0x8a: {  	s1 =	srdreg.scid  }
0x8b: {  	s0 =	sand.u32 $0x1, s1  }
0x8c: {  	s17 =	sshll.u32 s0, $0xA;
	s2 =	sadd.s32 s3, s2  }
0x8d: {  	s2 =	sadd.s32 s2, s17  }
0x8e: {  	[smem:$0x3FBC] =	sst s2  }
0x8f: {  	_ = 	snop  }
0x90: {  	(tm) =	ssettm $0x1  }
0x91: {  	s18 =	sld [smem:$0x3FFB];
	_ =	sdelay $0x3  }
0x92: {  	_ =	strace s18  }
0x93: {  	s2 =	sld [smem:$0x3FFC];
	_ =	sdelay $0x3  }
0x94: {  	_ =	strace s2  }
0x95: {  	s2 =	sld [smem:$0x3FFD];
	_ =	sdelay $0x3  }
0x96: {  	_ =	strace s2  }
0x97: {  	_ =	strace $0x8FFFFFFF  }
0x98: {  	s19 =	sld [smem:$0x3FDB];
	_ =	sdelay $0x1  }
0x99: {  	s20 =	simm.s32 $_scs_section_size  }
0x9a: {  	s4 =	simm.s32 $_size__tile_overlayer_lowered;
	s5 =	simm.s32 $_tile_overlayer_lowered  }
0x9b: {  	s6 =	simm.s32 $0x1BFF;
	s21 =	sshll.u32 s5, $0x1;
	s3 =	sadd.s32 s20, s19  }
0x9c: {  	s22 =	simm.s32 $0x0;
	s4 =	sshll.u32 s4, $0x1;
	s5 =	sadd.s32 s21, s3  }
0x9d: {  	[timem:s22], [sflag:s6] =	dma.local [hbm:s5], s4  }
0x9e: {  	_ =	swait.ge [sflag:s6], s4  }
0x9f: {  	s4 =	ssub.s32 $0x0, s4;
	[sflag:s6] =	ssyncset.done $0x0  }
0xa0: {  	[sflag:s6] =	ssyncadd.s32 s4;
	_ =	sdelay $0x1  }
0xa1: {  	s23 =	simm.s32 $0x1B8B  }
0xa2: {  	_ =	swait.ge [sflag:s23], $0x1  }
0xa3: {  	[sflag:s23] =	ssyncset.done $0x0  }
0xa4: {  	[sflag:s23] =	ssyncadd.s32 $0xFFFFFFFF  }
0xa5: {  	s4 =	sld [smem:$0x0]  }
0xa6: {  	s5 =	sand.u32 $0xFFFFFFFE, s1  }
0xa7: {  	p0 =	sne.s32 s1, s5  }
0xa8: {  	s5 =	sshll.u32 @p0 s5, $0xE  }
0xa9: {  	s5 =	sadd.s32 @p0 $0x11B8D, s5;
	s6 =	sshll.u32 @p0 s4, $0x11  }
0xaa: {  	s5 =	sor.u32 @p0 s6, s5  }
0xab: {  	[sflag:s5] =	ssyncadd.remote.s32 @p0 $0x1;
	_ =	sdelay $0x1  }
0xac: {  	s5 =	simm.s32 @p0 $0x1B8D  }
0xad: {  	_ =	swait.eq @p0 [sflag:s5], $0x1  }
0xae: {  	[sflag:s5] =	ssyncadd.s32 @p0 $0xFFFFFFFF  }
0xaf: {  	s6 =	sshll.u32 @!p0 s1, $0xE  }
0xb0: {  	s6 =	sor.u32 @!p0 $0x4000, s6;
	s5 =	simm.s32 @!p0 $0x1B8D  }
0xb1: {  	s4 =	sshll.u32 @!p0 s4, $0x11;
	s6 =	sadd.s32 @!p0 $0x11B8D, s6;
	_ =	swait.eq @!p0 [sflag:s5], $0x1  }
0xb2: {  	s4 =	sor.u32 @!p0 s4, s6;
	[sflag:s5] =	ssyncadd.s32 @!p0 $0xFFFFFFFF  }
0xb3: {  	s25 =	simm.s32 $0x1B8E;
	s24 =	sld [smem:$0x3FFE];
	[sflag:s4] =	ssyncadd.remote.s32 @!p0 $0x1  }
0xb4: {  	s26 =	simm.s32 $execute0_lowered;
	[smem:$0x3FD2] =	sst s25  }
0xb5: {  	s5 =	sshll.u32 s26, $0x1;
	_ =	strace $0x80000052;
	[dreg:$0x1] =	wrdreg $0xFFFFFFFF  }
0xb6: {  	s28 =	simm.s32 $_size_execute0_lowered;
	s3 =	sadd.s32 s3, s5;
	[dreg:$0x0] =	wrdreg $0x0  }
0xb7: {  	s5 =	sshll.u32 s28, $0x1;
	[dreg:$0x2] =	wrdreg s3  }
0xb8: {  	[dreg:$0x3] =	wrdreg s5  }
0xb9: {  	[dreg:$0x4] =	wrdreg $0xC0  }
0xba: {  	_ =	task [dreg:s22], $0x5FFFF  }
0xbb: {  	[dreg:$0x1] =	wrdreg $0xFFFFFFFF  }
0xbc: {  	[dreg:$0x0] =	wrdreg $0x60  }
0xbd: {  	[dreg:$0x2] =	wrdreg s24  }
0xbe: {  	[dreg:$0x3] =	wrdreg $0xA  }
0xbf: {  	_ =	task.clear_ibuf [dreg:s22], $0x4FFFF;
	_ =	strace $0x90000052  }
0xc0: {  	s29 =	simm.s32 $0xA;
	_ =	strace $0x80000054  }
0xc1: {  	_ =	swait.ge [sflag:s29], $0x1  }
0xc2: {  	[sflag:s29] =	ssyncadd.s32 $0xFFFFFFFF  }
0xc3: {  	_ =	strace $0x90000054  }
0xc4: {  	_ =	sfence  }
0xc5: {  	s30 =	sld [smem:$0x0];
	_ =	sdelay $0x2  }
0xc6: {  	s31 =	sshll.u32 s1, $0xD;
	s1 =	sshrl.u32 s1, $0x2  }
0xc7: {  	s4 =	sand.u32 $0x4000, s31;
	s1 =	sadd.s32 s1, s30  }
0xc8: {  	s0 =	sor.u32 s4, s0;
	s1 =	sshll.u32 s1, $0x11  }
0xc9: {  	s0 =	sor.u32 s1, s0  }
0xca: {  	s0 =	sadd.s32 $0x8F2B, s0  }
0xcb: {  	[sflag:s0] =	ssyncadd.remote.s32 $0x1  }
0xcc: {  	_ =	sfence.sel $0xFFFF  }
0xcd: {  	[dreg:$0x0] =	wrdreg $0xFFFFFFFF;
	(pc) =	sbr.abs _section_cstart, $3  }
0xce: {  	[dreg:$0x1] =	wrdreg $0xFFFFFFFF  }
0xcf: {  	_ =	task.clear_ibuf [dreg:s22], $0x2FFFF;
	_ =	strace $0x9FFFFFFF  }
0xd0: {  	(tm) =	ssettm $0x7FFFFFFF  }
0xd1: {  	_ =	shalt  }
tec
execute0_lowered:
.L_overlay_start_1:
0x0: {  	(tag) =	ssettag $0x1  }
0x1: {  	s0 =	rddreg [dreg:$0x0]  }
0x2: {  	s2 =	srdreg.scid;
	s1 =	stileid.u32  }
0x3: {  	s8 =	simm.s32 $0x80;
	s26 =	simm.s32 $0x880;
	s9 =	simm.s32 $0x1080  }
0x4: {  	s10 =	simm.s32 $0x1880;
	s11 =	simm.s32 $0x2080;
	s12 =	simm.s32 $0x2880  }
0x5: {  	s13 =	simm.s32 $0x3080;
	s14 =	simm.s32 $0x3880;
	s15 =	simm.s32 $0x4080  }
0x6: {  	s16 =	simm.s32 $0x4880;
	s17 =	simm.s32 $0x5080;
	s18 =	simm.s32 $0x5880  }
0x7: {  	s19 =	simm.s32 $0x6080;
	s20 =	simm.s32 $0x6880;
	s21 =	simm.s32 $0x7080  }
0x8: {  	s22 =	simm.s32 $0x7880;
	s23 =	simm.s32 $0x8080;
	s24 =	simm.s32 $0x8880  }
0x9: {  	s28 =	simm.s32 $0xA080;
	s29 =	simm.s32 $0xA880;
	s30 =	simm.s32 $0xB080  }
0xa: {  	s31 =	simm.s32 $0xB880;
	s3 =	sand.u32 $0x1, s2;
	s2 =	simm.s32 $0x0  }
0xb: {  	s4 =	sshll.u32 s1, $0x4;
	s5 =	sshll.u32 s3, $0x3;
	[smem:$0x7FF] =	sst s2  }
0xc: {  	s6 =	ssub.s32 $0x2, s3;
	s3 =	sadd.s32 $0x74A00, s0;
	s4 =	sor.u32 s5, s4  }
0xd: {  	_ =	strace $0x80000053;
	s7 =	sshrl.u32 s6, $0x1;
	[dreg:$0x4] =	wrdreg s26  }
0xe: {  	s26 =	simm.s32 $0x9880;
	s5 =	smul.u32 $0x300, s4;
	s4 =	sadd.s32 s4, s0  }
0xf: {  	s6 =	ssub.s32 s6, s7;
	s7 =	simm.s32 $0x2;
	s4 =	sadd.s32 $0x74600, s4  }
0x10: {  	v2 =	vlaneseq.u32;
	s6 =	smax.u32 s6, $0x1;
	s5 =	sadd.s32 s5, s0;
	[dreg:$0x2] =	wrdreg s4  }
0x11: {  	vm0 =	vmmov $0xffff;
	v1 =	vshrl.u32 v2, $0x3;
	s4 =	sadd.s32 $0x74B00, s0;
	s25 =	sadd.s32 $0x44200, s5;
	s5 =	sadd.s32 $0x74C00, s0  }
0x12: {  	v0 =	vand.u32 $0x7, v2;
	v2 =	vor.u32 $0x8, v2;
	v1 =	vmul.u32 $0x8, v1;
	s0 =	simm.s32 $0x1;
	[dreg:$0x3] =	wrdreg s25;
	s25 =	simm.s32 $0x9080  }
.LBB2_1:
0x13: {  	s1 =	rddreg [dreg:$0x2]  }
0x14: {  	[tilespmem:s2], [sflag:$0x2] =	stream.linear.gather [hbm4b:s1+s2], $0x40, $0x38;
	[tilespmem:$0xC080] =	vst v63  }
0x15: {  	_ =	swait.ge [sflag:s7], $0x40  }
0x16: {  	[sflag:s7] =	ssyncset.done $0x0  }
0x17: {  	[sflag:s7] =	ssyncadd.s32 $0xFFFFFFC0  }
0x18: {  	v3 =	vld [tilespmem:$0x0];
	_ =	sdelay $0x4  }
0x19: {  	v4 =	vshrl.u32 v3, $0x3  }
0x1a: {  	v4 =	vmul.u32 $0x30, v4  }
0x1b: {  	v3 =	vand.u32 $0x7, v3  }
0x1c: {  	v3 =	vor.u32 v3, v4  }
0x1d: {  	v4 =	vperm.xlane v3, v0;
	_ =	sdelay $0x1  }
0x1e: {  	v4 =	vadd.s32 v1, v4;
	_ =	sdelay $0x3  }
0x1f: {  	v3 =	vperm.xlane v3, v2  }
0x20: {  	[tilespmem:s8], [sflag:$0x1] =	stream.indirect_vreg.gather [hbm4b:s3+s2], $0x80, v4, vm0, $0xb8;
	[tilespmem:$0xC080] =	vst v63  }
0x21: {  	s1 =	rddreg [dreg:$0x4];
	v3 =	vadd.s32 v1, v3  }
0x22: {  	[tilespmem:s1], [sflag:$0x1] =	stream.indirect_vreg.gather [hbm4b:s4+s2], $0x80, v4, vm0, $0xb8;
	[tilespmem:$0xC080] =	vst v63  }
0x23: {  	_ = 	snop  }
0x24: {  	[tilespmem:s9], [sflag:$0x1] =	stream.indirect_vreg.gather [hbm4b:s5+s2], $0x80, v4, vm0, $0xb8;
	[tilespmem:$0xC080] =	vst v63  }
0x25: {  	_ = 	snop  }
0x26: {  	[tilespmem:s10], [sflag:$0x1] =	stream.indirect_vreg.gather [hbm4b:s3+s2], $0x80, v3, vm0, $0xb8;
	[tilespmem:$0xC080] =	vst v63  }
0x27: {  	_ = 	snop  }
0x28: {  	[tilespmem:s11], [sflag:$0x1] =	stream.indirect_vreg.gather [hbm4b:s4+s2], $0x80, v3, vm0, $0xb8;
	[tilespmem:$0xC080] =	vst v63  }
0x29: {  	_ = 	snop  }
0x2a: {  	[tilespmem:s12], [sflag:$0x1] =	stream.indirect_vreg.gather [hbm4b:s5+s2], $0x80, v3, vm0, $0xb8;
	[tilespmem:$0xC080] =	vst v63  }
0x2b: {  	v3 =	vld [tilespmem:$0x10];
	_ =	sdelay $0x4  }
0x2c: {  	v61 =	vshrl.u32 v3, $0x3  }
0x2d: {  	v4 =	vmul.u32 $0x30, v61  }
0x2e: {  	v3 =	vand.u32 $0x7, v3  }
0x2f: {  	v3 =	vor.u32 v3, v4  }
0x30: {  	v4 =	vperm.xlane v3, v0;
	_ =	sdelay $0x1  }
0x31: {  	v4 =	vadd.s32 v1, v4;
	_ =	sdelay $0x3  }
0x32: {  	v3 =	vperm.xlane v3, v2  }
0x33: {  	[tilespmem:s13], [sflag:$0x1] =	stream.indirect_vreg.gather [hbm4b:s3+s2], $0x80, v4, vm0, $0xb8;
	[tilespmem:$0xC080] =	vst v63  }
0x34: {  	v3 =	vadd.s32 v1, v3  }
0x35: {  	[tilespmem:s14], [sflag:$0x1] =	stream.indirect_vreg.gather [hbm4b:s4+s2], $0x80, v4, vm0, $0xb8;
	[tilespmem:$0xC080] =	vst v63  }
0x36: {  	_ = 	snop  }
0x37: {  	[tilespmem:s15], [sflag:$0x1] =	stream.indirect_vreg.gather [hbm4b:s5+s2], $0x80, v4, vm0, $0xb8;
	[tilespmem:$0xC080] =	vst v63  }
0x38: {  	_ = 	snop  }
0x39: {  	[tilespmem:s16], [sflag:$0x1] =	stream.indirect_vreg.gather [hbm4b:s3+s2], $0x80, v3, vm0, $0xb8;
	[tilespmem:$0xC080] =	vst v63  }
0x3a: {  	_ = 	snop  }
0x3b: {  	[tilespmem:s17], [sflag:$0x1] =	stream.indirect_vreg.gather [hbm4b:s4+s2], $0x80, v3, vm0, $0xb8;
	[tilespmem:$0xC080] =	vst v63  }
0x3c: {  	_ = 	snop  }
0x3d: {  	[tilespmem:s18], [sflag:$0x1] =	stream.indirect_vreg.gather [hbm4b:s5+s2], $0x80, v3, vm0, $0xb8;
	[tilespmem:$0xC080] =	vst v63  }
0x3e: {  	v3 =	vld [tilespmem:$0x20];
	_ =	sdelay $0x4  }
0x3f: {  	v62 =	vshrl.u32 v3, $0x3  }
0x40: {  	v4 =	vmul.u32 $0x30, v62  }
0x41: {  	v3 =	vand.u32 $0x7, v3  }
0x42: {  	v3 =	vor.u32 v3, v4  }
0x43: {  	v4 =	vperm.xlane v3, v0;
	_ =	sdelay $0x1  }
0x44: {  	v4 =	vadd.s32 v1, v4;
	_ =	sdelay $0x3  }
0x45: {  	v3 =	vperm.xlane v3, v2  }
0x46: {  	[tilespmem:s19], [sflag:$0x1] =	stream.indirect_vreg.gather [hbm4b:s3+s2], $0x80, v4, vm0, $0xb8;
	[tilespmem:$0xC080] =	vst v63  }
0x47: {  	v3 =	vadd.s32 v1, v3  }
0x48: {  	[tilespmem:s20], [sflag:$0x1] =	stream.indirect_vreg.gather [hbm4b:s4+s2], $0x80, v4, vm0, $0xb8;
	[tilespmem:$0xC080] =	vst v63  }
0x49: {  	_ = 	snop  }
0x4a: {  	[tilespmem:s21], [sflag:$0x1] =	stream.indirect_vreg.gather [hbm4b:s5+s2], $0x80, v4, vm0, $0xb8;
	[tilespmem:$0xC080] =	vst v63  }
0x4b: {  	_ = 	snop  }
0x4c: {  	[tilespmem:s22], [sflag:$0x1] =	stream.indirect_vreg.gather [hbm4b:s3+s2], $0x80, v3, vm0, $0xb8;
	[tilespmem:$0xC080] =	vst v63  }
0x4d: {  	_ = 	snop  }
0x4e: {  	[tilespmem:s23], [sflag:$0x1] =	stream.indirect_vreg.gather [hbm4b:s4+s2], $0x80, v3, vm0, $0xb8;
	[tilespmem:$0xC080] =	vst v63  }
0x4f: {  	_ = 	snop  }
0x50: {  	[tilespmem:s24], [sflag:$0x1] =	stream.indirect_vreg.gather [hbm4b:s5+s2], $0x80, v3, vm0, $0xb8;
	[tilespmem:$0xC080] =	vst v63  }
0x51: {  	v3 =	vld [tilespmem:$0x30];
	_ =	sdelay $0x4  }
0x52: {  	v63 =	vshrl.u32 v3, $0x3  }
0x53: {  	v4 =	vmul.u32 $0x30, v63  }
0x54: {  	v3 =	vand.u32 $0x7, v3  }
0x55: {  	v3 =	vor.u32 v3, v4  }
0x56: {  	v4 =	vperm.xlane v3, v0;
	_ =	sdelay $0x1  }
0x57: {  	v4 =	vadd.s32 v1, v4;
	_ =	sdelay $0x3  }
0x58: {  	v3 =	vperm.xlane v3, v2  }
0x59: {  	[tilespmem:s25], [sflag:$0x1] =	stream.indirect_vreg.gather [hbm4b:s3+s2], $0x80, v4, vm0, $0xb8;
	[tilespmem:$0xC080] =	vst v63  }
0x5a: {  	v3 =	vadd.s32 v1, v3  }
0x5b: {  	[tilespmem:s26], [sflag:$0x1] =	stream.indirect_vreg.gather [hbm4b:s4+s2], $0x80, v4, vm0, $0xb8;
	[tilespmem:$0xC080] =	vst v63  }
0x5c: {  	_ = 	snop  }
0x5d: {  	[tilespmem:s28], [sflag:$0x1] =	stream.indirect_vreg.gather [hbm4b:s5+s2], $0x80, v4, vm0, $0xb8;
	[tilespmem:$0xC080] =	vst v63  }
0x5e: {  	_ = 	snop  }
0x5f: {  	[tilespmem:s29], [sflag:$0x1] =	stream.indirect_vreg.gather [hbm4b:s3+s2], $0x80, v3, vm0, $0xb8;
	[tilespmem:$0xC080] =	vst v63  }
0x60: {  	_ = 	snop  }
0x61: {  	[tilespmem:s30], [sflag:$0x1] =	stream.indirect_vreg.gather [hbm4b:s4+s2], $0x80, v3, vm0, $0xb8;
	[tilespmem:$0xC080] =	vst v63  }
0x62: {  	_ = 	snop  }
0x63: {  	[tilespmem:s31], [sflag:$0x1] =	stream.indirect_vreg.gather [hbm4b:s5+s2], $0x80, v3, vm0, $0xb8;
	[tilespmem:$0xC080] =	vst v63  }
0x64: {  	_ =	swait.ge [sflag:s0], $0xC000  }
0x65: {  	p0 =	sne.s32 s6, $0x1;
	[sflag:s0] =	ssyncset.done $0x0  }
.Ltmp0:
0x66: {  	s1 =	rddreg [dreg:$0x3];
	[sflag:s0] =	ssyncadd.s32 $0xFFFF4000;
	(pc) =	sbr.rel @p0 .LBB2_1-.Ltmp0, $4  }
0x67: {  	[hbm4b:s1+s2] =	stream.linear.scatter [tilespmem:s8], [sflag:$0x2], $0xC000, $0x38;
	[tilespmem:$0xC080] =	vst v63  }
0x68: {  	_ =	swait.ge [sflag:s7], $0xC000  }
0x69: {  	[sflag:s7] =	ssyncset.done $0x0  }
0x6a: {  	s6 =	sadd.s32 $0xFFFFFFFF, s6;
	[sflag:s7] =	ssyncadd.s32 $0xFFFF4000  }
0x6b: {  	_ =	sfence.sel $0x180000  }
0x6c: {  	[bflag:$0x0] =	sbarrier.arrive $0xFFFF  }
0x6d: {  	_ =	strace $0x90000053  }
0x6e: {  	s0 =	stileid.u32;
	[bflag:$0x2] =	sbarrier.arrive $0xFFFF  }
0x6f: {  	p0 =	sne.s32 s0, $0x0;
	s0 =	rddreg [dreg:$0x1]  }
0x70: {  	s0 =	sadd.s32 @!p0 $0x100000, s0  }
0x71: {  	[sflag:s0] =	ssyncadd.tile.s32 @!p0 $0x1;
	_ =	shalt  }
.Lfunc_end2:
_tile_overlayer_lowered:
.L_overlay_start_2:
0x72: {  	(tag) =	ssettag $0x2  }
0x73: {  	s0 =	rddreg [dreg:$0x0];
	s2 =	stileid.u32  }
0x74: {  	s1 =	rddreg [dreg:$0x1];
	p0 =	sne.s32 s2, $0x0  }
0x75: {  	s3 =	rddreg [dreg:$0x2];
	[bflag:$0x3] =	sbarrier.arrive $0xFFFF;
	s2 =	simm.s32 @!p0 $0x1C02  }
0x76: {  	[timem:s3], [sflag:s2] =	dma.local @!p0 [hbm:s0], s1  }
0x77: {  	s0 =	simm.s32 @!p0 $0x2  }
0x78: {  	_ =	swait.ge @!p0 [sflag:s0], s1  }
0x79: {  	s1 =	ssub.s32 @!p0 $0x0, s1;
	[sflag:s0] =	ssyncset.done @!p0 $0x0  }
0x7a: {  	[sflag:s0] =	ssyncadd.s32 @!p0 s1  }
0x7b: {  	[bflag:$0x3] =	sbarrier.arrive $0xFFFF  }
0x7c: {  	_ =	shalt  }

</sc_bundles>
